<compile_context>
chip_gen: v7x
topology: tpu7x:2x2x1
jax: 0.10.2.dev20260603
libtpu: 0.0.44.dev20260713+nightly
codegen_flags: <defaults>
</compile_context>

<pallas_src>
import jax
import jax.numpy as jnp
from jax import lax
from jax.experimental import pallas as pl
from jax.experimental.pallas import tpu as pltpu
from jax.experimental.pallas import tpu_sc as plsc

_B, _S, _D, _T = 4, 4096, 2048, 64
_N = _T + _S

_CR = 512
_NCH = _S // _CR
_NBUF = 8
_LAG = 4

_NC, _NS = 2, 16


def _tc_body(text, task, oe, buf, isem, osem):
    chunks = []
    for b in range(_B):
        chunks.append((task, b, 0, 0, _T))
        for j in range(_NCH):
            chunks.append((text, b, j * _CR, _T + j * _CR, _CR))

    n = len(chunks)

    def in_copy(k):
        src, sb, sr, dr, rows = chunks[k]
        return pltpu.make_async_copy(
            src.at[sb, pl.ds(sr, rows), :],
            buf.at[k % _NBUF, pl.ds(0, rows), :], isem.at[k % _NBUF])

    def out_copy(k):
        src, sb, sr, dr, rows = chunks[k]
        return pltpu.make_async_copy(
            buf.at[k % _NBUF, pl.ds(0, rows), :],
            oe.at[sb, pl.ds(dr, rows), :], osem.at[k % _NBUF])

    for k in range(n + _LAG):
        if k < n:
            if k >= _NBUF:
                out_copy(k - _NBUF).wait()
            in_copy(k).start()
        if k >= _LAG:
            j = k - _LAG
            in_copy(j).wait()
            out_copy(j).start()

    for k in range(n - _NBUF, n):
        out_copy(k).wait()


def _sc_body(mask, labels, om, ol, mbuf, lbuf, pbuf_m, pbuf_l):
    w = lax.axis_index("c") * _NS + lax.axis_index("s")

    @pl.when(w < _B)
    def _mask_labels():
        b = w
        for q in range(_T // 16):
            pbuf_m[pl.ds(q * 16, 16)] = jnp.ones((16,), jnp.int32)
            pbuf_l[pl.ds(q * 16, 16)] = jnp.full((16,), -100, jnp.int32)
        mrow = pl.multiple_of(b * _S, 8)
        orow = pl.multiple_of(b * _N, 8)
        orow_t = pl.multiple_of(b * _N + _T, 8)
        pltpu.sync_copy(pbuf_m, om.at[pl.ds(orow, _T)])
        pltpu.sync_copy(pbuf_l, ol.at[pl.ds(orow, _T)])
        pltpu.sync_copy(mask.at[pl.ds(mrow, _S)], mbuf)
        pltpu.sync_copy(mbuf, om.at[pl.ds(orow_t, _S)])
        pltpu.sync_copy(labels.at[pl.ds(mrow, _S)], lbuf)
        pltpu.sync_copy(lbuf, ol.at[pl.ds(orow_t, _S)])


@jax.jit
def _inject(text_embeds, attention_mask, labels, task_embeds):
    any_spec = pl.BlockSpec(memory_space=pl.ANY)

    oe = pl.pallas_call(
        _tc_body,
        in_specs=[any_spec, any_spec],
        out_specs=any_spec,
        out_shape=jax.ShapeDtypeStruct((_B, _N, _D), jnp.float32),
        scratch_shapes=[
            pltpu.VMEM((_NBUF, _CR, _D), jnp.float32),
            pltpu.SemaphoreType.DMA((_NBUF,)),
            pltpu.SemaphoreType.DMA((_NBUF,)),
        ],
    )(text_embeds, task_embeds)

    mesh = plsc.VectorSubcoreMesh(core_axis_name="c", subcore_axis_name="s",
                                  num_cores=_NC, num_subcores=_NS)
    om, ol = pl.kernel(
        _sc_body,
        out_type=(
            jax.ShapeDtypeStruct((_B * _N,), jnp.int32),
            jax.ShapeDtypeStruct((_B * _N,), jnp.int32),
        ),
        mesh=mesh,
        scratch_types=(
            pltpu.VMEM((_S,), jnp.int32),
            pltpu.VMEM((_S,), jnp.int32),
            pltpu.VMEM((_T,), jnp.int32),
            pltpu.VMEM((_T,), jnp.int32),
        ),
    )(attention_mask.reshape(-1), labels.reshape(-1))

    return oe, om.reshape(_B, _N), ol.reshape(_B, _N)


def kernel(text_embeds, attention_mask, labels, task_embeds):
    b, s, d = text_embeds.shape
    t = task_embeds.shape[1]
    assert (b, s, d, t) == (_B, _S, _D, _T)
    return _inject(text_embeds, attention_mask, labels, task_embeds)

# --- scband reference (transcript-rebuilt; emitter-appended) ---
"""Pipeline reference for scband-task-token-injector-41635412967859 (READ-ONLY COPY).

The authoritative reference and input builder live on the scoring server;
editing this copy changes nothing except your own understanding.
"""

import jax, jax.numpy as jnp
import numpy as np


def setup_inputs(seed: int = 0) -> dict:
    key = jax.random.key(seed)
    k1, k2, k3 = jax.random.split(key, 3)
    B, S, D, T = 4, 4096, 2048, 64
    return {
        "text_embeds": jax.random.normal(k1, (B, S, D), dtype=jnp.float32),
        "attention_mask": jnp.ones((B, S), dtype=jnp.int32),
        "labels": jax.random.randint(k2, (B, S), 0, 32000, dtype=jnp.int32),
        "task_embeds": jax.random.normal(k3, (B, T, D), dtype=jnp.float32),
    }


def reference(text_embeds, attention_mask, labels, task_embeds):
    # insert='prefix' -> pos = 0 for every row; the per-row torch loop
    # torch.cat([text[:0], task, text[0:]]) reduces to a batched prefix concat.
    b = text_embeds.shape[0]
    task_len = task_embeds.shape[1]
    ignore = jnp.full((b, task_len), -100, dtype=labels.dtype)
    task_mask = jnp.ones((b, task_len), dtype=attention_mask.dtype)
    new_embeds = jnp.concatenate([task_embeds, text_embeds], axis=1)
    new_mask = jnp.concatenate([task_mask, attention_mask], axis=1)
    new_labels = jnp.concatenate([ignore, labels], axis=1)
    return (new_embeds, new_mask, new_labels)

if __name__ == "__main__":
    import jax
    _d = setup_inputs()
    print(jax.jit(kernel)(*tuple(_d.values())))

</pallas_src>

<mosaic_0001>
#map = affine_map<(d0, d1) -> (0)>
module attributes {stable_mosaic.version = 14 : i64} {
  func.func @_sc_body(%arg0: i32, %arg1: i32, %arg2: memref<16384xi32, #tpu.memory_space<hbm>>, %arg3: memref<16384xi32, #tpu.memory_space<hbm>>, %arg4: memref<16640xi32, #tpu.memory_space<hbm>>, %arg5: memref<16640xi32, #tpu.memory_space<hbm>>, %arg6: memref<4096xi32, #tpu.memory_space<vmem>>, %arg7: memref<4096xi32, #tpu.memory_space<vmem>>, %arg8: memref<64xi32, #tpu.memory_space<vmem>>, %arg9: memref<64xi32, #tpu.memory_space<vmem>>) attributes {dimension_semantics = [#tpu.dimension_semantics<core_parallel>, #tpu.dimension_semantics<subcore_parallel>], iteration_bounds = array<i64: 2, 16>, scalar_prefetch = 0 : i64, scratch_operands = 4 : i64, tpu.core_type = #tpu.core_type<sc_vector_subcore>, window_params = [{transform_indices = #map}, {transform_indices = #map}, {transform_indices = #map}, {transform_indices = #map}]} {
    %mul3A = arith.constant 16 : i32
    %mul3A_0 = arith.muli %arg0, %mul3A : i32
    %add3A = arith.addi %mul3A_0, %arg1 : i32
    %lt3A = arith.constant 4 : i32
    %lt3A_1 = arith.cmpi slt, %add3A, %lt3A : i32
    %convert_element_type3A = arith.extui %lt3A_1 : i1 to i32
    %cond3A = arith.constant 0 : i32
    %cond3A_2 = arith.cmpi ne, %convert_element_type3A, %cond3A : i32
    scf.if %cond3A_2 {
      %broadcast_in_dim3A = arith.constant 1 : i32
      %broadcast_in_dim3A_3 = vector.broadcast %broadcast_in_dim3A : i32 to vector<16xi32>
      %swap3A = arith.constant 0 : index
      %swap3A_4 = tpu.vector_load %arg8[%swap3A] {strides = array<i32>} : memref<64xi32, #tpu.memory_space<vmem>>, vector<16xi32>,
      %swap3A_5 = vector.shape_cast %swap3A_4 : vector<16xi32> to vector<16xi32>
      %swap3A_6 = vector.shape_cast %broadcast_in_dim3A_3 : vector<16xi32> to vector<16xi32>
      tpu.vector_store %arg8[%swap3A], %swap3A_6 {strides = array<i32>} : memref<64xi32, #tpu.memory_space<vmem>>, vector<16xi32>,
      %broadcast_in_dim3A_7 = arith.constant -100 : i32
      %broadcast_in_dim3A_8 = vector.broadcast %broadcast_in_dim3A_7 : i32 to vector<16xi32>
      %swap3A_9 = arith.constant 0 : index
      %swap3A_10 = tpu.vector_load %arg9[%swap3A_9] {strides = array<i32>} : memref<64xi32, #tpu.memory_space<vmem>>, vector<16xi32>,
      %swap3A_11 = vector.shape_cast %swap3A_10 : vector<16xi32> to vector<16xi32>
      %swap3A_12 = vector.shape_cast %broadcast_in_dim3A_8 : vector<16xi32> to vector<16xi32>
      tpu.vector_store %arg9[%swap3A_9], %swap3A_12 {strides = array<i32>} : memref<64xi32, #tpu.memory_space<vmem>>, vector<16xi32>,
      %broadcast_in_dim3A_13 = arith.constant 1 : i32
      %broadcast_in_dim3A_14 = vector.broadcast %broadcast_in_dim3A_13 : i32 to vector<16xi32>
      %swap3A_15 = arith.constant 16 : index
      %swap3A_16 = tpu.vector_load %arg8[%swap3A_15] {strides = array<i32>} : memref<64xi32, #tpu.memory_space<vmem>>, vector<16xi32>,
      %swap3A_17 = vector.shape_cast %swap3A_16 : vector<16xi32> to vector<16xi32>
      %swap3A_18 = vector.shape_cast %broadcast_in_dim3A_14 : vector<16xi32> to vector<16xi32>
      tpu.vector_store %arg8[%swap3A_15], %swap3A_18 {strides = array<i32>} : memref<64xi32, #tpu.memory_space<vmem>>, vector<16xi32>,
      %broadcast_in_dim3A_19 = arith.constant -100 : i32
      %broadcast_in_dim3A_20 = vector.broadcast %broadcast_in_dim3A_19 : i32 to vector<16xi32>
      %swap3A_21 = arith.constant 16 : index
      %swap3A_22 = tpu.vector_load %arg9[%swap3A_21] {strides = array<i32>} : memref<64xi32, #tpu.memory_space<vmem>>, vector<16xi32>,
      %swap3A_23 = vector.shape_cast %swap3A_22 : vector<16xi32> to vector<16xi32>
      %swap3A_24 = vector.shape_cast %broadcast_in_dim3A_20 : vector<16xi32> to vector<16xi32>
      tpu.vector_store %arg9[%swap3A_21], %swap3A_24 {strides = array<i32>} : memref<64xi32, #tpu.memory_space<vmem>>, vector<16xi32>,
      %broadcast_in_dim3A_25 = arith.constant 1 : i32
      %broadcast_in_dim3A_26 = vector.broadcast %broadcast_in_dim3A_25 : i32 to vector<16xi32>
      %swap3A_27 = arith.constant 32 : index
      %swap3A_28 = tpu.vector_load %arg8[%swap3A_27] {strides = array<i32>} : memref<64xi32, #tpu.memory_space<vmem>>, vector<16xi32>,
      %swap3A_29 = vector.shape_cast %swap3A_28 : vector<16xi32> to vector<16xi32>
      %swap3A_30 = vector.shape_cast %broadcast_in_dim3A_26 : vector<16xi32> to vector<16xi32>
      tpu.vector_store %arg8[%swap3A_27], %swap3A_30 {strides = array<i32>} : memref<64xi32, #tpu.memory_space<vmem>>, vector<16xi32>,
      %broadcast_in_dim3A_31 = arith.constant -100 : i32
      %broadcast_in_dim3A_32 = vector.broadcast %broadcast_in_dim3A_31 : i32 to vector<16xi32>
      %swap3A_33 = arith.constant 32 : index
      %swap3A_34 = tpu.vector_load %arg9[%swap3A_33] {strides = array<i32>} : memref<64xi32, #tpu.memory_space<vmem>>, vector<16xi32>,
      %swap3A_35 = vector.shape_cast %swap3A_34 : vector<16xi32> to vector<16xi32>
      %swap3A_36 = vector.shape_cast %broadcast_in_dim3A_32 : vector<16xi32> to vector<16xi32>
      tpu.vector_store %arg9[%swap3A_33], %swap3A_36 {strides = array<i32>} : memref<64xi32, #tpu.memory_space<vmem>>, vector<16xi32>,
      %broadcast_in_dim3A_37 = arith.constant 1 : i32
      %broadcast_in_dim3A_38 = vector.broadcast %broadcast_in_dim3A_37 : i32 to vector<16xi32>
      %swap3A_39 = arith.constant 48 : index
      %swap3A_40 = tpu.vector_load %arg8[%swap3A_39] {strides = array<i32>} : memref<64xi32, #tpu.memory_space<vmem>>, vector<16xi32>,
      %swap3A_41 = vector.shape_cast %swap3A_40 : vector<16xi32> to vector<16xi32>
      %swap3A_42 = vector.shape_cast %broadcast_in_dim3A_38 : vector<16xi32> to vector<16xi32>
      tpu.vector_store %arg8[%swap3A_39], %swap3A_42 {strides = array<i32>} : memref<64xi32, #tpu.memory_space<vmem>>, vector<16xi32>,
      %broadcast_in_dim3A_43 = arith.constant -100 : i32
      %broadcast_in_dim3A_44 = vector.broadcast %broadcast_in_dim3A_43 : i32 to vector<16xi32>
      %swap3A_45 = arith.constant 48 : index
      %swap3A_46 = tpu.vector_load %arg9[%swap3A_45] {strides = array<i32>} : memref<64xi32, #tpu.memory_space<vmem>>, vector<16xi32>,
      %swap3A_47 = vector.shape_cast %swap3A_46 : vector<16xi32> to vector<16xi32>
      %swap3A_48 = vector.shape_cast %broadcast_in_dim3A_44 : vector<16xi32> to vector<16xi32>
      tpu.vector_store %arg9[%swap3A_45], %swap3A_48 {strides = array<i32>} : memref<64xi32, #tpu.memory_space<vmem>>, vector<16xi32>,
      %mul3A_49 = arith.constant 4096 : i32
      %mul3A_50 = arith.muli %add3A, %mul3A_49 : i32
      %multiple_of3A = tpu.assume_multiple %mul3A_50, 8 : i32
      %mul3A_51 = arith.constant 4160 : i32
      %mul3A_52 = arith.muli %add3A, %mul3A_51 : i32
      %multiple_of3A_53 = tpu.assume_multiple %mul3A_52, 8 : i32
      %mul3A_54 = arith.constant 4160 : i32
      %mul3A_55 = arith.muli %add3A, %mul3A_54 : i32
      %add3A_56 = arith.constant 64 : i32
      %add3A_57 = arith.addi %mul3A_55, %add3A_56 : i32
      %multiple_of3A_58 = tpu.assume_multiple %add3A_57, 8 : i32
      "tpu.region"() ({
        %run_scoped3A = tpu.sem_alloc : memref<!tpu.dma_semaphore, #tpu.memory_space<semaphore_mem>>
        %dma_start3A = tpu.memref_slice %arg4[%multiple_of3A_53] : memref<16640xi32, #tpu.memory_space<hbm>> -> memref<64xi32, #tpu.memory_space<hbm>>
        %dma_start3A_59 = tpu.memref_slice %arg4[%multiple_of3A_53] : memref<16640xi32, #tpu.memory_space<hbm>> -> memref<64xi32, #tpu.memory_space<hbm>>
        tpu.enqueue_dma source(%arg8 : memref<64xi32, #tpu.memory_space<vmem>>) target(%dma_start3A_59 : memref<64xi32, #tpu.memory_space<hbm>>) target_semaphore(%run_scoped3A : memref<!tpu.dma_semaphore, #tpu.memory_space<semaphore_mem>>)
        %dma_wait3A = tpu.memref_slice %arg4[%multiple_of3A_53] : memref<16640xi32, #tpu.memory_space<hbm>> -> memref<64xi32, #tpu.memory_space<hbm>>
        %dma_wait3A_60 = tpu.memref_slice %arg4[%multiple_of3A_53] : memref<16640xi32, #tpu.memory_space<hbm>> -> memref<64xi32, #tpu.memory_space<hbm>>
        tpu.wait_dma2 semaphore(%run_scoped3A : memref<!tpu.dma_semaphore, #tpu.memory_space<semaphore_mem>>) src(%arg8 : memref<64xi32, #tpu.memory_space<vmem>>) dst(%dma_wait3A_60 : memref<64xi32, #tpu.memory_space<hbm>>)
        tpu.yield
      }) : () -> ()
      "tpu.region"() ({
        %run_scoped3A = tpu.sem_alloc : memref<!tpu.dma_semaphore, #tpu.memory_space<semaphore_mem>>
        %dma_start3A = tpu.memref_slice %arg5[%multiple_of3A_53] : memref<16640xi32, #tpu.memory_space<hbm>> -> memref<64xi32, #tpu.memory_space<hbm>>
        %dma_start3A_59 = tpu.memref_slice %arg5[%multiple_of3A_53] : memref<16640xi32, #tpu.memory_space<hbm>> -> memref<64xi32, #tpu.memory_space<hbm>>
        tpu.enqueue_dma source(%arg9 : memref<64xi32, #tpu.memory_space<vmem>>) target(%dma_start3A_59 : memref<64xi32, #tpu.memory_space<hbm>>) target_semaphore(%run_scoped3A : memref<!tpu.dma_semaphore, #tpu.memory_space<semaphore_mem>>)
        %dma_wait3A = tpu.memref_slice %arg5[%multiple_of3A_53] : memref<16640xi32, #tpu.memory_space<hbm>> -> memref<64xi32, #tpu.memory_space<hbm>>
        %dma_wait3A_60 = tpu.memref_slice %arg5[%multiple_of3A_53] : memref<16640xi32, #tpu.memory_space<hbm>> -> memref<64xi32, #tpu.memory_space<hbm>>
        tpu.wait_dma2 semaphore(%run_scoped3A : memref<!tpu.dma_semaphore, #tpu.memory_space<semaphore_mem>>) src(%arg9 : memref<64xi32, #tpu.memory_space<vmem>>) dst(%dma_wait3A_60 : memref<64xi32, #tpu.memory_space<hbm>>)
        tpu.yield
      }) : () -> ()
      "tpu.region"() ({
        %run_scoped3A = tpu.sem_alloc : memref<!tpu.dma_semaphore, #tpu.memory_space<semaphore_mem>>
        %dma_start3A = tpu.memref_slice %arg2[%multiple_of3A] : memref<16384xi32, #tpu.memory_space<hbm>> -> memref<4096xi32, #tpu.memory_space<hbm>>
        %dma_start3A_59 = tpu.memref_slice %arg2[%multiple_of3A] : memref<16384xi32, #tpu.memory_space<hbm>> -> memref<4096xi32, #tpu.memory_space<hbm>>
        tpu.enqueue_dma source(%dma_start3A_59 : memref<4096xi32, #tpu.memory_space<hbm>>) target(%arg6 : memref<4096xi32, #tpu.memory_space<vmem>>) target_semaphore(%run_scoped3A : memref<!tpu.dma_semaphore, #tpu.memory_space<semaphore_mem>>)
        %dma_wait3A = tpu.memref_slice %arg2[%multiple_of3A] : memref<16384xi32, #tpu.memory_space<hbm>> -> memref<4096xi32, #tpu.memory_space<hbm>>
        %dma_wait3A_60 = tpu.memref_slice %arg2[%multiple_of3A] : memref<16384xi32, #tpu.memory_space<hbm>> -> memref<4096xi32, #tpu.memory_space<hbm>>
        tpu.wait_dma2 semaphore(%run_scoped3A : memref<!tpu.dma_semaphore, #tpu.memory_space<semaphore_mem>>) src(%dma_wait3A_60 : memref<4096xi32, #tpu.memory_space<hbm>>) dst(%arg6 : memref<4096xi32, #tpu.memory_space<vmem>>)
        tpu.yield
      }) : () -> ()
      "tpu.region"() ({
        %run_scoped3A = tpu.sem_alloc : memref<!tpu.dma_semaphore, #tpu.memory_space<semaphore_mem>>
        %dma_start3A = tpu.memref_slice %arg4[%multiple_of3A_58] : memref<16640xi32, #tpu.memory_space<hbm>> -> memref<4096xi32, #tpu.memory_space<hbm>>
        %dma_start3A_59 = tpu.memref_slice %arg4[%multiple_of3A_58] : memref<16640xi32, #tpu.memory_space<hbm>> -> memref<4096xi32, #tpu.memory_space<hbm>>
        tpu.enqueue_dma source(%arg6 : memref<4096xi32, #tpu.memory_space<vmem>>) target(%dma_start3A_59 : memref<4096xi32, #tpu.memory_space<hbm>>) target_semaphore(%run_scoped3A : memref<!tpu.dma_semaphore, #tpu.memory_space<semaphore_mem>>)
        %dma_wait3A = tpu.memref_slice %arg4[%multiple_of3A_58] : memref<16640xi32, #tpu.memory_space<hbm>> -> memref<4096xi32, #tpu.memory_space<hbm>>
        %dma_wait3A_60 = tpu.memref_slice %arg4[%multiple_of3A_58] : memref<16640xi32, #tpu.memory_space<hbm>> -> memref<4096xi32, #tpu.memory_space<hbm>>
        tpu.wait_dma2 semaphore(%run_scoped3A : memref<!tpu.dma_semaphore, #tpu.memory_space<semaphore_mem>>) src(%arg6 : memref<4096xi32, #tpu.memory_space<vmem>>) dst(%dma_wait3A_60 : memref<4096xi32, #tpu.memory_space<hbm>>)
        tpu.yield
      }) : () -> ()
      "tpu.region"() ({
        %run_scoped3A = tpu.sem_alloc : memref<!tpu.dma_semaphore, #tpu.memory_space<semaphore_mem>>
        %dma_start3A = tpu.memref_slice %arg3[%multiple_of3A] : memref<16384xi32, #tpu.memory_space<hbm>> -> memref<4096xi32, #tpu.memory_space<hbm>>
        %dma_start3A_59 = tpu.memref_slice %arg3[%multiple_of3A] : memref<16384xi32, #tpu.memory_space<hbm>> -> memref<4096xi32, #tpu.memory_space<hbm>>
        tpu.enqueue_dma source(%dma_start3A_59 : memref<4096xi32, #tpu.memory_space<hbm>>) target(%arg7 : memref<4096xi32, #tpu.memory_space<vmem>>) target_semaphore(%run_scoped3A : memref<!tpu.dma_semaphore, #tpu.memory_space<semaphore_mem>>)
        %dma_wait3A = tpu.memref_slice %arg3[%multiple_of3A] : memref<16384xi32, #tpu.memory_space<hbm>> -> memref<4096xi32, #tpu.memory_space<hbm>>
        %dma_wait3A_60 = tpu.memref_slice %arg3[%multiple_of3A] : memref<16384xi32, #tpu.memory_space<hbm>> -> memref<4096xi32, #tpu.memory_space<hbm>>
        tpu.wait_dma2 semaphore(%run_scoped3A : memref<!tpu.dma_semaphore, #tpu.memory_space<semaphore_mem>>) src(%dma_wait3A_60 : memref<4096xi32, #tpu.memory_space<hbm>>) dst(%arg7 : memref<4096xi32, #tpu.memory_space<vmem>>)
        tpu.yield
      }) : () -> ()
      "tpu.region"() ({
        %run_scoped3A = tpu.sem_alloc : memref<!tpu.dma_semaphore, #tpu.memory_space<semaphore_mem>>
        %dma_start3A = tpu.memref_slice %arg5[%multiple_of3A_58] : memref<16640xi32, #tpu.memory_space<hbm>> -> memref<4096xi32, #tpu.memory_space<hbm>>
        %dma_start3A_59 = tpu.memref_slice %arg5[%multiple_of3A_58] : memref<16640xi32, #tpu.memory_space<hbm>> -> memref<4096xi32, #tpu.memory_space<hbm>>
        tpu.enqueue_dma source(%arg7 : memref<4096xi32, #tpu.memory_space<vmem>>) target(%dma_start3A_59 : memref<4096xi32, #tpu.memory_space<hbm>>) target_semaphore(%run_scoped3A : memref<!tpu.dma_semaphore, #tpu.memory_space<semaphore_mem>>)
        %dma_wait3A = tpu.memref_slice %arg5[%multiple_of3A_58] : memref<16640xi32, #tpu.memory_space<hbm>> -> memref<4096xi32, #tpu.memory_space<hbm>>
        %dma_wait3A_60 = tpu.memref_slice %arg5[%multiple_of3A_58] : memref<16640xi32, #tpu.memory_space<hbm>> -> memref<4096xi32, #tpu.memory_space<hbm>>
        tpu.wait_dma2 semaphore(%run_scoped3A : memref<!tpu.dma_semaphore, #tpu.memory_space<semaphore_mem>>) src(%arg7 : memref<4096xi32, #tpu.memory_space<vmem>>) dst(%dma_wait3A_60 : memref<4096xi32, #tpu.memory_space<hbm>>)
        tpu.yield
      }) : () -> ()
    } else {
    }
    return
  }
}

module attributes {stable_mosaic.version = 14 : i64} {
  func.func @_tc_body(%arg0: memref<4x4096x2048xf32, #tpu.memory_space<any>>, %arg1: memref<4x64x2048xf32, #tpu.memory_space<any>>, %arg2: memref<4x4160x2048xf32, #tpu.memory_space<any>>, %arg3: memref<8x512x2048xf32, #tpu.memory_space<vmem>>, %arg4: memref<8x!tpu.dma_semaphore, #tpu.memory_space<semaphore_mem>>, %arg5: memref<8x!tpu.dma_semaphore, #tpu.memory_space<semaphore_mem>>) attributes {dimension_semantics = [], scalar_prefetch = 0 : i64, scratch_operands = 3 : i64, tpu.core_type = #tpu.core_type<tc>} {
    %dma_start3A = arith.constant 0 : i32
    %dma_start3A_0 = arith.constant 0 : i32
    %dma_start3A_1 = arith.constant 0 : i32
    %dma_start3A_2 = tpu.memref_slice %arg4[%dma_start3A_1] : memref<8x!tpu.dma_semaphore, #tpu.memory_space<semaphore_mem>> -> memref<1x!tpu.dma_semaphore, #tpu.memory_space<semaphore_mem>>
    %dma_start3A_3 = tpu.memref_squeeze %dma_start3A_2 : memref<1x!tpu.dma_semaphore, #tpu.memory_space<semaphore_mem>> -> memref<!tpu.dma_semaphore, #tpu.memory_space<semaphore_mem>>
    %dma_start3A_4 = arith.constant 0 : i32
    %dma_start3A_5 = arith.constant 0 : i32
    %dma_start3A_6 = tpu.memref_slice %arg3[%dma_start3A_0, %dma_start3A_4, %dma_start3A_5] : memref<8x512x2048xf32, #tpu.memory_space<vmem>> -> memref<1x64x2048xf32, #tpu.memory_space<vmem>>
    %dma_start3A_7 = tpu.memref_squeeze %dma_start3A_6 : memref<1x64x2048xf32, #tpu.memory_space<vmem>> -> memref<64x2048xf32, #tpu.memory_space<vmem>>
    %dma_start3A_8 = arith.constant 0 : i32
    %dma_start3A_9 = arith.constant 0 : i32
    %dma_start3A_10 = tpu.memref_slice %arg1[%dma_start3A, %dma_start3A_8, %dma_start3A_9] : memref<4x64x2048xf32, #tpu.memory_space<any>> -> memref<1x64x2048xf32, #tpu.memory_space<any>>
    %dma_start3A_11 = tpu.memref_squeeze %dma_start3A_10 : memref<1x64x2048xf32, #tpu.memory_space<any>> -> memref<64x2048xf32, #tpu.memory_space<any>>
    tpu.enqueue_dma source(%dma_start3A_11 : memref<64x2048xf32, #tpu.memory_space<any>>) target(%dma_start3A_7 : memref<64x2048xf32, #tpu.memory_space<vmem>>) target_semaphore(%dma_start3A_3 : memref<!tpu.dma_semaphore, #tpu.memory_space<semaphore_mem>>)
    %dma_start3A_12 = arith.constant 0 : i32
    %dma_start3A_13 = arith.constant 1 : i32
    %dma_start3A_14 = arith.constant 1 : i32
    %dma_start3A_15 = tpu.memref_slice %arg4[%dma_start3A_14] : memref<8x!tpu.dma_semaphore, #tpu.memory_space<semaphore_mem>> -> memref<1x!tpu.dma_semaphore, #tpu.memory_space<semaphore_mem>>
    %dma_start3A_16 = tpu.memref_squeeze %dma_start3A_15 : memref<1x!tpu.dma_semaphore, #tpu.memory_space<semaphore_mem>> -> memref<!tpu.dma_semaphore, #tpu.memory_space<semaphore_mem>>
    %dma_start3A_17 = arith.constant 0 : i32
    %dma_start3A_18 = arith.constant 0 : i32
    %dma_start3A_19 = tpu.memref_slice %arg3[%dma_start3A_13, %dma_start3A_17, %dma_start3A_18] : memref<8x512x2048xf32, #tpu.memory_space<vmem>> -> memref<1x512x2048xf32, #tpu.memory_space<vmem>>
    %dma_start3A_20 = tpu.memref_squeeze %dma_start3A_19 : memref<1x512x2048xf32, #tpu.memory_space<vmem>> -> memref<512x2048xf32, #tpu.memory_space<vmem>>
    %dma_start3A_21 = arith.constant 0 : i32
    %dma_start3A_22 = arith.constant 0 : i32
    %dma_start3A_23 = tpu.memref_slice %arg0[%dma_start3A_12, %dma_start3A_21, %dma_start3A_22] : memref<4x4096x2048xf32, #tpu.memory_space<any>> -> memref<1x512x2048xf32, #tpu.memory_space<any>>
    %dma_start3A_24 = tpu.memref_squeeze %dma_start3A_23 : memref<1x512x2048xf32, #tpu.memory_space<any>> -> memref<512x2048xf32, #tpu.memory_space<any>>
    tpu.enqueue_dma source(%dma_start3A_24 : memref<512x2048xf32, #tpu.memory_space<any>>) target(%dma_start3A_20 : memref<512x2048xf32, #tpu.memory_space<vmem>>) target_semaphore(%dma_start3A_16 : memref<!tpu.dma_semaphore, #tpu.memory_space<semaphore_mem>>)
    %dma_start3A_25 = arith.constant 0 : i32
    %dma_start3A_26 = arith.constant 2 : i32
    %dma_start3A_27 = arith.constant 2 : i32
    %dma_start3A_28 = tpu.memref_slice %arg4[%dma_start3A_27] : memref<8x!tpu.dma_semaphore, #tpu.memory_space<semaphore_mem>> -> memref<1x!tpu.dma_semaphore, #tpu.memory_space<semaphore_mem>>
    %dma_start3A_29 = tpu.memref_squeeze %dma_start3A_28 : memref<1x!tpu.dma_semaphore, #tpu.memory_space<semaphore_mem>> -> memref<!tpu.dma_semaphore, #tpu.memory_space<semaphore_mem>>
    %dma_start3A_30 = arith.constant 0 : i32
    %dma_start3A_31 = arith.constant 0 : i32
    %dma_start3A_32 = tpu.memref_slice %arg3[%dma_start3A_26, %dma_start3A_30, %dma_start3A_31] : memref<8x512x2048xf32, #tpu.memory_space<vmem>> -> memref<1x512x2048xf32, #tpu.memory_space<vmem>>
    %dma_start3A_33 = tpu.memref_squeeze %dma_start3A_32 : memref<1x512x2048xf32, #tpu.memory_space<vmem>> -> memref<512x2048xf32, #tpu.memory_space<vmem>>
    %dma_start3A_34 = arith.constant 512 : i32
    %dma_start3A_35 = arith.constant 0 : i32
    %dma_start3A_36 = tpu.memref_slice %arg0[%dma_start3A_25, %dma_start3A_34, %dma_start3A_35] : memref<4x4096x2048xf32, #tpu.memory_space<any>> -> memref<1x512x2048xf32, #tpu.memory_space<any>>
    %dma_start3A_37 = tpu.memref_squeeze %dma_start3A_36 : memref<1x512x2048xf32, #tpu.memory_space<any>> -> memref<512x2048xf32, #tpu.memory_space<any>>
    tpu.enqueue_dma source(%dma_start3A_37 : memref<512x2048xf32, #tpu.memory_space<any>>) target(%dma_start3A_33 : memref<512x2048xf32, #tpu.memory_space<vmem>>) target_semaphore(%dma_start3A_29 : memref<!tpu.dma_semaphore, #tpu.memory_space<semaphore_mem>>)
    %dma_start3A_38 = arith.constant 0 : i32
    %dma_start3A_39 = arith.constant 3 : i32
    %dma_start3A_40 = arith.constant 3 : i32
    %dma_start3A_41 = tpu.memref_slice %arg4[%dma_start3A_40] : memref<8x!tpu.dma_semaphore, #tpu.memory_space<semaphore_mem>> -> memref<1x!tpu.dma_semaphore, #tpu.memory_space<semaphore_mem>>
    %dma_start3A_42 = tpu.memref_squeeze %dma_start3A_41 : memref<1x!tpu.dma_semaphore, #tpu.memory_space<semaphore_mem>> -> memref<!tpu.dma_semaphore, #tpu.memory_space<semaphore_mem>>
    %dma_start3A_43 = arith.constant 0 : i32
    %dma_start3A_44 = arith.constant 0 : i32
    %dma_start3A_45 = tpu.memref_slice %arg3[%dma_start3A_39, %dma_start3A_43, %dma_start3A_44] : memref<8x512x2048xf32, #tpu.memory_space<vmem>> -> memref<1x512x2048xf32, #tpu.memory_space<vmem>>
    %dma_start3A_46 = tpu.memref_squeeze %dma_start3A_45 : memref<1x512x2048xf32, #tpu.memory_space<vmem>> -> memref<512x2048xf32, #tpu.memory_space<vmem>>
    %dma_start3A_47 = arith.constant 1024 : i32
    %dma_start3A_48 = arith.constant 0 : i32
    %dma_start3A_49 = tpu.memref_slice %arg0[%dma_start3A_38, %dma_start3A_47, %dma_start3A_48] : memref<4x4096x2048xf32, #tpu.memory_space<any>> -> memref<1x512x2048xf32, #tpu.memory_space<any>>
    %dma_start3A_50 = tpu.memref_squeeze %dma_start3A_49 : memref<1x512x2048xf32, #tpu.memory_space<any>> -> memref<512x2048xf32, #tpu.memory_space<any>>
    tpu.enqueue_dma source(%dma_start3A_50 : memref<512x2048xf32, #tpu.memory_space<any>>) target(%dma_start3A_46 : memref<512x2048xf32, #tpu.memory_space<vmem>>) target_semaphore(%dma_start3A_42 : memref<!tpu.dma_semaphore, #tpu.memory_space<semaphore_mem>>)
    %dma_start3A_51 = arith.constant 0 : i32
    %dma_start3A_52 = arith.constant 4 : i32
    %dma_start3A_53 = arith.constant 4 : i32
    %dma_start3A_54 = tpu.memref_slice %arg4[%dma_start3A_53] : memref<8x!tpu.dma_semaphore, #tpu.memory_space<semaphore_mem>> -> memref<1x!tpu.dma_semaphore, #tpu.memory_space<semaphore_mem>>
    %dma_start3A_55 = tpu.memref_squeeze %dma_start3A_54 : memref<1x!tpu.dma_semaphore, #tpu.memory_space<semaphore_mem>> -> memref<!tpu.dma_semaphore, #tpu.memory_space<semaphore_mem>>
    %dma_start3A_56 = arith.constant 0 : i32
    %dma_start3A_57 = arith.constant 0 : i32
    %dma_start3A_58 = tpu.memref_slice %arg3[%dma_start3A_52, %dma_start3A_56, %dma_start3A_57] : memref<8x512x2048xf32, #tpu.memory_space<vmem>> -> memref<1x512x2048xf32, #tpu.memory_space<vmem>>
    %dma_start3A_59 = tpu.memref_squeeze %dma_start3A_58 : memref<1x512x2048xf32, #tpu.memory_space<vmem>> -> memref<512x2048xf32, #tpu.memory_space<vmem>>
    %dma_start3A_60 = arith.constant 1536 : i32
    %dma_start3A_61 = arith.constant 0 : i32
    %dma_start3A_62 = tpu.memref_slice %arg0[%dma_start3A_51, %dma_start3A_60, %dma_start3A_61] : memref<4x4096x2048xf32, #tpu.memory_space<any>> -> memref<1x512x2048xf32, #tpu.memory_space<any>>
    %dma_start3A_63 = tpu.memref_squeeze %dma_start3A_62 : memref<1x512x2048xf32, #tpu.memory_space<any>> -> memref<512x2048xf32, #tpu.memory_space<any>>
    tpu.enqueue_dma source(%dma_start3A_63 : memref<512x2048xf32, #tpu.memory_space<any>>) target(%dma_start3A_59 : memref<512x2048xf32, #tpu.memory_space<vmem>>) target_semaphore(%dma_start3A_55 : memref<!tpu.dma_semaphore, #tpu.memory_space<semaphore_mem>>)
    %dma_wait3A = arith.constant 0 : i32
    %dma_wait3A_64 = arith.constant 0 : i32
    %dma_wait3A_65 = arith.constant 0 : i32
    %dma_wait3A_66 = tpu.memref_slice %arg4[%dma_wait3A_65] : memref<8x!tpu.dma_semaphore, #tpu.memory_space<semaphore_mem>> -> memref<1x!tpu.dma_semaphore, #tpu.memory_space<semaphore_mem>>
    %dma_wait3A_67 = tpu.memref_squeeze %dma_wait3A_66 : memref<1x!tpu.dma_semaphore, #tpu.memory_space<semaphore_mem>> -> memref<!tpu.dma_semaphore, #tpu.memory_space<semaphore_mem>>
    %dma_wait3A_68 = arith.constant 0 : i32
    %dma_wait3A_69 = arith.constant 0 : i32
    %dma_wait3A_70 = tpu.memref_slice %arg3[%dma_wait3A_64, %dma_wait3A_68, %dma_wait3A_69] : memref<8x512x2048xf32, #tpu.memory_space<vmem>> -> memref<1x64x2048xf32, #tpu.memory_space<vmem>>
    %dma_wait3A_71 = tpu.memref_squeeze %dma_wait3A_70 : memref<1x64x2048xf32, #tpu.memory_space<vmem>> -> memref<64x2048xf32, #tpu.memory_space<vmem>>
    %dma_wait3A_72 = arith.constant 0 : i32
    %dma_wait3A_73 = arith.constant 0 : i32
    %dma_wait3A_74 = tpu.memref_slice %arg1[%dma_wait3A, %dma_wait3A_72, %dma_wait3A_73] : memref<4x64x2048xf32, #tpu.memory_space<any>> -> memref<1x64x2048xf32, #tpu.memory_space<any>>
    %dma_wait3A_75 = tpu.memref_squeeze %dma_wait3A_74 : memref<1x64x2048xf32, #tpu.memory_space<any>> -> memref<64x2048xf32, #tpu.memory_space<any>>
    tpu.wait_dma2 semaphore(%dma_wait3A_67 : memref<!tpu.dma_semaphore, #tpu.memory_space<semaphore_mem>>) src(%dma_wait3A_75 : memref<64x2048xf32, #tpu.memory_space<any>>) dst(%dma_wait3A_71 : memref<64x2048xf32, #tpu.memory_space<vmem>>)
    %dma_start3A_76 = arith.constant 0 : i32
    %dma_start3A_77 = arith.constant 0 : i32
    %dma_start3A_78 = arith.constant 0 : i32
    %dma_start3A_79 = tpu.memref_slice %arg5[%dma_start3A_78] : memref<8x!tpu.dma_semaphore, #tpu.memory_space<semaphore_mem>> -> memref<1x!tpu.dma_semaphore, #tpu.memory_space<semaphore_mem>>
    %dma_start3A_80 = tpu.memref_squeeze %dma_start3A_79 : memref<1x!tpu.dma_semaphore, #tpu.memory_space<semaphore_mem>> -> memref<!tpu.dma_semaphore, #tpu.memory_space<semaphore_mem>>
    %dma_start3A_81 = arith.constant 0 : i32
    %dma_start3A_82 = arith.constant 0 : i32
    %dma_start3A_83 = tpu.memref_slice %arg2[%dma_start3A_77, %dma_start3A_81, %dma_start3A_82] : memref<4x4160x2048xf32, #tpu.memory_space<any>> -> memref<1x64x2048xf32, #tpu.memory_space<any>>
    %dma_start3A_84 = tpu.memref_squeeze %dma_start3A_83 : memref<1x64x2048xf32, #tpu.memory_space<any>> -> memref<64x2048xf32, #tpu.memory_space<any>>
    %dma_start3A_85 = arith.constant 0 : i32
    %dma_start3A_86 = arith.constant 0 : i32
    %dma_start3A_87 = tpu.memref_slice %arg3[%dma_start3A_76, %dma_start3A_85, %dma_start3A_86] : memref<8x512x2048xf32, #tpu.memory_space<vmem>> -> memref<1x64x2048xf32, #tpu.memory_space<vmem>>
    %dma_start3A_88 = tpu.memref_squeeze %dma_start3A_87 : memref<1x64x2048xf32, #tpu.memory_space<vmem>> -> memref<64x2048xf32, #tpu.memory_space<vmem>>
    tpu.enqueue_dma source(%dma_start3A_88 : memref<64x2048xf32, #tpu.memory_space<vmem>>) target(%dma_start3A_84 : memref<64x2048xf32, #tpu.memory_space<any>>) target_semaphore(%dma_start3A_80 : memref<!tpu.dma_semaphore, #tpu.memory_space<semaphore_mem>>)
    %dma_start3A_89 = arith.constant 0 : i32
    %dma_start3A_90 = arith.constant 5 : i32
    %dma_start3A_91 = arith.constant 5 : i32
    %dma_start3A_92 = tpu.memref_slice %arg4[%dma_start3A_91] : memref<8x!tpu.dma_semaphore, #tpu.memory_space<semaphore_mem>> -> memref<1x!tpu.dma_semaphore, #tpu.memory_space<semaphore_mem>>
    %dma_start3A_93 = tpu.memref_squeeze %dma_start3A_92 : memref<1x!tpu.dma_semaphore, #tpu.memory_space<semaphore_mem>> -> memref<!tpu.dma_semaphore, #tpu.memory_space<semaphore_mem>>
    %dma_start3A_94 = arith.constant 0 : i32
    %dma_start3A_95 = arith.constant 0 : i32
    %dma_start3A_96 = tpu.memref_slice %arg3[%dma_start3A_90, %dma_start3A_94, %dma_start3A_95] : memref<8x512x2048xf32, #tpu.memory_space<vmem>> -> memref<1x512x2048xf32, #tpu.memory_space<vmem>>
    %dma_start3A_97 = tpu.memref_squeeze %dma_start3A_96 : memref<1x512x2048xf32, #tpu.memory_space<vmem>> -> memref<512x2048xf32, #tpu.memory_space<vmem>>
    %dma_start3A_98 = arith.constant 2048 : i32
    %dma_start3A_99 = arith.constant 0 : i32
    %dma_start3A_100 = tpu.memref_slice %arg0[%dma_start3A_89, %dma_start3A_98, %dma_start3A_99] : memref<4x4096x2048xf32, #tpu.memory_space<any>> -> memref<1x512x2048xf32, #tpu.memory_space<any>>
    %dma_start3A_101 = tpu.memref_squeeze %dma_start3A_100 : memref<1x512x2048xf32, #tpu.memory_space<any>> -> memref<512x2048xf32, #tpu.memory_space<any>>
    tpu.enqueue_dma source(%dma_start3A_101 : memref<512x2048xf32, #tpu.memory_space<any>>) target(%dma_start3A_97 : memref<512x2048xf32, #tpu.memory_space<vmem>>) target_semaphore(%dma_start3A_93 : memref<!tpu.dma_semaphore, #tpu.memory_space<semaphore_mem>>)
    %dma_wait3A_102 = arith.constant 0 : i32
    %dma_wait3A_103 = arith.constant 1 : i32
    %dma_wait3A_104 = arith.constant 1 : i32
    %dma_wait3A_105 = tpu.memref_slice %arg4[%dma_wait3A_104] : memref<8x!tpu.dma_semaphore, #tpu.memory_space<semaphore_mem>> -> memref<1x!tpu.dma_semaphore, #tpu.memory_space<semaphore_mem>>
    %dma_wait3A_106 = tpu.memref_squeeze %dma_wait3A_105 : memref<1x!tpu.dma_semaphore, #tpu.memory_space<semaphore_mem>> -> memref<!tpu.dma_semaphore, #tpu.memory_space<semaphore_mem>>
    %dma_wait3A_107 = arith.constant 0 : i32
    %dma_wait3A_108 = arith.constant 0 : i32
    %dma_wait3A_109 = tpu.memref_slice %arg3[%dma_wait3A_103, %dma_wait3A_107, %dma_wait3A_108] : memref<8x512x2048xf32, #tpu.memory_space<vmem>> -> memref<1x512x2048xf32, #tpu.memory_space<vmem>>
    %dma_wait3A_110 = tpu.memref_squeeze %dma_wait3A_109 : memref<1x512x2048xf32, #tpu.memory_space<vmem>> -> memref<512x2048xf32, #tpu.memory_space<vmem>>
    %dma_wait3A_111 = arith.constant 0 : i32
    %dma_wait3A_112 = arith.constant 0 : i32
    %dma_wait3A_113 = tpu.memref_slice %arg0[%dma_wait3A_102, %dma_wait3A_111, %dma_wait3A_112] : memref<4x4096x2048xf32, #tpu.memory_space<any>> -> memref<1x512x2048xf32, #tpu.memory_space<any>>
    %dma_wait3A_114 = tpu.memref_squeeze %dma_wait3A_113 : memref<1x512x2048xf32, #tpu.memory_space<any>> -> memref<512x2048xf32, #tpu.memory_space<any>>
    tpu.wait_dma2 semaphore(%dma_wait3A_106 : memref<!tpu.dma_semaphore, #tpu.memory_space<semaphore_mem>>) src(%dma_wait3A_114 : memref<512x2048xf32, #tpu.memory_space<any>>) dst(%dma_wait3A_110 : memref<512x2048xf32, #tpu.memory_space<vmem>>)
    %dma_start3A_115 = arith.constant 1 : i32
    %dma_start3A_116 = arith.constant 0 : i32
    %dma_start3A_117 = arith.constant 1 : i32
    %dma_start3A_118 = tpu.memref_slice %arg5[%dma_start3A_117] : memref<8x!tpu.dma_semaphore, #tpu.memory_space<semaphore_mem>> -> memref<1x!tpu.dma_semaphore, #tpu.memory_space<semaphore_mem>>
    %dma_start3A_119 = tpu.memref_squeeze %dma_start3A_118 : memref<1x!tpu.dma_semaphore, #tpu.memory_space<semaphore_mem>> -> memref<!tpu.dma_semaphore, #tpu.memory_space<semaphore_mem>>
    %dma_start3A_120 = arith.constant 64 : i32
    %dma_start3A_121 = arith.constant 0 : i32
    %dma_start3A_122 = tpu.memref_slice %arg2[%dma_start3A_116, %dma_start3A_120, %dma_start3A_121] : memref<4x4160x2048xf32, #tpu.memory_space<any>> -> memref<1x512x2048xf32, #tpu.memory_space<any>>
    %dma_start3A_123 = tpu.memref_squeeze %dma_start3A_122 : memref<1x512x2048xf32, #tpu.memory_space<any>> -> memref<512x2048xf32, #tpu.memory_space<any>>
    %dma_start3A_124 = arith.constant 0 : i32
    %dma_start3A_125 = arith.constant 0 : i32
    %dma_start3A_126 = tpu.memref_slice %arg3[%dma_start3A_115, %dma_start3A_124, %dma_start3A_125] : memref<8x512x2048xf32, #tpu.memory_space<vmem>> -> memref<1x512x2048xf32, #tpu.memory_space<vmem>>
    %dma_start3A_127 = tpu.memref_squeeze %dma_start3A_126 : memref<1x512x2048xf32, #tpu.memory_space<vmem>> -> memref<512x2048xf32, #tpu.memory_space<vmem>>
    tpu.enqueue_dma source(%dma_start3A_127 : memref<512x2048xf32, #tpu.memory_space<vmem>>) target(%dma_start3A_123 : memref<512x2048xf32, #tpu.memory_space<any>>) target_semaphore(%dma_start3A_119 : memref<!tpu.dma_semaphore, #tpu.memory_space<semaphore_mem>>)
    %dma_start3A_128 = arith.constant 0 : i32
    %dma_start3A_129 = arith.constant 6 : i32
    %dma_start3A_130 = arith.constant 6 : i32
    %dma_start3A_131 = tpu.memref_slice %arg4[%dma_start3A_130] : memref<8x!tpu.dma_semaphore, #tpu.memory_space<semaphore_mem>> -> memref<1x!tpu.dma_semaphore, #tpu.memory_space<semaphore_mem>>
    %dma_start3A_132 = tpu.memref_squeeze %dma_start3A_131 : memref<1x!tpu.dma_semaphore, #tpu.memory_space<semaphore_mem>> -> memref<!tpu.dma_semaphore, #tpu.memory_space<semaphore_mem>>
    %dma_start3A_133 = arith.constant 0 : i32
    %dma_start3A_134 = arith.constant 0 : i32
    %dma_start3A_135 = tpu.memref_slice %arg3[%dma_start3A_129, %dma_start3A_133, %dma_start3A_134] : memref<8x512x2048xf32, #tpu.memory_space<vmem>> -> memref<1x512x2048xf32, #tpu.memory_space<vmem>>
    %dma_start3A_136 = tpu.memref_squeeze %dma_start3A_135 : memref<1x512x2048xf32, #tpu.memory_space<vmem>> -> memref<512x2048xf32, #tpu.memory_space<vmem>>
    %dma_start3A_137 = arith.constant 2560 : i32
    %dma_start3A_138 = arith.constant 0 : i32
    %dma_start3A_139 = tpu.memref_slice %arg0[%dma_start3A_128, %dma_start3A_137, %dma_start3A_138] : memref<4x4096x2048xf32, #tpu.memory_space<any>> -> memref<1x512x2048xf32, #tpu.memory_space<any>>
    %dma_start3A_140 = tpu.memref_squeeze %dma_start3A_139 : memref<1x512x2048xf32, #tpu.memory_space<any>> -> memref<512x2048xf32, #tpu.memory_space<any>>
    tpu.enqueue_dma source(%dma_start3A_140 : memref<512x2048xf32, #tpu.memory_space<any>>) target(%dma_start3A_136 : memref<512x2048xf32, #tpu.memory_space<vmem>>) target_semaphore(%dma_start3A_132 : memref<!tpu.dma_semaphore, #tpu.memory_space<semaphore_mem>>)
    %dma_wait3A_141 = arith.constant 0 : i32
    %dma_wait3A_142 = arith.constant 2 : i32
    %dma_wait3A_143 = arith.constant 2 : i32
    %dma_wait3A_144 = tpu.memref_slice %arg4[%dma_wait3A_143] : memref<8x!tpu.dma_semaphore, #tpu.memory_space<semaphore_mem>> -> memref<1x!tpu.dma_semaphore, #tpu.memory_space<semaphore_mem>>
    %dma_wait3A_145 = tpu.memref_squeeze %dma_wait3A_144 : memref<1x!tpu.dma_semaphore, #tpu.memory_space<semaphore_mem>> -> memref<!tpu.dma_semaphore, #tpu.memory_space<semaphore_mem>>
    %dma_wait3A_146 = arith.constant 0 : i32
    %dma_wait3A_147 = arith.constant 0 : i32
    %dma_wait3A_148 = tpu.memref_slice %arg3[%dma_wait3A_142, %dma_wait3A_146, %dma_wait3A_147] : memref<8x512x2048xf32, #tpu.memory_space<vmem>> -> memref<1x512x2048xf32, #tpu.memory_space<vmem>>
    %dma_wait3A_149 = tpu.memref_squeeze %dma_wait3A_148 : memref<1x512x2048xf32, #tpu.memory_space<vmem>> -> memref<512x2048xf32, #tpu.memory_space<vmem>>
    %dma_wait3A_150 = arith.constant 512 : i32
    %dma_wait3A_151 = arith.constant 0 : i32
    %dma_wait3A_152 = tpu.memref_slice %arg0[%dma_wait3A_141, %dma_wait3A_150, %dma_wait3A_151] : memref<4x4096x2048xf32, #tpu.memory_space<any>> -> memref<1x512x2048xf32, #tpu.memory_space<any>>
    %dma_wait3A_153 = tpu.memref_squeeze %dma_wait3A_152 : memref<1x512x2048xf32, #tpu.memory_space<any>> -> memref<512x2048xf32, #tpu.memory_space<any>>
    tpu.wait_dma2 semaphore(%dma_wait3A_145 : memref<!tpu.dma_semaphore, #tpu.memory_space<semaphore_mem>>) src(%dma_wait3A_153 : memref<512x2048xf32, #tpu.memory_space<any>>) dst(%dma_wait3A_149 : memref<512x2048xf32, #tpu.memory_space<vmem>>)
    %dma_start3A_154 = arith.constant 2 : i32
    %dma_start3A_155 = arith.constant 0 : i32
    %dma_start3A_156 = arith.constant 2 : i32
    %dma_start3A_157 = tpu.memref_slice %arg5[%dma_start3A_156] : memref<8x!tpu.dma_semaphore, #tpu.memory_space<semaphore_mem>> -> memref<1x!tpu.dma_semaphore, #tpu.memory_space<semaphore_mem>>
    %dma_start3A_158 = tpu.memref_squeeze %dma_start3A_157 : memref<1x!tpu.dma_semaphore, #tpu.memory_space<semaphore_mem>> -> memref<!tpu.dma_semaphore, #tpu.memory_space<semaphore_mem>>
    %dma_start3A_159 = arith.constant 576 : i32
    %dma_start3A_160 = arith.constant 0 : i32
    %dma_start3A_161 = tpu.memref_slice %arg2[%dma_start3A_155, %dma_start3A_159, %dma_start3A_160] : memref<4x4160x2048xf32, #tpu.memory_space<any>> -> memref<1x512x2048xf32, #tpu.memory_space<any>>
    %dma_start3A_162 = tpu.memref_squeeze %dma_start3A_161 : memref<1x512x2048xf32, #tpu.memory_space<any>> -> memref<512x2048xf32, #tpu.memory_space<any>>
    %dma_start3A_163 = arith.constant 0 : i32
    %dma_start3A_164 = arith.constant 0 : i32
    %dma_start3A_165 = tpu.memref_slice %arg3[%dma_start3A_154, %dma_start3A_163, %dma_start3A_164] : memref<8x512x2048xf32, #tpu.memory_space<vmem>> -> memref<1x512x2048xf32, #tpu.memory_space<vmem>>
    %dma_start3A_166 = tpu.memref_squeeze %dma_start3A_165 : memref<1x512x2048xf32, #tpu.memory_space<vmem>> -> memref<512x2048xf32, #tpu.memory_space<vmem>>
    tpu.enqueue_dma source(%dma_start3A_166 : memref<512x2048xf32, #tpu.memory_space<vmem>>) target(%dma_start3A_162 : memref<512x2048xf32, #tpu.memory_space<any>>) target_semaphore(%dma_start3A_158 : memref<!tpu.dma_semaphore, #tpu.memory_space<semaphore_mem>>)
    %dma_start3A_167 = arith.constant 0 : i32
    %dma_start3A_168 = arith.constant 7 : i32
    %dma_start3A_169 = arith.constant 7 : i32
    %dma_start3A_170 = tpu.memref_slice %arg4[%dma_start3A_169] : memref<8x!tpu.dma_semaphore, #tpu.memory_space<semaphore_mem>> -> memref<1x!tpu.dma_semaphore, #tpu.memory_space<semaphore_mem>>
    %dma_start3A_171 = tpu.memref_squeeze %dma_start3A_170 : memref<1x!tpu.dma_semaphore, #tpu.memory_space<semaphore_mem>> -> memref<!tpu.dma_semaphore, #tpu.memory_space<semaphore_mem>>
    %dma_start3A_172 = arith.constant 0 : i32
    %dma_start3A_173 = arith.constant 0 : i32
    %dma_start3A_174 = tpu.memref_slice %arg3[%dma_start3A_168, %dma_start3A_172, %dma_start3A_173] : memref<8x512x2048xf32, #tpu.memory_space<vmem>> -> memref<1x512x2048xf32, #tpu.memory_space<vmem>>
    %dma_start3A_175 = tpu.memref_squeeze %dma_start3A_174 : memref<1x512x2048xf32, #tpu.memory_space<vmem>> -> memref<512x2048xf32, #tpu.memory_space<vmem>>
    %dma_start3A_176 = arith.constant 3072 : i32
    %dma_start3A_177 = arith.constant 0 : i32
    %dma_start3A_178 = tpu.memref_slice %arg0[%dma_start3A_167, %dma_start3A_176, %dma_start3A_177] : memref<4x4096x2048xf32, #tpu.memory_space<any>> -> memref<1x512x2048xf32, #tpu.memory_space<any>>
    %dma_start3A_179 = tpu.memref_squeeze %dma_start3A_178 : memref<1x512x2048xf32, #tpu.memory_space<any>> -> memref<512x2048xf32, #tpu.memory_space<any>>
    tpu.enqueue_dma source(%dma_start3A_179 : memref<512x2048xf32, #tpu.memory_space<any>>) target(%dma_start3A_175 : memref<512x2048xf32, #tpu.memory_space<vmem>>) target_semaphore(%dma_start3A_171 : memref<!tpu.dma_semaphore, #tpu.memory_space<semaphore_mem>>)
    %dma_wait3A_180 = arith.constant 0 : i32
    %dma_wait3A_181 = arith.constant 3 : i32
    %dma_wait3A_182 = arith.constant 3 : i32
    %dma_wait3A_183 = tpu.memref_slice %arg4[%dma_wait3A_182] : memref<8x!tpu.dma_semaphore, #tpu.memory_space<semaphore_mem>> -> memref<1x!tpu.dma_semaphore, #tpu.memory_space<semaphore_mem>>
    %dma_wait3A_184 = tpu.memref_squeeze %dma_wait3A_183 : memref<1x!tpu.dma_semaphore, #tpu.memory_space<semaphore_mem>> -> memref<!tpu.dma_semaphore, #tpu.memory_space<semaphore_mem>>
    %dma_wait3A_185 = arith.constant 0 : i32
    %dma_wait3A_186 = arith.constant 0 : i32
    %dma_wait3A_187 = tpu.memref_slice %arg3[%dma_wait3A_181, %dma_wait3A_185, %dma_wait3A_186] : memref<8x512x2048xf32, #tpu.memory_space<vmem>> -> memref<1x512x2048xf32, #tpu.memory_space<vmem>>
    %dma_wait3A_188 = tpu.memref_squeeze %dma_wait3A_187 : memref<1x512x2048xf32, #tpu.memory_space<vmem>> -> memref<512x2048xf32, #tpu.memory_space<vmem>>
    %dma_wait3A_189 = arith.constant 1024 : i32
    %dma_wait3A_190 = arith.constant 0 : i32
    %dma_wait3A_191 = tpu.memref_slice %arg0[%dma_wait3A_180, %dma_wait3A_189, %dma_wait3A_190] : memref<4x4096x2048xf32, #tpu.memory_space<any>> -> memref<1x512x2048xf32, #tpu.memory_space<any>>
    %dma_wait3A_192 = tpu.memref_squeeze %dma_wait3A_191 : memref<1x512x2048xf32, #tpu.memory_space<any>> -> memref<512x2048xf32, #tpu.memory_space<any>>
    tpu.wait_dma2 semaphore(%dma_wait3A_184 : memref<!tpu.dma_semaphore, #tpu.memory_space<semaphore_mem>>) src(%dma_wait3A_192 : memref<512x2048xf32, #tpu.memory_space<any>>) dst(%dma_wait3A_188 : memref<512x2048xf32, #tpu.memory_space<vmem>>)
    %dma_start3A_193 = arith.constant 3 : i32
    %dma_start3A_194 = arith.constant 0 : i32
    %dma_start3A_195 = arith.constant 3 : i32
    %dma_start3A_196 = tpu.memref_slice %arg5[%dma_start3A_195] : memref<8x!tpu.dma_semaphore, #tpu.memory_space<semaphore_mem>> -> memref<1x!tpu.dma_semaphore, #tpu.memory_space<semaphore_mem>>
    %dma_start3A_197 = tpu.memref_squeeze %dma_start3A_196 : memref<1x!tpu.dma_semaphore, #tpu.memory_space<semaphore_mem>> -> memref<!tpu.dma_semaphore, #tpu.memory_space<semaphore_mem>>
    %dma_start3A_198 = arith.constant 1088 : i32
    %dma_start3A_199 = arith.constant 0 : i32
    %dma_start3A_200 = tpu.memref_slice %arg2[%dma_start3A_194, %dma_start3A_198, %dma_start3A_199] : memref<4x4160x2048xf32, #tpu.memory_space<any>> -> memref<1x512x2048xf32, #tpu.memory_space<any>>
    %dma_start3A_201 = tpu.memref_squeeze %dma_start3A_200 : memref<1x512x2048xf32, #tpu.memory_space<any>> -> memref<512x2048xf32, #tpu.memory_space<any>>
    %dma_start3A_202 = arith.constant 0 : i32
    %dma_start3A_203 = arith.constant 0 : i32
    %dma_start3A_204 = tpu.memref_slice %arg3[%dma_start3A_193, %dma_start3A_202, %dma_start3A_203] : memref<8x512x2048xf32, #tpu.memory_space<vmem>> -> memref<1x512x2048xf32, #tpu.memory_space<vmem>>
    %dma_start3A_205 = tpu.memref_squeeze %dma_start3A_204 : memref<1x512x2048xf32, #tpu.memory_space<vmem>> -> memref<512x2048xf32, #tpu.memory_space<vmem>>
    tpu.enqueue_dma source(%dma_start3A_205 : memref<512x2048xf32, #tpu.memory_space<vmem>>) target(%dma_start3A_201 : memref<512x2048xf32, #tpu.memory_space<any>>) target_semaphore(%dma_start3A_197 : memref<!tpu.dma_semaphore, #tpu.memory_space<semaphore_mem>>)
    %dma_wait3A_206 = arith.constant 0 : i32
    %dma_wait3A_207 = arith.constant 0 : i32
    %dma_wait3A_208 = arith.constant 0 : i32
    %dma_wait3A_209 = tpu.memref_slice %arg5[%dma_wait3A_208] : memref<8x!tpu.dma_semaphore, #tpu.memory_space<semaphore_mem>> -> memref<1x!tpu.dma_semaphore, #tpu.memory_space<semaphore_mem>>
    %dma_wait3A_210 = tpu.memref_squeeze %dma_wait3A_209 : memref<1x!tpu.dma_semaphore, #tpu.memory_space<semaphore_mem>> -> memref<!tpu.dma_semaphore, #tpu.memory_space<semaphore_mem>>
    %dma_wait3A_211 = arith.constant 0 : i32
    %dma_wait3A_212 = arith.constant 0 : i32
    %dma_wait3A_213 = tpu.memref_slice %arg2[%dma_wait3A_207, %dma_wait3A_211, %dma_wait3A_212] : memref<4x4160x2048xf32, #tpu.memory_space<any>> -> memref<1x64x2048xf32, #tpu.memory_space<any>>
    %dma_wait3A_214 = tpu.memref_squeeze %dma_wait3A_213 : memref<1x64x2048xf32, #tpu.memory_space<any>> -> memref<64x2048xf32, #tpu.memory_space<any>>
    %dma_wait3A_215 = arith.constant 0 : i32
    %dma_wait3A_216 = arith.constant 0 : i32
    %dma_wait3A_217 = tpu.memref_slice %arg3[%dma_wait3A_206, %dma_wait3A_215, %dma_wait3A_216] : memref<8x512x2048xf32, #tpu.memory_space<vmem>> -> memref<1x64x2048xf32, #tpu.memory_space<vmem>>
    %dma_wait3A_218 = tpu.memref_squeeze %dma_wait3A_217 : memref<1x64x2048xf32, #tpu.memory_space<vmem>> -> memref<64x2048xf32, #tpu.memory_space<vmem>>
    tpu.wait_dma2 semaphore(%dma_wait3A_210 : memref<!tpu.dma_semaphore, #tpu.memory_space<semaphore_mem>>) src(%dma_wait3A_218 : memref<64x2048xf32, #tpu.memory_space<vmem>>) dst(%dma_wait3A_214 : memref<64x2048xf32, #tpu.memory_space<any>>)
    %dma_start3A_219 = arith.constant 0 : i32
    %dma_start3A_220 = arith.constant 0 : i32
    %dma_start3A_221 = arith.constant 0 : i32
    %dma_start3A_222 = tpu.memref_slice %arg4[%dma_start3A_221] : memref<8x!tpu.dma_semaphore, #tpu.memory_space<semaphore_mem>> -> memref<1x!tpu.dma_semaphore, #tpu.memory_space<semaphore_mem>>
    %dma_start3A_223 = tpu.memref_squeeze %dma_start3A_222 : memref<1x!tpu.dma_semaphore, #tpu.memory_space<semaphore_mem>> -> memref<!tpu.dma_semaphore, #tpu.memory_space<semaphore_mem>>
    %dma_start3A_224 = arith.constant 0 : i32
    %dma_start3A_225 = arith.constant 0 : i32
    %dma_start3A_226 = tpu.memref_slice %arg3[%dma_start3A_220, %dma_start3A_224, %dma_start3A_225] : memref<8x512x2048xf32, #tpu.memory_space<vmem>> -> memref<1x512x2048xf32, #tpu.memory_space<vmem>>
    %dma_start3A_227 = tpu.memref_squeeze %dma_start3A_226 : memref<1x512x2048xf32, #tpu.memory_space<vmem>> -> memref<512x2048xf32, #tpu.memory_space<vmem>>
    %dma_start3A_228 = arith.constant 3584 : i32
    %dma_start3A_229 = arith.constant 0 : i32
    %dma_start3A_230 = tpu.memref_slice %arg0[%dma_start3A_219, %dma_start3A_228, %dma_start3A_229] : memref<4x4096x2048xf32, #tpu.memory_space<any>> -> memref<1x512x2048xf32, #tpu.memory_space<any>>
    %dma_start3A_231 = tpu.memref_squeeze %dma_start3A_230 : memref<1x512x2048xf32, #tpu.memory_space<any>> -> memref<512x2048xf32, #tpu.memory_space<any>>
    tpu.enqueue_dma source(%dma_start3A_231 : memref<512x2048xf32, #tpu.memory_space<any>>) target(%dma_start3A_227 : memref<512x2048xf32, #tpu.memory_space<vmem>>) target_semaphore(%dma_start3A_223 : memref<!tpu.dma_semaphore, #tpu.memory_space<semaphore_mem>>)
    %dma_wait3A_232 = arith.constant 0 : i32
    %dma_wait3A_233 = arith.constant 4 : i32
    %dma_wait3A_234 = arith.constant 4 : i32
    %dma_wait3A_235 = tpu.memref_slice %arg4[%dma_wait3A_234] : memref<8x!tpu.dma_semaphore, #tpu.memory_space<semaphore_mem>> -> memref<1x!tpu.dma_semaphore, #tpu.memory_space<semaphore_mem>>
    %dma_wait3A_236 = tpu.memref_squeeze %dma_wait3A_235 : memref<1x!tpu.dma_semaphore, #tpu.memory_space<semaphore_mem>> -> memref<!tpu.dma_semaphore, #tpu.memory_space<semaphore_mem>>
    %dma_wait3A_237 = arith.constant 0 : i32
    %dma_wait3A_238 = arith.constant 0 : i32
    %dma_wait3A_239 = tpu.memref_slice %arg3[%dma_wait3A_233, %dma_wait3A_237, %dma_wait3A_238] : memref<8x512x2048xf32, #tpu.memory_space<vmem>> -> memref<1x512x2048xf32, #tpu.memory_space<vmem>>
    %dma_wait3A_240 = tpu.memref_squeeze %dma_wait3A_239 : memref<1x512x2048xf32, #tpu.memory_space<vmem>> -> memref<512x2048xf32, #tpu.memory_space<vmem>>
    %dma_wait3A_241 = arith.constant 1536 : i32
    %dma_wait3A_242 = arith.constant 0 : i32
    %dma_wait3A_243 = tpu.memref_slice %arg0[%dma_wait3A_232, %dma_wait3A_241, %dma_wait3A_242] : memref<4x4096x2048xf32, #tpu.memory_space<any>> -> memref<1x512x2048xf32, #tpu.memory_space<any>>
    %dma_wait3A_244 = tpu.memref_squeeze %dma_wait3A_243 : memref<1x512x2048xf32, #tpu.memory_space<any>> -> memref<512x2048xf32, #tpu.memory_space<any>>
    tpu.wait_dma2 semaphore(%dma_wait3A_236 : memref<!tpu.dma_semaphore, #tpu.memory_space<semaphore_mem>>) src(%dma_wait3A_244 : memref<512x2048xf32, #tpu.memory_space<any>>) dst(%dma_wait3A_240 : memref<512x2048xf32, #tpu.memory_space<vmem>>)
    %dma_start3A_245 = arith.constant 4 : i32
    %dma_start3A_246 = arith.constant 0 : i32
    %dma_start3A_247 = arith.constant 4 : i32
    %dma_start3A_248 = tpu.memref_slice %arg5[%dma_start3A_247] : memref<8x!tpu.dma_semaphore, #tpu.memory_space<semaphore_mem>> -> memref<1x!tpu.dma_semaphore, #tpu.memory_space<semaphore_mem>>
    %dma_start3A_249 = tpu.memref_squeeze %dma_start3A_248 : memref<1x!tpu.dma_semaphore, #tpu.memory_space<semaphore_mem>> -> memref<!tpu.dma_semaphore, #tpu.memory_space<semaphore_mem>>
    %dma_start3A_250 = arith.constant 1600 : i32
    %dma_start3A_251 = arith.constant 0 : i32
    %dma_start3A_252 = tpu.memref_slice %arg2[%dma_start3A_246, %dma_start3A_250, %dma_start3A_251] : memref<4x4160x2048xf32, #tpu.memory_space<any>> -> memref<1x512x2048xf32, #tpu.memory_space<any>>
    %dma_start3A_253 = tpu.memref_squeeze %dma_start3A_252 : memref<1x512x2048xf32, #tpu.memory_space<any>> -> memref<512x2048xf32, #tpu.memory_space<any>>
    %dma_start3A_254 = arith.constant 0 : i32
    %dma_start3A_255 = arith.constant 0 : i32
    %dma_start3A_256 = tpu.memref_slice %arg3[%dma_start3A_245, %dma_start3A_254, %dma_start3A_255] : memref<8x512x2048xf32, #tpu.memory_space<vmem>> -> memref<1x512x2048xf32, #tpu.memory_space<vmem>>
    %dma_start3A_257 = tpu.memref_squeeze %dma_start3A_256 : memref<1x512x2048xf32, #tpu.memory_space<vmem>> -> memref<512x2048xf32, #tpu.memory_space<vmem>>
    tpu.enqueue_dma source(%dma_start3A_257 : memref<512x2048xf32, #tpu.memory_space<vmem>>) target(%dma_start3A_253 : memref<512x2048xf32, #tpu.memory_space<any>>) target_semaphore(%dma_start3A_249 : memref<!tpu.dma_semaphore, #tpu.memory_space<semaphore_mem>>)
    %dma_wait3A_258 = arith.constant 1 : i32
    %dma_wait3A_259 = arith.constant 0 : i32
    %dma_wait3A_260 = arith.constant 1 : i32
    %dma_wait3A_261 = tpu.memref_slice %arg5[%dma_wait3A_260] : memref<8x!tpu.dma_semaphore, #tpu.memory_space<semaphore_mem>> -> memref<1x!tpu.dma_semaphore, #tpu.memory_space<semaphore_mem>>
    %dma_wait3A_262 = tpu.memref_squeeze %dma_wait3A_261 : memref<1x!tpu.dma_semaphore, #tpu.memory_space<semaphore_mem>> -> memref<!tpu.dma_semaphore, #tpu.memory_space<semaphore_mem>>
    %dma_wait3A_263 = arith.constant 64 : i32
    %dma_wait3A_264 = arith.constant 0 : i32
    %dma_wait3A_265 = tpu.memref_slice %arg2[%dma_wait3A_259, %dma_wait3A_263, %dma_wait3A_264] : memref<4x4160x2048xf32, #tpu.memory_space<any>> -> memref<1x512x2048xf32, #tpu.memory_space<any>>
    %dma_wait3A_266 = tpu.memref_squeeze %dma_wait3A_265 : memref<1x512x2048xf32, #tpu.memory_space<any>> -> memref<512x2048xf32, #tpu.memory_space<any>>
    %dma_wait3A_267 = arith.constant 0 : i32
    %dma_wait3A_268 = arith.constant 0 : i32
    %dma_wait3A_269 = tpu.memref_slice %arg3[%dma_wait3A_258, %dma_wait3A_267, %dma_wait3A_268] : memref<8x512x2048xf32, #tpu.memory_space<vmem>> -> memref<1x512x2048xf32, #tpu.memory_space<vmem>>
    %dma_wait3A_270 = tpu.memref_squeeze %dma_wait3A_269 : memref<1x512x2048xf32, #tpu.memory_space<vmem>> -> memref<512x2048xf32, #tpu.memory_space<vmem>>
    tpu.wait_dma2 semaphore(%dma_wait3A_262 : memref<!tpu.dma_semaphore, #tpu.memory_space<semaphore_mem>>) src(%dma_wait3A_270 : memref<512x2048xf32, #tpu.memory_space<vmem>>) dst(%dma_wait3A_266 : memref<512x2048xf32, #tpu.memory_space<any>>)
    %dma_start3A_271 = arith.constant 1 : i32
    %dma_start3A_272 = arith.constant 1 : i32
    %dma_start3A_273 = arith.constant 1 : i32
    %dma_start3A_274 = tpu.memref_slice %arg4[%dma_start3A_273] : memref<8x!tpu.dma_semaphore, #tpu.memory_space<semaphore_mem>> -> memref<1x!tpu.dma_semaphore, #tpu.memory_space<semaphore_mem>>
    %dma_start3A_275 = tpu.memref_squeeze %dma_start3A_274 : memref<1x!tpu.dma_semaphore, #tpu.memory_space<semaphore_mem>> -> memref<!tpu.dma_semaphore, #tpu.memory_space<semaphore_mem>>
    %dma_start3A_276 = arith.constant 0 : i32
    %dma_start3A_277 = arith.constant 0 : i32
    %dma_start3A_278 = tpu.memref_slice %arg3[%dma_start3A_272, %dma_start3A_276, %dma_start3A_277] : memref<8x512x2048xf32, #tpu.memory_space<vmem>> -> memref<1x64x2048xf32, #tpu.memory_space<vmem>>
    %dma_start3A_279 = tpu.memref_squeeze %dma_start3A_278 : memref<1x64x2048xf32, #tpu.memory_space<vmem>> -> memref<64x2048xf32, #tpu.memory_space<vmem>>
    %dma_start3A_280 = arith.constant 0 : i32
    %dma_start3A_281 = arith.constant 0 : i32
    %dma_start3A_282 = tpu.memref_slice %arg1[%dma_start3A_271, %dma_start3A_280, %dma_start3A_281] : memref<4x64x2048xf32, #tpu.memory_space<any>> -> memref<1x64x2048xf32, #tpu.memory_space<any>>
    %dma_start3A_283 = tpu.memref_squeeze %dma_start3A_282 : memref<1x64x2048xf32, #tpu.memory_space<any>> -> memref<64x2048xf32, #tpu.memory_space<any>>
    tpu.enqueue_dma source(%dma_start3A_283 : memref<64x2048xf32, #tpu.memory_space<any>>) target(%dma_start3A_279 : memref<64x2048xf32, #tpu.memory_space<vmem>>) target_semaphore(%dma_start3A_275 : memref<!tpu.dma_semaphore, #tpu.memory_space<semaphore_mem>>)
    %dma_wait3A_284 = arith.constant 0 : i32
    %dma_wait3A_285 = arith.constant 5 : i32
    %dma_wait3A_286 = arith.constant 5 : i32
    %dma_wait3A_287 = tpu.memref_slice %arg4[%dma_wait3A_286] : memref<8x!tpu.dma_semaphore, #tpu.memory_space<semaphore_mem>> -> memref<1x!tpu.dma_semaphore, #tpu.memory_space<semaphore_mem>>
    %dma_wait3A_288 = tpu.memref_squeeze %dma_wait3A_287 : memref<1x!tpu.dma_semaphore, #tpu.memory_space<semaphore_mem>> -> memref<!tpu.dma_semaphore, #tpu.memory_space<semaphore_mem>>
    %dma_wait3A_289 = arith.constant 0 : i32
    %dma_wait3A_290 = arith.constant 0 : i32
    %dma_wait3A_291 = tpu.memref_slice %arg3[%dma_wait3A_285, %dma_wait3A_289, %dma_wait3A_290] : memref<8x512x2048xf32, #tpu.memory_space<vmem>> -> memref<1x512x2048xf32, #tpu.memory_space<vmem>>
    %dma_wait3A_292 = tpu.memref_squeeze %dma_wait3A_291 : memref<1x512x2048xf32, #tpu.memory_space<vmem>> -> memref<512x2048xf32, #tpu.memory_space<vmem>>
    %dma_wait3A_293 = arith.constant 2048 : i32
    %dma_wait3A_294 = arith.constant 0 : i32
    %dma_wait3A_295 = tpu.memref_slice %arg0[%dma_wait3A_284, %dma_wait3A_293, %dma_wait3A_294] : memref<4x4096x2048xf32, #tpu.memory_space<any>> -> memref<1x512x2048xf32, #tpu.memory_space<any>>
    %dma_wait3A_296 = tpu.memref_squeeze %dma_wait3A_295 : memref<1x512x2048xf32, #tpu.memory_space<any>> -> memref<512x2048xf32, #tpu.memory_space<any>>
    tpu.wait_dma2 semaphore(%dma_wait3A_288 : memref<!tpu.dma_semaphore, #tpu.memory_space<semaphore_mem>>) src(%dma_wait3A_296 : memref<512x2048xf32, #tpu.memory_space<any>>) dst(%dma_wait3A_292 : memref<512x2048xf32, #tpu.memory_space<vmem>>)
    %dma_start3A_297 = arith.constant 5 : i32
    %dma_start3A_298 = arith.constant 0 : i32
    %dma_start3A_299 = arith.constant 5 : i32
    %dma_start3A_300 = tpu.memref_slice %arg5[%dma_start3A_299] : memref<8x!tpu.dma_semaphore, #tpu.memory_space<semaphore_mem>> -> memref<1x!tpu.dma_semaphore, #tpu.memory_space<semaphore_mem>>
    %dma_start3A_301 = tpu.memref_squeeze %dma_start3A_300 : memref<1x!tpu.dma_semaphore, #tpu.memory_space<semaphore_mem>> -> memref<!tpu.dma_semaphore, #tpu.memory_space<semaphore_mem>>
    %dma_start3A_302 = arith.constant 2112 : i32
    %dma_start3A_303 = arith.constant 0 : i32
    %dma_start3A_304 = tpu.memref_slice %arg2[%dma_start3A_298, %dma_start3A_302, %dma_start3A_303] : memref<4x4160x2048xf32, #tpu.memory_space<any>> -> memref<1x512x2048xf32, #tpu.memory_space<any>>
    %dma_start3A_305 = tpu.memref_squeeze %dma_start3A_304 : memref<1x512x2048xf32, #tpu.memory_space<any>> -> memref<512x2048xf32, #tpu.memory_space<any>>
    %dma_start3A_306 = arith.constant 0 : i32
    %dma_start3A_307 = arith.constant 0 : i32
    %dma_start3A_308 = tpu.memref_slice %arg3[%dma_start3A_297, %dma_start3A_306, %dma_start3A_307] : memref<8x512x2048xf32, #tpu.memory_space<vmem>> -> memref<1x512x2048xf32, #tpu.memory_space<vmem>>
    %dma_start3A_309 = tpu.memref_squeeze %dma_start3A_308 : memref<1x512x2048xf32, #tpu.memory_space<vmem>> -> memref<512x2048xf32, #tpu.memory_space<vmem>>
    tpu.enqueue_dma source(%dma_start3A_309 : memref<512x2048xf32, #tpu.memory_space<vmem>>) target(%dma_start3A_305 : memref<512x2048xf32, #tpu.memory_space<any>>) target_semaphore(%dma_start3A_301 : memref<!tpu.dma_semaphore, #tpu.memory_space<semaphore_mem>>)
    %dma_wait3A_310 = arith.constant 2 : i32
    %dma_wait3A_311 = arith.constant 0 : i32
    %dma_wait3A_312 = arith.constant 2 : i32
    %dma_wait3A_313 = tpu.memref_slice %arg5[%dma_wait3A_312] : memref<8x!tpu.dma_semaphore, #tpu.memory_space<semaphore_mem>> -> memref<1x!tpu.dma_semaphore, #tpu.memory_space<semaphore_mem>>
    %dma_wait3A_314 = tpu.memref_squeeze %dma_wait3A_313 : memref<1x!tpu.dma_semaphore, #tpu.memory_space<semaphore_mem>> -> memref<!tpu.dma_semaphore, #tpu.memory_space<semaphore_mem>>
    %dma_wait3A_315 = arith.constant 576 : i32
    %dma_wait3A_316 = arith.constant 0 : i32
    %dma_wait3A_317 = tpu.memref_slice %arg2[%dma_wait3A_311, %dma_wait3A_315, %dma_wait3A_316] : memref<4x4160x2048xf32, #tpu.memory_space<any>> -> memref<1x512x2048xf32, #tpu.memory_space<any>>
    %dma_wait3A_318 = tpu.memref_squeeze %dma_wait3A_317 : memref<1x512x2048xf32, #tpu.memory_space<any>> -> memref<512x2048xf32, #tpu.memory_space<any>>
    %dma_wait3A_319 = arith.constant 0 : i32
    %dma_wait3A_320 = arith.constant 0 : i32
    %dma_wait3A_321 = tpu.memref_slice %arg3[%dma_wait3A_310, %dma_wait3A_319, %dma_wait3A_320] : memref<8x512x2048xf32, #tpu.memory_space<vmem>> -> memref<1x512x2048xf32, #tpu.memory_space<vmem>>
    %dma_wait3A_322 = tpu.memref_squeeze %dma_wait3A_321 : memref<1x512x2048xf32, #tpu.memory_space<vmem>> -> memref<512x2048xf32, #tpu.memory_space<vmem>>
    tpu.wait_dma2 semaphore(%dma_wait3A_314 : memref<!tpu.dma_semaphore, #tpu.memory_space<semaphore_mem>>) src(%dma_wait3A_322 : memref<512x2048xf32, #tpu.memory_space<vmem>>) dst(%dma_wait3A_318 : memref<512x2048xf32, #tpu.memory_space<any>>)
    %dma_start3A_323 = arith.constant 1 : i32
    %dma_start3A_324 = arith.constant 2 : i32
    %dma_start3A_325 = arith.constant 2 : i32
    %dma_start3A_326 = tpu.memref_slice %arg4[%dma_start3A_325] : memref<8x!tpu.dma_semaphore, #tpu.memory_space<semaphore_mem>> -> memref<1x!tpu.dma_semaphore, #tpu.memory_space<semaphore_mem>>
    %dma_start3A_327 = tpu.memref_squeeze %dma_start3A_326 : memref<1x!tpu.dma_semaphore, #tpu.memory_space<semaphore_mem>> -> memref<!tpu.dma_semaphore, #tpu.memory_space<semaphore_mem>>
    %dma_start3A_328 = arith.constant 0 : i32
    %dma_start3A_329 = arith.constant 0 : i32
    %dma_start3A_330 = tpu.memref_slice %arg3[%dma_start3A_324, %dma_start3A_328, %dma_start3A_329] : memref<8x512x2048xf32, #tpu.memory_space<vmem>> -> memref<1x512x2048xf32, #tpu.memory_space<vmem>>
    %dma_start3A_331 = tpu.memref_squeeze %dma_start3A_330 : memref<1x512x2048xf32, #tpu.memory_space<vmem>> -> memref<512x2048xf32, #tpu.memory_space<vmem>>
    %dma_start3A_332 = arith.constant 0 : i32
    %dma_start3A_333 = arith.constant 0 : i32
    %dma_start3A_334 = tpu.memref_slice %arg0[%dma_start3A_323, %dma_start3A_332, %dma_start3A_333] : memref<4x4096x2048xf32, #tpu.memory_space<any>> -> memref<1x512x2048xf32, #tpu.memory_space<any>>
    %dma_start3A_335 = tpu.memref_squeeze %dma_start3A_334 : memref<1x512x2048xf32, #tpu.memory_space<any>> -> memref<512x2048xf32, #tpu.memory_space<any>>
    tpu.enqueue_dma source(%dma_start3A_335 : memref<512x2048xf32, #tpu.memory_space<any>>) target(%dma_start3A_331 : memref<512x2048xf32, #tpu.memory_space<vmem>>) target_semaphore(%dma_start3A_327 : memref<!tpu.dma_semaphore, #tpu.memory_space<semaphore_mem>>)
    %dma_wait3A_336 = arith.constant 0 : i32
    %dma_wait3A_337 = arith.constant 6 : i32
    %dma_wait3A_338 = arith.constant 6 : i32
    %dma_wait3A_339 = tpu.memref_slice %arg4[%dma_wait3A_338] : memref<8x!tpu.dma_semaphore, #tpu.memory_space<semaphore_mem>> -> memref<1x!tpu.dma_semaphore, #tpu.memory_space<semaphore_mem>>
    %dma_wait3A_340 = tpu.memref_squeeze %dma_wait3A_339 : memref<1x!tpu.dma_semaphore, #tpu.memory_space<semaphore_mem>> -> memref<!tpu.dma_semaphore, #tpu.memory_space<semaphore_mem>>
    %dma_wait3A_341 = arith.constant 0 : i32
    %dma_wait3A_342 = arith.constant 0 : i32
    %dma_wait3A_343 = tpu.memref_slice %arg3[%dma_wait3A_337, %dma_wait3A_341, %dma_wait3A_342] : memref<8x512x2048xf32, #tpu.memory_space<vmem>> -> memref<1x512x2048xf32, #tpu.memory_space<vmem>>
    %dma_wait3A_344 = tpu.memref_squeeze %dma_wait3A_343 : memref<1x512x2048xf32, #tpu.memory_space<vmem>> -> memref<512x2048xf32, #tpu.memory_space<vmem>>
    %dma_wait3A_345 = arith.constant 2560 : i32
    %dma_wait3A_346 = arith.constant 0 : i32
    %dma_wait3A_347 = tpu.memref_slice %arg0[%dma_wait3A_336, %dma_wait3A_345, %dma_wait3A_346] : memref<4x4096x2048xf32, #tpu.memory_space<any>> -> memref<1x512x2048xf32, #tpu.memory_space<any>>
    %dma_wait3A_348 = tpu.memref_squeeze %dma_wait3A_347 : memref<1x512x2048xf32, #tpu.memory_space<any>> -> memref<512x2048xf32, #tpu.memory_space<any>>
    tpu.wait_dma2 semaphore(%dma_wait3A_340 : memref<!tpu.dma_semaphore, #tpu.memory_space<semaphore_mem>>) src(%dma_wait3A_348 : memref<512x2048xf32, #tpu.memory_space<any>>) dst(%dma_wait3A_344 : memref<512x2048xf32, #tpu.memory_space<vmem>>)
    %dma_start3A_349 = arith.constant 6 : i32
    %dma_start3A_350 = arith.constant 0 : i32
    %dma_start3A_351 = arith.constant 6 : i32
    %dma_start3A_352 = tpu.memref_slice %arg5[%dma_start3A_351] : memref<8x!tpu.dma_semaphore, #tpu.memory_space<semaphore_mem>> -> memref<1x!tpu.dma_semaphore, #tpu.memory_space<semaphore_mem>>
    %dma_start3A_353 = tpu.memref_squeeze %dma_start3A_352 : memref<1x!tpu.dma_semaphore, #tpu.memory_space<semaphore_mem>> -> memref<!tpu.dma_semaphore, #tpu.memory_space<semaphore_mem>>
    %dma_start3A_354 = arith.constant 2624 : i32
    %dma_start3A_355 = arith.constant 0 : i32
    %dma_start3A_356 = tpu.memref_slice %arg2[%dma_start3A_350, %dma_start3A_354, %dma_start3A_355] : memref<4x4160x2048xf32, #tpu.memory_space<any>> -> memref<1x512x2048xf32, #tpu.memory_space<any>>
    %dma_start3A_357 = tpu.memref_squeeze %dma_start3A_356 : memref<1x512x2048xf32, #tpu.memory_space<any>> -> memref<512x2048xf32, #tpu.memory_space<any>>
    %dma_start3A_358 = arith.constant 0 : i32
    %dma_start3A_359 = arith.constant 0 : i32
    %dma_start3A_360 = tpu.memref_slice %arg3[%dma_start3A_349, %dma_start3A_358, %dma_start3A_359] : memref<8x512x2048xf32, #tpu.memory_space<vmem>> -> memref<1x512x2048xf32, #tpu.memory_space<vmem>>
    %dma_start3A_361 = tpu.memref_squeeze %dma_start3A_360 : memref<1x512x2048xf32, #tpu.memory_space<vmem>> -> memref<512x2048xf32, #tpu.memory_space<vmem>>
    tpu.enqueue_dma source(%dma_start3A_361 : memref<512x2048xf32, #tpu.memory_space<vmem>>) target(%dma_start3A_357 : memref<512x2048xf32, #tpu.memory_space<any>>) target_semaphore(%dma_start3A_353 : memref<!tpu.dma_semaphore, #tpu.memory_space<semaphore_mem>>)
    %dma_wait3A_362 = arith.constant 3 : i32
    %dma_wait3A_363 = arith.constant 0 : i32
    %dma_wait3A_364 = arith.constant 3 : i32
    %dma_wait3A_365 = tpu.memref_slice %arg5[%dma_wait3A_364] : memref<8x!tpu.dma_semaphore, #tpu.memory_space<semaphore_mem>> -> memref<1x!tpu.dma_semaphore, #tpu.memory_space<semaphore_mem>>
    %dma_wait3A_366 = tpu.memref_squeeze %dma_wait3A_365 : memref<1x!tpu.dma_semaphore, #tpu.memory_space<semaphore_mem>> -> memref<!tpu.dma_semaphore, #tpu.memory_space<semaphore_mem>>
    %dma_wait3A_367 = arith.constant 1088 : i32
    %dma_wait3A_368 = arith.constant 0 : i32
    %dma_wait3A_369 = tpu.memref_slice %arg2[%dma_wait3A_363, %dma_wait3A_367, %dma_wait3A_368] : memref<4x4160x2048xf32, #tpu.memory_space<any>> -> memref<1x512x2048xf32, #tpu.memory_space<any>>
    %dma_wait3A_370 = tpu.memref_squeeze %dma_wait3A_369 : memref<1x512x2048xf32, #tpu.memory_space<any>> -> memref<512x2048xf32, #tpu.memory_space<any>>
    %dma_wait3A_371 = arith.constant 0 : i32
    %dma_wait3A_372 = arith.constant 0 : i32
    %dma_wait3A_373 = tpu.memref_slice %arg3[%dma_wait3A_362, %dma_wait3A_371, %dma_wait3A_372] : memref<8x512x2048xf32, #tpu.memory_space<vmem>> -> memref<1x512x2048xf32, #tpu.memory_space<vmem>>
    %dma_wait3A_374 = tpu.memref_squeeze %dma_wait3A_373 : memref<1x512x2048xf32, #tpu.memory_space<vmem>> -> memref<512x2048xf32, #tpu.memory_space<vmem>>
    tpu.wait_dma2 semaphore(%dma_wait3A_366 : memref<!tpu.dma_semaphore, #tpu.memory_space<semaphore_mem>>) src(%dma_wait3A_374 : memref<512x2048xf32, #tpu.memory_space<vmem>>) dst(%dma_wait3A_370 : memref<512x2048xf32, #tpu.memory_space<any>>)
    %dma_start3A_375 = arith.constant 1 : i32
    %dma_start3A_376 = arith.constant 3 : i32
    %dma_start3A_377 = arith.constant 3 : i32
    %dma_start3A_378 = tpu.memref_slice %arg4[%dma_start3A_377] : memref<8x!tpu.dma_semaphore, #tpu.memory_space<semaphore_mem>> -> memref<1x!tpu.dma_semaphore, #tpu.memory_space<semaphore_mem>>
    %dma_start3A_379 = tpu.memref_squeeze %dma_start3A_378 : memref<1x!tpu.dma_semaphore, #tpu.memory_space<semaphore_mem>> -> memref<!tpu.dma_semaphore, #tpu.memory_space<semaphore_mem>>
    %dma_start3A_380 = arith.constant 0 : i32
    %dma_start3A_381 = arith.constant 0 : i32
    %dma_start3A_382 = tpu.memref_slice %arg3[%dma_start3A_376, %dma_start3A_380, %dma_start3A_381] : memref<8x512x2048xf32, #tpu.memory_space<vmem>> -> memref<1x512x2048xf32, #tpu.memory_space<vmem>>
    %dma_start3A_383 = tpu.memref_squeeze %dma_start3A_382 : memref<1x512x2048xf32, #tpu.memory_space<vmem>> -> memref<512x2048xf32, #tpu.memory_space<vmem>>
    %dma_start3A_384 = arith.constant 512 : i32
    %dma_start3A_385 = arith.constant 0 : i32
    %dma_start3A_386 = tpu.memref_slice %arg0[%dma_start3A_375, %dma_start3A_384, %dma_start3A_385] : memref<4x4096x2048xf32, #tpu.memory_space<any>> -> memref<1x512x2048xf32, #tpu.memory_space<any>>
    %dma_start3A_387 = tpu.memref_squeeze %dma_start3A_386 : memref<1x512x2048xf32, #tpu.memory_space<any>> -> memref<512x2048xf32, #tpu.memory_space<any>>
    tpu.enqueue_dma source(%dma_start3A_387 : memref<512x2048xf32, #tpu.memory_space<any>>) target(%dma_start3A_383 : memref<512x2048xf32, #tpu.memory_space<vmem>>) target_semaphore(%dma_start3A_379 : memref<!tpu.dma_semaphore, #tpu.memory_space<semaphore_mem>>)
    %dma_wait3A_388 = arith.constant 0 : i32
    %dma_wait3A_389 = arith.constant 7 : i32
    %dma_wait3A_390 = arith.constant 7 : i32
    %dma_wait3A_391 = tpu.memref_slice %arg4[%dma_wait3A_390] : memref<8x!tpu.dma_semaphore, #tpu.memory_space<semaphore_mem>> -> memref<1x!tpu.dma_semaphore, #tpu.memory_space<semaphore_mem>>
    %dma_wait3A_392 = tpu.memref_squeeze %dma_wait3A_391 : memref<1x!tpu.dma_semaphore, #tpu.memory_space<semaphore_mem>> -> memref<!tpu.dma_semaphore, #tpu.memory_space<semaphore_mem>>
    %dma_wait3A_393 = arith.constant 0 : i32
    %dma_wait3A_394 = arith.constant 0 : i32
    %dma_wait3A_395 = tpu.memref_slice %arg3[%dma_wait3A_389, %dma_wait3A_393, %dma_wait3A_394] : memref<8x512x2048xf32, #tpu.memory_space<vmem>> -> memref<1x512x2048xf32, #tpu.memory_space<vmem>>
    %dma_wait3A_396 = tpu.memref_squeeze %dma_wait3A_395 : memref<1x512x2048xf32, #tpu.memory_space<vmem>> -> memref<512x2048xf32, #tpu.memory_space<vmem>>
    %dma_wait3A_397 = arith.constant 3072 : i32
    %dma_wait3A_398 = arith.constant 0 : i32
    %dma_wait3A_399 = tpu.memref_slice %arg0[%dma_wait3A_388, %dma_wait3A_397, %dma_wait3A_398] : memref<4x4096x2048xf32, #tpu.memory_space<any>> -> memref<1x512x2048xf32, #tpu.memory_space<any>>
    %dma_wait3A_400 = tpu.memref_squeeze %dma_wait3A_399 : memref<1x512x2048xf32, #tpu.memory_space<any>> -> memref<512x2048xf32, #tpu.memory_space<any>>
    tpu.wait_dma2 semaphore(%dma_wait3A_392 : memref<!tpu.dma_semaphore, #tpu.memory_space<semaphore_mem>>) src(%dma_wait3A_400 : memref<512x2048xf32, #tpu.memory_space<any>>) dst(%dma_wait3A_396 : memref<512x2048xf32, #tpu.memory_space<vmem>>)
    %dma_start3A_401 = arith.constant 7 : i32
    %dma_start3A_402 = arith.constant 0 : i32
    %dma_start3A_403 = arith.constant 7 : i32
    %dma_start3A_404 = tpu.memref_slice %arg5[%dma_start3A_403] : memref<8x!tpu.dma_semaphore, #tpu.memory_space<semaphore_mem>> -> memref<1x!tpu.dma_semaphore, #tpu.memory_space<semaphore_mem>>
    %dma_start3A_405 = tpu.memref_squeeze %dma_start3A_404 : memref<1x!tpu.dma_semaphore, #tpu.memory_space<semaphore_mem>> -> memref<!tpu.dma_semaphore, #tpu.memory_space<semaphore_mem>>
    %dma_start3A_406 = arith.constant 3136 : i32
    %dma_start3A_407 = arith.constant 0 : i32
    %dma_start3A_408 = tpu.memref_slice %arg2[%dma_start3A_402, %dma_start3A_406, %dma_start3A_407] : memref<4x4160x2048xf32, #tpu.memory_space<any>> -> memref<1x512x2048xf32, #tpu.memory_space<any>>
    %dma_start3A_409 = tpu.memref_squeeze %dma_start3A_408 : memref<1x512x2048xf32, #tpu.memory_space<any>> -> memref<512x2048xf32, #tpu.memory_space<any>>
    %dma_start3A_410 = arith.constant 0 : i32
    %dma_start3A_411 = arith.constant 0 : i32
    %dma_start3A_412 = tpu.memref_slice %arg3[%dma_start3A_401, %dma_start3A_410, %dma_start3A_411] : memref<8x512x2048xf32, #tpu.memory_space<vmem>> -> memref<1x512x2048xf32, #tpu.memory_space<vmem>>
    %dma_start3A_413 = tpu.memref_squeeze %dma_start3A_412 : memref<1x512x2048xf32, #tpu.memory_space<vmem>> -> memref<512x2048xf32, #tpu.memory_space<vmem>>
    tpu.enqueue_dma source(%dma_start3A_413 : memref<512x2048xf32, #tpu.memory_space<vmem>>) target(%dma_start3A_409 : memref<512x2048xf32, #tpu.memory_space<any>>) target_semaphore(%dma_start3A_405 : memref<!tpu.dma_semaphore, #tpu.memory_space<semaphore_mem>>)
    %dma_wait3A_414 = arith.constant 4 : i32
    %dma_wait3A_415 = arith.constant 0 : i32
    %dma_wait3A_416 = arith.constant 4 : i32
    %dma_wait3A_417 = tpu.memref_slice %arg5[%dma_wait3A_416] : memref<8x!tpu.dma_semaphore, #tpu.memory_space<semaphore_mem>> -> memref<1x!tpu.dma_semaphore, #tpu.memory_space<semaphore_mem>>
    %dma_wait3A_418 = tpu.memref_squeeze %dma_wait3A_417 : memref<1x!tpu.dma_semaphore, #tpu.memory_space<semaphore_mem>> -> memref<!tpu.dma_semaphore, #tpu.memory_space<semaphore_mem>>
    %dma_wait3A_419 = arith.constant 1600 : i32
    %dma_wait3A_420 = arith.constant 0 : i32
    %dma_wait3A_421 = tpu.memref_slice %arg2[%dma_wait3A_415, %dma_wait3A_419, %dma_wait3A_420] : memref<4x4160x2048xf32, #tpu.memory_space<any>> -> memref<1x512x2048xf32, #tpu.memory_space<any>>
    %dma_wait3A_422 = tpu.memref_squeeze %dma_wait3A_421 : memref<1x512x2048xf32, #tpu.memory_space<any>> -> memref<512x2048xf32, #tpu.memory_space<any>>
    %dma_wait3A_423 = arith.constant 0 : i32
    %dma_wait3A_424 = arith.constant 0 : i32
    %dma_wait3A_425 = tpu.memref_slice %arg3[%dma_wait3A_414, %dma_wait3A_423, %dma_wait3A_424] : memref<8x512x2048xf32, #tpu.memory_space<vmem>> -> memref<1x512x2048xf32, #tpu.memory_space<vmem>>
    %dma_wait3A_426 = tpu.memref_squeeze %dma_wait3A_425 : memref<1x512x2048xf32, #tpu.memory_space<vmem>> -> memref<512x2048xf32, #tpu.memory_space<vmem>>
    tpu.wait_dma2 semaphore(%dma_wait3A_418 : memref<!tpu.dma_semaphore, #tpu.memory_space<semaphore_mem>>) src(%dma_wait3A_426 : memref<512x2048xf32, #tpu.memory_space<vmem>>) dst(%dma_wait3A_422 : memref<512x2048xf32, #tpu.memory_space<any>>)
    %dma_start3A_427 = arith.constant 1 : i32
    %dma_start3A_428 = arith.constant 4 : i32
    %dma_start3A_429 = arith.constant 4 : i32
    %dma_start3A_430 = tpu.memref_slice %arg4[%dma_start3A_429] : memref<8x!tpu.dma_semaphore, #tpu.memory_space<semaphore_mem>> -> memref<1x!tpu.dma_semaphore, #tpu.memory_space<semaphore_mem>>
    %dma_start3A_431 = tpu.memref_squeeze %dma_start3A_430 : memref<1x!tpu.dma_semaphore, #tpu.memory_space<semaphore_mem>> -> memref<!tpu.dma_semaphore, #tpu.memory_space<semaphore_mem>>
    %dma_start3A_432 = arith.constant 0 : i32
    %dma_start3A_433 = arith.constant 0 : i32
    %dma_start3A_434 = tpu.memref_slice %arg3[%dma_start3A_428, %dma_start3A_432, %dma_start3A_433] : memref<8x512x2048xf32, #tpu.memory_space<vmem>> -> memref<1x512x2048xf32, #tpu.memory_space<vmem>>
    %dma_start3A_435 = tpu.memref_squeeze %dma_start3A_434 : memref<1x512x2048xf32, #tpu.memory_space<vmem>> -> memref<512x2048xf32, #tpu.memory_space<vmem>>
    %dma_start3A_436 = arith.constant 1024 : i32
    %dma_start3A_437 = arith.constant 0 : i32
    %dma_start3A_438 = tpu.memref_slice %arg0[%dma_start3A_427, %dma_start3A_436, %dma_start3A_437] : memref<4x4096x2048xf32, #tpu.memory_space<any>> -> memref<1x512x2048xf32, #tpu.memory_space<any>>
    %dma_start3A_439 = tpu.memref_squeeze %dma_start3A_438 : memref<1x512x2048xf32, #tpu.memory_space<any>> -> memref<512x2048xf32, #tpu.memory_space<any>>
    tpu.enqueue_dma source(%dma_start3A_439 : memref<512x2048xf32, #tpu.memory_space<any>>) target(%dma_start3A_435 : memref<512x2048xf32, #tpu.memory_space<vmem>>) target_semaphore(%dma_start3A_431 : memref<!tpu.dma_semaphore, #tpu.memory_space<semaphore_mem>>)
    %dma_wait3A_440 = arith.constant 0 : i32
    %dma_wait3A_441 = arith.constant 0 : i32
    %dma_wait3A_442 = arith.constant 0 : i32
    %dma_wait3A_443 = tpu.memref_slice %arg4[%dma_wait3A_442] : memref<8x!tpu.dma_semaphore, #tpu.memory_space<semaphore_mem>> -> memref<1x!tpu.dma_semaphore, #tpu.memory_space<semaphore_mem>>
    %dma_wait3A_444 = tpu.memref_squeeze %dma_wait3A_443 : memref<1x!tpu.dma_semaphore, #tpu.memory_space<semaphore_mem>> -> memref<!tpu.dma_semaphore, #tpu.memory_space<semaphore_mem>>
    %dma_wait3A_445 = arith.constant 0 : i32
    %dma_wait3A_446 = arith.constant 0 : i32
    %dma_wait3A_447 = tpu.memref_slice %arg3[%dma_wait3A_441, %dma_wait3A_445, %dma_wait3A_446] : memref<8x512x2048xf32, #tpu.memory_space<vmem>> -> memref<1x512x2048xf32, #tpu.memory_space<vmem>>
    %dma_wait3A_448 = tpu.memref_squeeze %dma_wait3A_447 : memref<1x512x2048xf32, #tpu.memory_space<vmem>> -> memref<512x2048xf32, #tpu.memory_space<vmem>>
    %dma_wait3A_449 = arith.constant 3584 : i32
    %dma_wait3A_450 = arith.constant 0 : i32
    %dma_wait3A_451 = tpu.memref_slice %arg0[%dma_wait3A_440, %dma_wait3A_449, %dma_wait3A_450] : memref<4x4096x2048xf32, #tpu.memory_space<any>> -> memref<1x512x2048xf32, #tpu.memory_space<any>>
    %dma_wait3A_452 = tpu.memref_squeeze %dma_wait3A_451 : memref<1x512x2048xf32, #tpu.memory_space<any>> -> memref<512x2048xf32, #tpu.memory_space<any>>
    tpu.wait_dma2 semaphore(%dma_wait3A_444 : memref<!tpu.dma_semaphore, #tpu.memory_space<semaphore_mem>>) src(%dma_wait3A_452 : memref<512x2048xf32, #tpu.memory_space<any>>) dst(%dma_wait3A_448 : memref<512x2048xf32, #tpu.memory_space<vmem>>)
    %dma_start3A_453 = arith.constant 0 : i32
    %dma_start3A_454 = arith.constant 0 : i32
    %dma_start3A_455 = arith.constant 0 : i32
    %dma_start3A_456 = tpu.memref_slice %arg5[%dma_start3A_455] : memref<8x!tpu.dma_semaphore, #tpu.memory_space<semaphore_mem>> -> memref<1x!tpu.dma_semaphore, #tpu.memory_space<semaphore_mem>>
    %dma_start3A_457 = tpu.memref_squeeze %dma_start3A_456 : memref<1x!tpu.dma_semaphore, #tpu.memory_space<semaphore_mem>> -> memref<!tpu.dma_semaphore, #tpu.memory_space<semaphore_mem>>
    %dma_start3A_458 = arith.constant 3648 : i32
    %dma_start3A_459 = arith.constant 0 : i32
    %dma_start3A_460 = tpu.memref_slice %arg2[%dma_start3A_454, %dma_start3A_458, %dma_start3A_459] : memref<4x4160x2048xf32, #tpu.memory_space<any>> -> memref<1x512x2048xf32, #tpu.memory_space<any>>
    %dma_start3A_461 = tpu.memref_squeeze %dma_start3A_460 : memref<1x512x2048xf32, #tpu.memory_space<any>> -> memref<512x2048xf32, #tpu.memory_space<any>>
    %dma_start3A_462 = arith.constant 0 : i32
    %dma_start3A_463 = arith.constant 0 : i32
    %dma_start3A_464 = tpu.memref_slice %arg3[%dma_start3A_453, %dma_start3A_462, %dma_start3A_463] : memref<8x512x2048xf32, #tpu.memory_space<vmem>> -> memref<1x512x2048xf32, #tpu.memory_space<vmem>>
    %dma_start3A_465 = tpu.memref_squeeze %dma_start3A_464 : memref<1x512x2048xf32, #tpu.memory_space<vmem>> -> memref<512x2048xf32, #tpu.memory_space<vmem>>
    tpu.enqueue_dma source(%dma_start3A_465 : memref<512x2048xf32, #tpu.memory_space<vmem>>) target(%dma_start3A_461 : memref<512x2048xf32, #tpu.memory_space<any>>) target_semaphore(%dma_start3A_457 : memref<!tpu.dma_semaphore, #tpu.memory_space<semaphore_mem>>)
    %dma_wait3A_466 = arith.constant 5 : i32
    %dma_wait3A_467 = arith.constant 0 : i32
    %dma_wait3A_468 = arith.constant 5 : i32
    %dma_wait3A_469 = tpu.memref_slice %arg5[%dma_wait3A_468] : memref<8x!tpu.dma_semaphore, #tpu.memory_space<semaphore_mem>> -> memref<1x!tpu.dma_semaphore, #tpu.memory_space<semaphore_mem>>
    %dma_wait3A_470 = tpu.memref_squeeze %dma_wait3A_469 : memref<1x!tpu.dma_semaphore, #tpu.memory_space<semaphore_mem>> -> memref<!tpu.dma_semaphore, #tpu.memory_space<semaphore_mem>>
    %dma_wait3A_471 = arith.constant 2112 : i32
    %dma_wait3A_472 = arith.constant 0 : i32
    %dma_wait3A_473 = tpu.memref_slice %arg2[%dma_wait3A_467, %dma_wait3A_471, %dma_wait3A_472] : memref<4x4160x2048xf32, #tpu.memory_space<any>> -> memref<1x512x2048xf32, #tpu.memory_space<any>>
    %dma_wait3A_474 = tpu.memref_squeeze %dma_wait3A_473 : memref<1x512x2048xf32, #tpu.memory_space<any>> -> memref<512x2048xf32, #tpu.memory_space<any>>
    %dma_wait3A_475 = arith.constant 0 : i32
    %dma_wait3A_476 = arith.constant 0 : i32
    %dma_wait3A_477 = tpu.memref_slice %arg3[%dma_wait3A_466, %dma_wait3A_475, %dma_wait3A_476] : memref<8x512x2048xf32, #tpu.memory_space<vmem>> -> memref<1x512x2048xf32, #tpu.memory_space<vmem>>
    %dma_wait3A_478 = tpu.memref_squeeze %dma_wait3A_477 : memref<1x512x2048xf32, #tpu.memory_space<vmem>> -> memref<512x2048xf32, #tpu.memory_space<vmem>>
    tpu.wait_dma2 semaphore(%dma_wait3A_470 : memref<!tpu.dma_semaphore, #tpu.memory_space<semaphore_mem>>) src(%dma_wait3A_478 : memref<512x2048xf32, #tpu.memory_space<vmem>>) dst(%dma_wait3A_474 : memref<512x2048xf32, #tpu.memory_space<any>>)
    %dma_start3A_479 = arith.constant 1 : i32
    %dma_start3A_480 = arith.constant 5 : i32
    %dma_start3A_481 = arith.constant 5 : i32
    %dma_start3A_482 = tpu.memref_slice %arg4[%dma_start3A_481] : memref<8x!tpu.dma_semaphore, #tpu.memory_space<semaphore_mem>> -> memref<1x!tpu.dma_semaphore, #tpu.memory_space<semaphore_mem>>
    %dma_start3A_483 = tpu.memref_squeeze %dma_start3A_482 : memref<1x!tpu.dma_semaphore, #tpu.memory_space<semaphore_mem>> -> memref<!tpu.dma_semaphore, #tpu.memory_space<semaphore_mem>>
    %dma_start3A_484 = arith.constant 0 : i32
    %dma_start3A_485 = arith.constant 0 : i32
    %dma_start3A_486 = tpu.memref_slice %arg3[%dma_start3A_480, %dma_start3A_484, %dma_start3A_485] : memref<8x512x2048xf32, #tpu.memory_space<vmem>> -> memref<1x512x2048xf32, #tpu.memory_space<vmem>>
    %dma_start3A_487 = tpu.memref_squeeze %dma_start3A_486 : memref<1x512x2048xf32, #tpu.memory_space<vmem>> -> memref<512x2048xf32, #tpu.memory_space<vmem>>
    %dma_start3A_488 = arith.constant 1536 : i32
    %dma_start3A_489 = arith.constant 0 : i32
    %dma_start3A_490 = tpu.memref_slice %arg0[%dma_start3A_479, %dma_start3A_488, %dma_start3A_489] : memref<4x4096x2048xf32, #tpu.memory_space<any>> -> memref<1x512x2048xf32, #tpu.memory_space<any>>
    %dma_start3A_491 = tpu.memref_squeeze %dma_start3A_490 : memref<1x512x2048xf32, #tpu.memory_space<any>> -> memref<512x2048xf32, #tpu.memory_space<any>>
    tpu.enqueue_dma source(%dma_start3A_491 : memref<512x2048xf32, #tpu.memory_space<any>>) target(%dma_start3A_487 : memref<512x2048xf32, #tpu.memory_space<vmem>>) target_semaphore(%dma_start3A_483 : memref<!tpu.dma_semaphore, #tpu.memory_space<semaphore_mem>>)
    %dma_wait3A_492 = arith.constant 1 : i32
    %dma_wait3A_493 = arith.constant 1 : i32
    %dma_wait3A_494 = arith.constant 1 : i32
    %dma_wait3A_495 = tpu.memref_slice %arg4[%dma_wait3A_494] : memref<8x!tpu.dma_semaphore, #tpu.memory_space<semaphore_mem>> -> memref<1x!tpu.dma_semaphore, #tpu.memory_space<semaphore_mem>>
    %dma_wait3A_496 = tpu.memref_squeeze %dma_wait3A_495 : memref<1x!tpu.dma_semaphore, #tpu.memory_space<semaphore_mem>> -> memref<!tpu.dma_semaphore, #tpu.memory_space<semaphore_mem>>
    %dma_wait3A_497 = arith.constant 0 : i32
    %dma_wait3A_498 = arith.constant 0 : i32
    %dma_wait3A_499 = tpu.memref_slice %arg3[%dma_wait3A_493, %dma_wait3A_497, %dma_wait3A_498] : memref<8x512x2048xf32, #tpu.memory_space<vmem>> -> memref<1x64x2048xf32, #tpu.memory_space<vmem>>
    %dma_wait3A_500 = tpu.memref_squeeze %dma_wait3A_499 : memref<1x64x2048xf32, #tpu.memory_space<vmem>> -> memref<64x2048xf32, #tpu.memory_space<vmem>>
    %dma_wait3A_501 = arith.constant 0 : i32
    %dma_wait3A_502 = arith.constant 0 : i32
    %dma_wait3A_503 = tpu.memref_slice %arg1[%dma_wait3A_492, %dma_wait3A_501, %dma_wait3A_502] : memref<4x64x2048xf32, #tpu.memory_space<any>> -> memref<1x64x2048xf32, #tpu.memory_space<any>>
    %dma_wait3A_504 = tpu.memref_squeeze %dma_wait3A_503 : memref<1x64x2048xf32, #tpu.memory_space<any>> -> memref<64x2048xf32, #tpu.memory_space<any>>
    tpu.wait_dma2 semaphore(%dma_wait3A_496 : memref<!tpu.dma_semaphore, #tpu.memory_space<semaphore_mem>>) src(%dma_wait3A_504 : memref<64x2048xf32, #tpu.memory_space<any>>) dst(%dma_wait3A_500 : memref<64x2048xf32, #tpu.memory_space<vmem>>)
    %dma_start3A_505 = arith.constant 1 : i32
    %dma_start3A_506 = arith.constant 1 : i32
    %dma_start3A_507 = arith.constant 1 : i32
    %dma_start3A_508 = tpu.memref_slice %arg5[%dma_start3A_507] : memref<8x!tpu.dma_semaphore, #tpu.memory_space<semaphore_mem>> -> memref<1x!tpu.dma_semaphore, #tpu.memory_space<semaphore_mem>>
    %dma_start3A_509 = tpu.memref_squeeze %dma_start3A_508 : memref<1x!tpu.dma_semaphore, #tpu.memory_space<semaphore_mem>> -> memref<!tpu.dma_semaphore, #tpu.memory_space<semaphore_mem>>
    %dma_start3A_510 = arith.constant 0 : i32
    %dma_start3A_511 = arith.constant 0 : i32
    %dma_start3A_512 = tpu.memref_slice %arg2[%dma_start3A_506, %dma_start3A_510, %dma_start3A_511] : memref<4x4160x2048xf32, #tpu.memory_space<any>> -> memref<1x64x2048xf32, #tpu.memory_space<any>>
    %dma_start3A_513 = tpu.memref_squeeze %dma_start3A_512 : memref<1x64x2048xf32, #tpu.memory_space<any>> -> memref<64x2048xf32, #tpu.memory_space<any>>
    %dma_start3A_514 = arith.constant 0 : i32
    %dma_start3A_515 = arith.constant 0 : i32
    %dma_start3A_516 = tpu.memref_slice %arg3[%dma_start3A_505, %dma_start3A_514, %dma_start3A_515] : memref<8x512x2048xf32, #tpu.memory_space<vmem>> -> memref<1x64x2048xf32, #tpu.memory_space<vmem>>
    %dma_start3A_517 = tpu.memref_squeeze %dma_start3A_516 : memref<1x64x2048xf32, #tpu.memory_space<vmem>> -> memref<64x2048xf32, #tpu.memory_space<vmem>>
    tpu.enqueue_dma source(%dma_start3A_517 : memref<64x2048xf32, #tpu.memory_space<vmem>>) target(%dma_start3A_513 : memref<64x2048xf32, #tpu.memory_space<any>>) target_semaphore(%dma_start3A_509 : memref<!tpu.dma_semaphore, #tpu.memory_space<semaphore_mem>>)
    %dma_wait3A_518 = arith.constant 6 : i32
    %dma_wait3A_519 = arith.constant 0 : i32
    %dma_wait3A_520 = arith.constant 6 : i32
    %dma_wait3A_521 = tpu.memref_slice %arg5[%dma_wait3A_520] : memref<8x!tpu.dma_semaphore, #tpu.memory_space<semaphore_mem>> -> memref<1x!tpu.dma_semaphore, #tpu.memory_space<semaphore_mem>>
    %dma_wait3A_522 = tpu.memref_squeeze %dma_wait3A_521 : memref<1x!tpu.dma_semaphore, #tpu.memory_space<semaphore_mem>> -> memref<!tpu.dma_semaphore, #tpu.memory_space<semaphore_mem>>
    %dma_wait3A_523 = arith.constant 2624 : i32
    %dma_wait3A_524 = arith.constant 0 : i32
    %dma_wait3A_525 = tpu.memref_slice %arg2[%dma_wait3A_519, %dma_wait3A_523, %dma_wait3A_524] : memref<4x4160x2048xf32, #tpu.memory_space<any>> -> memref<1x512x2048xf32, #tpu.memory_space<any>>
    %dma_wait3A_526 = tpu.memref_squeeze %dma_wait3A_525 : memref<1x512x2048xf32, #tpu.memory_space<any>> -> memref<512x2048xf32, #tpu.memory_space<any>>
    %dma_wait3A_527 = arith.constant 0 : i32
    %dma_wait3A_528 = arith.constant 0 : i32
    %dma_wait3A_529 = tpu.memref_slice %arg3[%dma_wait3A_518, %dma_wait3A_527, %dma_wait3A_528] : memref<8x512x2048xf32, #tpu.memory_space<vmem>> -> memref<1x512x2048xf32, #tpu.memory_space<vmem>>
    %dma_wait3A_530 = tpu.memref_squeeze %dma_wait3A_529 : memref<1x512x2048xf32, #tpu.memory_space<vmem>> -> memref<512x2048xf32, #tpu.memory_space<vmem>>
    tpu.wait_dma2 semaphore(%dma_wait3A_522 : memref<!tpu.dma_semaphore, #tpu.memory_space<semaphore_mem>>) src(%dma_wait3A_530 : memref<512x2048xf32, #tpu.memory_space<vmem>>) dst(%dma_wait3A_526 : memref<512x2048xf32, #tpu.memory_space<any>>)
    %dma_start3A_531 = arith.constant 1 : i32
    %dma_start3A_532 = arith.constant 6 : i32
    %dma_start3A_533 = arith.constant 6 : i32
    %dma_start3A_534 = tpu.memref_slice %arg4[%dma_start3A_533] : memref<8x!tpu.dma_semaphore, #tpu.memory_space<semaphore_mem>> -> memref<1x!tpu.dma_semaphore, #tpu.memory_space<semaphore_mem>>
    %dma_start3A_535 = tpu.memref_squeeze %dma_start3A_534 : memref<1x!tpu.dma_semaphore, #tpu.memory_space<semaphore_mem>> -> memref<!tpu.dma_semaphore, #tpu.memory_space<semaphore_mem>>
    %dma_start3A_536 = arith.constant 0 : i32
    %dma_start3A_537 = arith.constant 0 : i32
    %dma_start3A_538 = tpu.memref_slice %arg3[%dma_start3A_532, %dma_start3A_536, %dma_start3A_537] : memref<8x512x2048xf32, #tpu.memory_space<vmem>> -> memref<1x512x2048xf32, #tpu.memory_space<vmem>>
    %dma_start3A_539 = tpu.memref_squeeze %dma_start3A_538 : memref<1x512x2048xf32, #tpu.memory_space<vmem>> -> memref<512x2048xf32, #tpu.memory_space<vmem>>
    %dma_start3A_540 = arith.constant 2048 : i32
    %dma_start3A_541 = arith.constant 0 : i32
    %dma_start3A_542 = tpu.memref_slice %arg0[%dma_start3A_531, %dma_start3A_540, %dma_start3A_541] : memref<4x4096x2048xf32, #tpu.memory_space<any>> -> memref<1x512x2048xf32, #tpu.memory_space<any>>
    %dma_start3A_543 = tpu.memref_squeeze %dma_start3A_542 : memref<1x512x2048xf32, #tpu.memory_space<any>> -> memref<512x2048xf32, #tpu.memory_space<any>>
    tpu.enqueue_dma source(%dma_start3A_543 : memref<512x2048xf32, #tpu.memory_space<any>>) target(%dma_start3A_539 : memref<512x2048xf32, #tpu.memory_space<vmem>>) target_semaphore(%dma_start3A_535 : memref<!tpu.dma_semaphore, #tpu.memory_space<semaphore_mem>>)
    %dma_wait3A_544 = arith.constant 1 : i32
    %dma_wait3A_545 = arith.constant 2 : i32
    %dma_wait3A_546 = arith.constant 2 : i32
    %dma_wait3A_547 = tpu.memref_slice %arg4[%dma_wait3A_546] : memref<8x!tpu.dma_semaphore, #tpu.memory_space<semaphore_mem>> -> memref<1x!tpu.dma_semaphore, #tpu.memory_space<semaphore_mem>>
    %dma_wait3A_548 = tpu.memref_squeeze %dma_wait3A_547 : memref<1x!tpu.dma_semaphore, #tpu.memory_space<semaphore_mem>> -> memref<!tpu.dma_semaphore, #tpu.memory_space<semaphore_mem>>
    %dma_wait3A_549 = arith.constant 0 : i32
    %dma_wait3A_550 = arith.constant 0 : i32
    %dma_wait3A_551 = tpu.memref_slice %arg3[%dma_wait3A_545, %dma_wait3A_549, %dma_wait3A_550] : memref<8x512x2048xf32, #tpu.memory_space<vmem>> -> memref<1x512x2048xf32, #tpu.memory_space<vmem>>
    %dma_wait3A_552 = tpu.memref_squeeze %dma_wait3A_551 : memref<1x512x2048xf32, #tpu.memory_space<vmem>> -> memref<512x2048xf32, #tpu.memory_space<vmem>>
    %dma_wait3A_553 = arith.constant 0 : i32
    %dma_wait3A_554 = arith.constant 0 : i32
    %dma_wait3A_555 = tpu.memref_slice %arg0[%dma_wait3A_544, %dma_wait3A_553, %dma_wait3A_554] : memref<4x4096x2048xf32, #tpu.memory_space<any>> -> memref<1x512x2048xf32, #tpu.memory_space<any>>
    %dma_wait3A_556 = tpu.memref_squeeze %dma_wait3A_555 : memref<1x512x2048xf32, #tpu.memory_space<any>> -> memref<512x2048xf32, #tpu.memory_space<any>>
    tpu.wait_dma2 semaphore(%dma_wait3A_548 : memref<!tpu.dma_semaphore, #tpu.memory_space<semaphore_mem>>) src(%dma_wait3A_556 : memref<512x2048xf32, #tpu.memory_space<any>>) dst(%dma_wait3A_552 : memref<512x2048xf32, #tpu.memory_space<vmem>>)
    %dma_start3A_557 = arith.constant 2 : i32
    %dma_start3A_558 = arith.constant 1 : i32
    %dma_start3A_559 = arith.constant 2 : i32
    %dma_start3A_560 = tpu.memref_slice %arg5[%dma_start3A_559] : memref<8x!tpu.dma_semaphore, #tpu.memory_space<semaphore_mem>> -> memref<1x!tpu.dma_semaphore, #tpu.memory_space<semaphore_mem>>
    %dma_start3A_561 = tpu.memref_squeeze %dma_start3A_560 : memref<1x!tpu.dma_semaphore, #tpu.memory_space<semaphore_mem>> -> memref<!tpu.dma_semaphore, #tpu.memory_space<semaphore_mem>>
    %dma_start3A_562 = arith.constant 64 : i32
    %dma_start3A_563 = arith.constant 0 : i32
    %dma_start3A_564 = tpu.memref_slice %arg2[%dma_start3A_558, %dma_start3A_562, %dma_start3A_563] : memref<4x4160x2048xf32, #tpu.memory_space<any>> -> memref<1x512x2048xf32, #tpu.memory_space<any>>
    %dma_start3A_565 = tpu.memref_squeeze %dma_start3A_564 : memref<1x512x2048xf32, #tpu.memory_space<any>> -> memref<512x2048xf32, #tpu.memory_space<any>>
    %dma_start3A_566 = arith.constant 0 : i32
    %dma_start3A_567 = arith.constant 0 : i32
    %dma_start3A_568 = tpu.memref_slice %arg3[%dma_start3A_557, %dma_start3A_566, %dma_start3A_567] : memref<8x512x2048xf32, #tpu.memory_space<vmem>> -> memref<1x512x2048xf32, #tpu.memory_space<vmem>>
    %dma_start3A_569 = tpu.memref_squeeze %dma_start3A_568 : memref<1x512x2048xf32, #tpu.memory_space<vmem>> -> memref<512x2048xf32, #tpu.memory_space<vmem>>
    tpu.enqueue_dma source(%dma_start3A_569 : memref<512x2048xf32, #tpu.memory_space<vmem>>) target(%dma_start3A_565 : memref<512x2048xf32, #tpu.memory_space<any>>) target_semaphore(%dma_start3A_561 : memref<!tpu.dma_semaphore, #tpu.memory_space<semaphore_mem>>)
    %dma_wait3A_570 = arith.constant 7 : i32
    %dma_wait3A_571 = arith.constant 0 : i32
    %dma_wait3A_572 = arith.constant 7 : i32
    %dma_wait3A_573 = tpu.memref_slice %arg5[%dma_wait3A_572] : memref<8x!tpu.dma_semaphore, #tpu.memory_space<semaphore_mem>> -> memref<1x!tpu.dma_semaphore, #tpu.memory_space<semaphore_mem>>
    %dma_wait3A_574 = tpu.memref_squeeze %dma_wait3A_573 : memref<1x!tpu.dma_semaphore, #tpu.memory_space<semaphore_mem>> -> memref<!tpu.dma_semaphore, #tpu.memory_space<semaphore_mem>>
    %dma_wait3A_575 = arith.constant 3136 : i32
    %dma_wait3A_576 = arith.constant 0 : i32
    %dma_wait3A_577 = tpu.memref_slice %arg2[%dma_wait3A_571, %dma_wait3A_575, %dma_wait3A_576] : memref<4x4160x2048xf32, #tpu.memory_space<any>> -> memref<1x512x2048xf32, #tpu.memory_space<any>>
    %dma_wait3A_578 = tpu.memref_squeeze %dma_wait3A_577 : memref<1x512x2048xf32, #tpu.memory_space<any>> -> memref<512x2048xf32, #tpu.memory_space<any>>
    %dma_wait3A_579 = arith.constant 0 : i32
    %dma_wait3A_580 = arith.constant 0 : i32
    %dma_wait3A_581 = tpu.memref_slice %arg3[%dma_wait3A_570, %dma_wait3A_579, %dma_wait3A_580] : memref<8x512x2048xf32, #tpu.memory_space<vmem>> -> memref<1x512x2048xf32, #tpu.memory_space<vmem>>
    %dma_wait3A_582 = tpu.memref_squeeze %dma_wait3A_581 : memref<1x512x2048xf32, #tpu.memory_space<vmem>> -> memref<512x2048xf32, #tpu.memory_space<vmem>>
    tpu.wait_dma2 semaphore(%dma_wait3A_574 : memref<!tpu.dma_semaphore, #tpu.memory_space<semaphore_mem>>) src(%dma_wait3A_582 : memref<512x2048xf32, #tpu.memory_space<vmem>>) dst(%dma_wait3A_578 : memref<512x2048xf32, #tpu.memory_space<any>>)
    %dma_start3A_583 = arith.constant 1 : i32
    %dma_start3A_584 = arith.constant 7 : i32
    %dma_start3A_585 = arith.constant 7 : i32
    %dma_start3A_586 = tpu.memref_slice %arg4[%dma_start3A_585] : memref<8x!tpu.dma_semaphore, #tpu.memory_space<semaphore_mem>> -> memref<1x!tpu.dma_semaphore, #tpu.memory_space<semaphore_mem>>
    %dma_start3A_587 = tpu.memref_squeeze %dma_start3A_586 : memref<1x!tpu.dma_semaphore, #tpu.memory_space<semaphore_mem>> -> memref<!tpu.dma_semaphore, #tpu.memory_space<semaphore_mem>>
    %dma_start3A_588 = arith.constant 0 : i32
    %dma_start3A_589 = arith.constant 0 : i32
    %dma_start3A_590 = tpu.memref_slice %arg3[%dma_start3A_584, %dma_start3A_588, %dma_start3A_589] : memref<8x512x2048xf32, #tpu.memory_space<vmem>> -> memref<1x512x2048xf32, #tpu.memory_space<vmem>>
    %dma_start3A_591 = tpu.memref_squeeze %dma_start3A_590 : memref<1x512x2048xf32, #tpu.memory_space<vmem>> -> memref<512x2048xf32, #tpu.memory_space<vmem>>
    %dma_start3A_592 = arith.constant 2560 : i32
    %dma_start3A_593 = arith.constant 0 : i32
    %dma_start3A_594 = tpu.memref_slice %arg0[%dma_start3A_583, %dma_start3A_592, %dma_start3A_593] : memref<4x4096x2048xf32, #tpu.memory_space<any>> -> memref<1x512x2048xf32, #tpu.memory_space<any>>
    %dma_start3A_595 = tpu.memref_squeeze %dma_start3A_594 : memref<1x512x2048xf32, #tpu.memory_space<any>> -> memref<512x2048xf32, #tpu.memory_space<any>>
    tpu.enqueue_dma source(%dma_start3A_595 : memref<512x2048xf32, #tpu.memory_space<any>>) target(%dma_start3A_591 : memref<512x2048xf32, #tpu.memory_space<vmem>>) target_semaphore(%dma_start3A_587 : memref<!tpu.dma_semaphore, #tpu.memory_space<semaphore_mem>>)
    %dma_wait3A_596 = arith.constant 1 : i32
    %dma_wait3A_597 = arith.constant 3 : i32
    %dma_wait3A_598 = arith.constant 3 : i32
    %dma_wait3A_599 = tpu.memref_slice %arg4[%dma_wait3A_598] : memref<8x!tpu.dma_semaphore, #tpu.memory_space<semaphore_mem>> -> memref<1x!tpu.dma_semaphore, #tpu.memory_space<semaphore_mem>>
    %dma_wait3A_600 = tpu.memref_squeeze %dma_wait3A_599 : memref<1x!tpu.dma_semaphore, #tpu.memory_space<semaphore_mem>> -> memref<!tpu.dma_semaphore, #tpu.memory_space<semaphore_mem>>
    %dma_wait3A_601 = arith.constant 0 : i32
    %dma_wait3A_602 = arith.constant 0 : i32
    %dma_wait3A_603 = tpu.memref_slice %arg3[%dma_wait3A_597, %dma_wait3A_601, %dma_wait3A_602] : memref<8x512x2048xf32, #tpu.memory_space<vmem>> -> memref<1x512x2048xf32, #tpu.memory_space<vmem>>
    %dma_wait3A_604 = tpu.memref_squeeze %dma_wait3A_603 : memref<1x512x2048xf32, #tpu.memory_space<vmem>> -> memref<512x2048xf32, #tpu.memory_space<vmem>>
    %dma_wait3A_605 = arith.constant 512 : i32
    %dma_wait3A_606 = arith.constant 0 : i32
    %dma_wait3A_607 = tpu.memref_slice %arg0[%dma_wait3A_596, %dma_wait3A_605, %dma_wait3A_606] : memref<4x4096x2048xf32, #tpu.memory_space<any>> -> memref<1x512x2048xf32, #tpu.memory_space<any>>
    %dma_wait3A_608 = tpu.memref_squeeze %dma_wait3A_607 : memref<1x512x2048xf32, #tpu.memory_space<any>> -> memref<512x2048xf32, #tpu.memory_space<any>>
    tpu.wait_dma2 semaphore(%dma_wait3A_600 : memref<!tpu.dma_semaphore, #tpu.memory_space<semaphore_mem>>) src(%dma_wait3A_608 : memref<512x2048xf32, #tpu.memory_space<any>>) dst(%dma_wait3A_604 : memref<512x2048xf32, #tpu.memory_space<vmem>>)
    %dma_start3A_609 = arith.constant 3 : i32
    %dma_start3A_610 = arith.constant 1 : i32
    %dma_start3A_611 = arith.constant 3 : i32
    %dma_start3A_612 = tpu.memref_slice %arg5[%dma_start3A_611] : memref<8x!tpu.dma_semaphore, #tpu.memory_space<semaphore_mem>> -> memref<1x!tpu.dma_semaphore, #tpu.memory_space<semaphore_mem>>
    %dma_start3A_613 = tpu.memref_squeeze %dma_start3A_612 : memref<1x!tpu.dma_semaphore, #tpu.memory_space<semaphore_mem>> -> memref<!tpu.dma_semaphore, #tpu.memory_space<semaphore_mem>>
    %dma_start3A_614 = arith.constant 576 : i32
    %dma_start3A_615 = arith.constant 0 : i32
    %dma_start3A_616 = tpu.memref_slice %arg2[%dma_start3A_610, %dma_start3A_614, %dma_start3A_615] : memref<4x4160x2048xf32, #tpu.memory_space<any>> -> memref<1x512x2048xf32, #tpu.memory_space<any>>
    %dma_start3A_617 = tpu.memref_squeeze %dma_start3A_616 : memref<1x512x2048xf32, #tpu.memory_space<any>> -> memref<512x2048xf32, #tpu.memory_space<any>>
    %dma_start3A_618 = arith.constant 0 : i32
    %dma_start3A_619 = arith.constant 0 : i32
    %dma_start3A_620 = tpu.memref_slice %arg3[%dma_start3A_609, %dma_start3A_618, %dma_start3A_619] : memref<8x512x2048xf32, #tpu.memory_space<vmem>> -> memref<1x512x2048xf32, #tpu.memory_space<vmem>>
    %dma_start3A_621 = tpu.memref_squeeze %dma_start3A_620 : memref<1x512x2048xf32, #tpu.memory_space<vmem>> -> memref<512x2048xf32, #tpu.memory_space<vmem>>
    tpu.enqueue_dma source(%dma_start3A_621 : memref<512x2048xf32, #tpu.memory_space<vmem>>) target(%dma_start3A_617 : memref<512x2048xf32, #tpu.memory_space<any>>) target_semaphore(%dma_start3A_613 : memref<!tpu.dma_semaphore, #tpu.memory_space<semaphore_mem>>)
    %dma_wait3A_622 = arith.constant 0 : i32
    %dma_wait3A_623 = arith.constant 0 : i32
    %dma_wait3A_624 = arith.constant 0 : i32
    %dma_wait3A_625 = tpu.memref_slice %arg5[%dma_wait3A_624] : memref<8x!tpu.dma_semaphore, #tpu.memory_space<semaphore_mem>> -> memref<1x!tpu.dma_semaphore, #tpu.memory_space<semaphore_mem>>
    %dma_wait3A_626 = tpu.memref_squeeze %dma_wait3A_625 : memref<1x!tpu.dma_semaphore, #tpu.memory_space<semaphore_mem>> -> memref<!tpu.dma_semaphore, #tpu.memory_space<semaphore_mem>>
    %dma_wait3A_627 = arith.constant 3648 : i32
    %dma_wait3A_628 = arith.constant 0 : i32
    %dma_wait3A_629 = tpu.memref_slice %arg2[%dma_wait3A_623, %dma_wait3A_627, %dma_wait3A_628] : memref<4x4160x2048xf32, #tpu.memory_space<any>> -> memref<1x512x2048xf32, #tpu.memory_space<any>>
    %dma_wait3A_630 = tpu.memref_squeeze %dma_wait3A_629 : memref<1x512x2048xf32, #tpu.memory_space<any>> -> memref<512x2048xf32, #tpu.memory_space<any>>
    %dma_wait3A_631 = arith.constant 0 : i32
    %dma_wait3A_632 = arith.constant 0 : i32
    %dma_wait3A_633 = tpu.memref_slice %arg3[%dma_wait3A_622, %dma_wait3A_631, %dma_wait3A_632] : memref<8x512x2048xf32, #tpu.memory_space<vmem>> -> memref<1x512x2048xf32, #tpu.memory_space<vmem>>
    %dma_wait3A_634 = tpu.memref_squeeze %dma_wait3A_633 : memref<1x512x2048xf32, #tpu.memory_space<vmem>> -> memref<512x2048xf32, #tpu.memory_space<vmem>>
    tpu.wait_dma2 semaphore(%dma_wait3A_626 : memref<!tpu.dma_semaphore, #tpu.memory_space<semaphore_mem>>) src(%dma_wait3A_634 : memref<512x2048xf32, #tpu.memory_space<vmem>>) dst(%dma_wait3A_630 : memref<512x2048xf32, #tpu.memory_space<any>>)
    %dma_start3A_635 = arith.constant 1 : i32
    %dma_start3A_636 = arith.constant 0 : i32
    %dma_start3A_637 = arith.constant 0 : i32
    %dma_start3A_638 = tpu.memref_slice %arg4[%dma_start3A_637] : memref<8x!tpu.dma_semaphore, #tpu.memory_space<semaphore_mem>> -> memref<1x!tpu.dma_semaphore, #tpu.memory_space<semaphore_mem>>
    %dma_start3A_639 = tpu.memref_squeeze %dma_start3A_638 : memref<1x!tpu.dma_semaphore, #tpu.memory_space<semaphore_mem>> -> memref<!tpu.dma_semaphore, #tpu.memory_space<semaphore_mem>>
    %dma_start3A_640 = arith.constant 0 : i32
    %dma_start3A_641 = arith.constant 0 : i32
    %dma_start3A_642 = tpu.memref_slice %arg3[%dma_start3A_636, %dma_start3A_640, %dma_start3A_641] : memref<8x512x2048xf32, #tpu.memory_space<vmem>> -> memref<1x512x2048xf32, #tpu.memory_space<vmem>>
    %dma_start3A_643 = tpu.memref_squeeze %dma_start3A_642 : memref<1x512x2048xf32, #tpu.memory_space<vmem>> -> memref<512x2048xf32, #tpu.memory_space<vmem>>
    %dma_start3A_644 = arith.constant 3072 : i32
    %dma_start3A_645 = arith.constant 0 : i32
    %dma_start3A_646 = tpu.memref_slice %arg0[%dma_start3A_635, %dma_start3A_644, %dma_start3A_645] : memref<4x4096x2048xf32, #tpu.memory_space<any>> -> memref<1x512x2048xf32, #tpu.memory_space<any>>
    %dma_start3A_647 = tpu.memref_squeeze %dma_start3A_646 : memref<1x512x2048xf32, #tpu.memory_space<any>> -> memref<512x2048xf32, #tpu.memory_space<any>>
    tpu.enqueue_dma source(%dma_start3A_647 : memref<512x2048xf32, #tpu.memory_space<any>>) target(%dma_start3A_643 : memref<512x2048xf32, #tpu.memory_space<vmem>>) target_semaphore(%dma_start3A_639 : memref<!tpu.dma_semaphore, #tpu.memory_space<semaphore_mem>>)
    %dma_wait3A_648 = arith.constant 1 : i32
    %dma_wait3A_649 = arith.constant 4 : i32
    %dma_wait3A_650 = arith.constant 4 : i32
    %dma_wait3A_651 = tpu.memref_slice %arg4[%dma_wait3A_650] : memref<8x!tpu.dma_semaphore, #tpu.memory_space<semaphore_mem>> -> memref<1x!tpu.dma_semaphore, #tpu.memory_space<semaphore_mem>>
    %dma_wait3A_652 = tpu.memref_squeeze %dma_wait3A_651 : memref<1x!tpu.dma_semaphore, #tpu.memory_space<semaphore_mem>> -> memref<!tpu.dma_semaphore, #tpu.memory_space<semaphore_mem>>
    %dma_wait3A_653 = arith.constant 0 : i32
    %dma_wait3A_654 = arith.constant 0 : i32
    %dma_wait3A_655 = tpu.memref_slice %arg3[%dma_wait3A_649, %dma_wait3A_653, %dma_wait3A_654] : memref<8x512x2048xf32, #tpu.memory_space<vmem>> -> memref<1x512x2048xf32, #tpu.memory_space<vmem>>
    %dma_wait3A_656 = tpu.memref_squeeze %dma_wait3A_655 : memref<1x512x2048xf32, #tpu.memory_space<vmem>> -> memref<512x2048xf32, #tpu.memory_space<vmem>>
    %dma_wait3A_657 = arith.constant 1024 : i32
    %dma_wait3A_658 = arith.constant 0 : i32
    %dma_wait3A_659 = tpu.memref_slice %arg0[%dma_wait3A_648, %dma_wait3A_657, %dma_wait3A_658] : memref<4x4096x2048xf32, #tpu.memory_space<any>> -> memref<1x512x2048xf32, #tpu.memory_space<any>>
    %dma_wait3A_660 = tpu.memref_squeeze %dma_wait3A_659 : memref<1x512x2048xf32, #tpu.memory_space<any>> -> memref<512x2048xf32, #tpu.memory_space<any>>
    tpu.wait_dma2 semaphore(%dma_wait3A_652 : memref<!tpu.dma_semaphore, #tpu.memory_space<semaphore_mem>>) src(%dma_wait3A_660 : memref<512x2048xf32, #tpu.memory_space<any>>) dst(%dma_wait3A_656 : memref<512x2048xf32, #tpu.memory_space<vmem>>)
    %dma_start3A_661 = arith.constant 4 : i32
    %dma_start3A_662 = arith.constant 1 : i32
    %dma_start3A_663 = arith.constant 4 : i32
    %dma_start3A_664 = tpu.memref_slice %arg5[%dma_start3A_663] : memref<8x!tpu.dma_semaphore, #tpu.memory_space<semaphore_mem>> -> memref<1x!tpu.dma_semaphore, #tpu.memory_space<semaphore_mem>>
    %dma_start3A_665 = tpu.memref_squeeze %dma_start3A_664 : memref<1x!tpu.dma_semaphore, #tpu.memory_space<semaphore_mem>> -> memref<!tpu.dma_semaphore, #tpu.memory_space<semaphore_mem>>
    %dma_start3A_666 = arith.constant 1088 : i32
    %dma_start3A_667 = arith.constant 0 : i32
    %dma_start3A_668 = tpu.memref_slice %arg2[%dma_start3A_662, %dma_start3A_666, %dma_start3A_667] : memref<4x4160x2048xf32, #tpu.memory_space<any>> -> memref<1x512x2048xf32, #tpu.memory_space<any>>
    %dma_start3A_669 = tpu.memref_squeeze %dma_start3A_668 : memref<1x512x2048xf32, #tpu.memory_space<any>> -> memref<512x2048xf32, #tpu.memory_space<any>>
    %dma_start3A_670 = arith.constant 0 : i32
    %dma_start3A_671 = arith.constant 0 : i32
    %dma_start3A_672 = tpu.memref_slice %arg3[%dma_start3A_661, %dma_start3A_670, %dma_start3A_671] : memref<8x512x2048xf32, #tpu.memory_space<vmem>> -> memref<1x512x2048xf32, #tpu.memory_space<vmem>>
    %dma_start3A_673 = tpu.memref_squeeze %dma_start3A_672 : memref<1x512x2048xf32, #tpu.memory_space<vmem>> -> memref<512x2048xf32, #tpu.memory_space<vmem>>
    tpu.enqueue_dma source(%dma_start3A_673 : memref<512x2048xf32, #tpu.memory_space<vmem>>) target(%dma_start3A_669 : memref<512x2048xf32, #tpu.memory_space<any>>) target_semaphore(%dma_start3A_665 : memref<!tpu.dma_semaphore, #tpu.memory_space<semaphore_mem>>)
    %dma_wait3A_674 = arith.constant 1 : i32
    %dma_wait3A_675 = arith.constant 1 : i32
    %dma_wait3A_676 = arith.constant 1 : i32
    %dma_wait3A_677 = tpu.memref_slice %arg5[%dma_wait3A_676] : memref<8x!tpu.dma_semaphore, #tpu.memory_space<semaphore_mem>> -> memref<1x!tpu.dma_semaphore, #tpu.memory_space<semaphore_mem>>
    %dma_wait3A_678 = tpu.memref_squeeze %dma_wait3A_677 : memref<1x!tpu.dma_semaphore, #tpu.memory_space<semaphore_mem>> -> memref<!tpu.dma_semaphore, #tpu.memory_space<semaphore_mem>>
    %dma_wait3A_679 = arith.constant 0 : i32
    %dma_wait3A_680 = arith.constant 0 : i32
    %dma_wait3A_681 = tpu.memref_slice %arg2[%dma_wait3A_675, %dma_wait3A_679, %dma_wait3A_680] : memref<4x4160x2048xf32, #tpu.memory_space<any>> -> memref<1x64x2048xf32, #tpu.memory_space<any>>
    %dma_wait3A_682 = tpu.memref_squeeze %dma_wait3A_681 : memref<1x64x2048xf32, #tpu.memory_space<any>> -> memref<64x2048xf32, #tpu.memory_space<any>>
    %dma_wait3A_683 = arith.constant 0 : i32
    %dma_wait3A_684 = arith.constant 0 : i32
    %dma_wait3A_685 = tpu.memref_slice %arg3[%dma_wait3A_674, %dma_wait3A_683, %dma_wait3A_684] : memref<8x512x2048xf32, #tpu.memory_space<vmem>> -> memref<1x64x2048xf32, #tpu.memory_space<vmem>>
    %dma_wait3A_686 = tpu.memref_squeeze %dma_wait3A_685 : memref<1x64x2048xf32, #tpu.memory_space<vmem>> -> memref<64x2048xf32, #tpu.memory_space<vmem>>
    tpu.wait_dma2 semaphore(%dma_wait3A_678 : memref<!tpu.dma_semaphore, #tpu.memory_space<semaphore_mem>>) src(%dma_wait3A_686 : memref<64x2048xf32, #tpu.memory_space<vmem>>) dst(%dma_wait3A_682 : memref<64x2048xf32, #tpu.memory_space<any>>)
    %dma_start3A_687 = arith.constant 1 : i32
    %dma_start3A_688 = arith.constant 1 : i32
    %dma_start3A_689 = arith.constant 1 : i32
    %dma_start3A_690 = tpu.memref_slice %arg4[%dma_start3A_689] : memref<8x!tpu.dma_semaphore, #tpu.memory_space<semaphore_mem>> -> memref<1x!tpu.dma_semaphore, #tpu.memory_space<semaphore_mem>>
    %dma_start3A_691 = tpu.memref_squeeze %dma_start3A_690 : memref<1x!tpu.dma_semaphore, #tpu.memory_space<semaphore_mem>> -> memref<!tpu.dma_semaphore, #tpu.memory_space<semaphore_mem>>
    %dma_start3A_692 = arith.constant 0 : i32
    %dma_start3A_693 = arith.constant 0 : i32
    %dma_start3A_694 = tpu.memref_slice %arg3[%dma_start3A_688, %dma_start3A_692, %dma_start3A_693] : memref<8x512x2048xf32, #tpu.memory_space<vmem>> -> memref<1x512x2048xf32, #tpu.memory_space<vmem>>
    %dma_start3A_695 = tpu.memref_squeeze %dma_start3A_694 : memref<1x512x2048xf32, #tpu.memory_space<vmem>> -> memref<512x2048xf32, #tpu.memory_space<vmem>>
    %dma_start3A_696 = arith.constant 3584 : i32
    %dma_start3A_697 = arith.constant 0 : i32
    %dma_start3A_698 = tpu.memref_slice %arg0[%dma_start3A_687, %dma_start3A_696, %dma_start3A_697] : memref<4x4096x2048xf32, #tpu.memory_space<any>> -> memref<1x512x2048xf32, #tpu.memory_space<any>>
    %dma_start3A_699 = tpu.memref_squeeze %dma_start3A_698 : memref<1x512x2048xf32, #tpu.memory_space<any>> -> memref<512x2048xf32, #tpu.memory_space<any>>
    tpu.enqueue_dma source(%dma_start3A_699 : memref<512x2048xf32, #tpu.memory_space<any>>) target(%dma_start3A_695 : memref<512x2048xf32, #tpu.memory_space<vmem>>) target_semaphore(%dma_start3A_691 : memref<!tpu.dma_semaphore, #tpu.memory_space<semaphore_mem>>)
    %dma_wait3A_700 = arith.constant 1 : i32
    %dma_wait3A_701 = arith.constant 5 : i32
    %dma_wait3A_702 = arith.constant 5 : i32
    %dma_wait3A_703 = tpu.memref_slice %arg4[%dma_wait3A_702] : memref<8x!tpu.dma_semaphore, #tpu.memory_space<semaphore_mem>> -> memref<1x!tpu.dma_semaphore, #tpu.memory_space<semaphore_mem>>
    %dma_wait3A_704 = tpu.memref_squeeze %dma_wait3A_703 : memref<1x!tpu.dma_semaphore, #tpu.memory_space<semaphore_mem>> -> memref<!tpu.dma_semaphore, #tpu.memory_space<semaphore_mem>>
    %dma_wait3A_705 = arith.constant 0 : i32
    %dma_wait3A_706 = arith.constant 0 : i32
    %dma_wait3A_707 = tpu.memref_slice %arg3[%dma_wait3A_701, %dma_wait3A_705, %dma_wait3A_706] : memref<8x512x2048xf32, #tpu.memory_space<vmem>> -> memref<1x512x2048xf32, #tpu.memory_space<vmem>>
    %dma_wait3A_708 = tpu.memref_squeeze %dma_wait3A_707 : memref<1x512x2048xf32, #tpu.memory_space<vmem>> -> memref<512x2048xf32, #tpu.memory_space<vmem>>
    %dma_wait3A_709 = arith.constant 1536 : i32
    %dma_wait3A_710 = arith.constant 0 : i32
    %dma_wait3A_711 = tpu.memref_slice %arg0[%dma_wait3A_700, %dma_wait3A_709, %dma_wait3A_710] : memref<4x4096x2048xf32, #tpu.memory_space<any>> -> memref<1x512x2048xf32, #tpu.memory_space<any>>
    %dma_wait3A_712 = tpu.memref_squeeze %dma_wait3A_711 : memref<1x512x2048xf32, #tpu.memory_space<any>> -> memref<512x2048xf32, #tpu.memory_space<any>>
    tpu.wait_dma2 semaphore(%dma_wait3A_704 : memref<!tpu.dma_semaphore, #tpu.memory_space<semaphore_mem>>) src(%dma_wait3A_712 : memref<512x2048xf32, #tpu.memory_space<any>>) dst(%dma_wait3A_708 : memref<512x2048xf32, #tpu.memory_space<vmem>>)
    %dma_start3A_713 = arith.constant 5 : i32
    %dma_start3A_714 = arith.constant 1 : i32
    %dma_start3A_715 = arith.constant 5 : i32
    %dma_start3A_716 = tpu.memref_slice %arg5[%dma_start3A_715] : memref<8x!tpu.dma_semaphore, #tpu.memory_space<semaphore_mem>> -> memref<1x!tpu.dma_semaphore, #tpu.memory_space<semaphore_mem>>
    %dma_start3A_717 = tpu.memref_squeeze %dma_start3A_716 : memref<1x!tpu.dma_semaphore, #tpu.memory_space<semaphore_mem>> -> memref<!tpu.dma_semaphore, #tpu.memory_space<semaphore_mem>>
    %dma_start3A_718 = arith.constant 1600 : i32
    %dma_start3A_719 = arith.constant 0 : i32
    %dma_start3A_720 = tpu.memref_slice %arg2[%dma_start3A_714, %dma_start3A_718, %dma_start3A_719] : memref<4x4160x2048xf32, #tpu.memory_space<any>> -> memref<1x512x2048xf32, #tpu.memory_space<any>>
    %dma_start3A_721 = tpu.memref_squeeze %dma_start3A_720 : memref<1x512x2048xf32, #tpu.memory_space<any>> -> memref<512x2048xf32, #tpu.memory_space<any>>
    %dma_start3A_722 = arith.constant 0 : i32
    %dma_start3A_723 = arith.constant 0 : i32
    %dma_start3A_724 = tpu.memref_slice %arg3[%dma_start3A_713, %dma_start3A_722, %dma_start3A_723] : memref<8x512x2048xf32, #tpu.memory_space<vmem>> -> memref<1x512x2048xf32, #tpu.memory_space<vmem>>
    %dma_start3A_725 = tpu.memref_squeeze %dma_start3A_724 : memref<1x512x2048xf32, #tpu.memory_space<vmem>> -> memref<512x2048xf32, #tpu.memory_space<vmem>>
    tpu.enqueue_dma source(%dma_start3A_725 : memref<512x2048xf32, #tpu.memory_space<vmem>>) target(%dma_start3A_721 : memref<512x2048xf32, #tpu.memory_space<any>>) target_semaphore(%dma_start3A_717 : memref<!tpu.dma_semaphore, #tpu.memory_space<semaphore_mem>>)
    %dma_wait3A_726 = arith.constant 2 : i32
    %dma_wait3A_727 = arith.constant 1 : i32
    %dma_wait3A_728 = arith.constant 2 : i32
    %dma_wait3A_729 = tpu.memref_slice %arg5[%dma_wait3A_728] : memref<8x!tpu.dma_semaphore, #tpu.memory_space<semaphore_mem>> -> memref<1x!tpu.dma_semaphore, #tpu.memory_space<semaphore_mem>>
    %dma_wait3A_730 = tpu.memref_squeeze %dma_wait3A_729 : memref<1x!tpu.dma_semaphore, #tpu.memory_space<semaphore_mem>> -> memref<!tpu.dma_semaphore, #tpu.memory_space<semaphore_mem>>
    %dma_wait3A_731 = arith.constant 64 : i32
    %dma_wait3A_732 = arith.constant 0 : i32
    %dma_wait3A_733 = tpu.memref_slice %arg2[%dma_wait3A_727, %dma_wait3A_731, %dma_wait3A_732] : memref<4x4160x2048xf32, #tpu.memory_space<any>> -> memref<1x512x2048xf32, #tpu.memory_space<any>>
    %dma_wait3A_734 = tpu.memref_squeeze %dma_wait3A_733 : memref<1x512x2048xf32, #tpu.memory_space<any>> -> memref<512x2048xf32, #tpu.memory_space<any>>
    %dma_wait3A_735 = arith.constant 0 : i32
    %dma_wait3A_736 = arith.constant 0 : i32
    %dma_wait3A_737 = tpu.memref_slice %arg3[%dma_wait3A_726, %dma_wait3A_735, %dma_wait3A_736] : memref<8x512x2048xf32, #tpu.memory_space<vmem>> -> memref<1x512x2048xf32, #tpu.memory_space<vmem>>
    %dma_wait3A_738 = tpu.memref_squeeze %dma_wait3A_737 : memref<1x512x2048xf32, #tpu.memory_space<vmem>> -> memref<512x2048xf32, #tpu.memory_space<vmem>>
    tpu.wait_dma2 semaphore(%dma_wait3A_730 : memref<!tpu.dma_semaphore, #tpu.memory_space<semaphore_mem>>) src(%dma_wait3A_738 : memref<512x2048xf32, #tpu.memory_space<vmem>>) dst(%dma_wait3A_734 : memref<512x2048xf32, #tpu.memory_space<any>>)
    %dma_start3A_739 = arith.constant 2 : i32
    %dma_start3A_740 = arith.constant 2 : i32
    %dma_start3A_741 = arith.constant 2 : i32
    %dma_start3A_742 = tpu.memref_slice %arg4[%dma_start3A_741] : memref<8x!tpu.dma_semaphore, #tpu.memory_space<semaphore_mem>> -> memref<1x!tpu.dma_semaphore, #tpu.memory_space<semaphore_mem>>
    %dma_start3A_743 = tpu.memref_squeeze %dma_start3A_742 : memref<1x!tpu.dma_semaphore, #tpu.memory_space<semaphore_mem>> -> memref<!tpu.dma_semaphore, #tpu.memory_space<semaphore_mem>>
    %dma_start3A_744 = arith.constant 0 : i32
    %dma_start3A_745 = arith.constant 0 : i32
    %dma_start3A_746 = tpu.memref_slice %arg3[%dma_start3A_740, %dma_start3A_744, %dma_start3A_745] : memref<8x512x2048xf32, #tpu.memory_space<vmem>> -> memref<1x64x2048xf32, #tpu.memory_space<vmem>>
    %dma_start3A_747 = tpu.memref_squeeze %dma_start3A_746 : memref<1x64x2048xf32, #tpu.memory_space<vmem>> -> memref<64x2048xf32, #tpu.memory_space<vmem>>
    %dma_start3A_748 = arith.constant 0 : i32
    %dma_start3A_749 = arith.constant 0 : i32
    %dma_start3A_750 = tpu.memref_slice %arg1[%dma_start3A_739, %dma_start3A_748, %dma_start3A_749] : memref<4x64x2048xf32, #tpu.memory_space<any>> -> memref<1x64x2048xf32, #tpu.memory_space<any>>
    %dma_start3A_751 = tpu.memref_squeeze %dma_start3A_750 : memref<1x64x2048xf32, #tpu.memory_space<any>> -> memref<64x2048xf32, #tpu.memory_space<any>>
    tpu.enqueue_dma source(%dma_start3A_751 : memref<64x2048xf32, #tpu.memory_space<any>>) target(%dma_start3A_747 : memref<64x2048xf32, #tpu.memory_space<vmem>>) target_semaphore(%dma_start3A_743 : memref<!tpu.dma_semaphore, #tpu.memory_space<semaphore_mem>>)
    %dma_wait3A_752 = arith.constant 1 : i32
    %dma_wait3A_753 = arith.constant 6 : i32
    %dma_wait3A_754 = arith.constant 6 : i32
    %dma_wait3A_755 = tpu.memref_slice %arg4[%dma_wait3A_754] : memref<8x!tpu.dma_semaphore, #tpu.memory_space<semaphore_mem>> -> memref<1x!tpu.dma_semaphore, #tpu.memory_space<semaphore_mem>>
    %dma_wait3A_756 = tpu.memref_squeeze %dma_wait3A_755 : memref<1x!tpu.dma_semaphore, #tpu.memory_space<semaphore_mem>> -> memref<!tpu.dma_semaphore, #tpu.memory_space<semaphore_mem>>
    %dma_wait3A_757 = arith.constant 0 : i32
    %dma_wait3A_758 = arith.constant 0 : i32
    %dma_wait3A_759 = tpu.memref_slice %arg3[%dma_wait3A_753, %dma_wait3A_757, %dma_wait3A_758] : memref<8x512x2048xf32, #tpu.memory_space<vmem>> -> memref<1x512x2048xf32, #tpu.memory_space<vmem>>
    %dma_wait3A_760 = tpu.memref_squeeze %dma_wait3A_759 : memref<1x512x2048xf32, #tpu.memory_space<vmem>> -> memref<512x2048xf32, #tpu.memory_space<vmem>>
    %dma_wait3A_761 = arith.constant 2048 : i32
    %dma_wait3A_762 = arith.constant 0 : i32
    %dma_wait3A_763 = tpu.memref_slice %arg0[%dma_wait3A_752, %dma_wait3A_761, %dma_wait3A_762] : memref<4x4096x2048xf32, #tpu.memory_space<any>> -> memref<1x512x2048xf32, #tpu.memory_space<any>>
    %dma_wait3A_764 = tpu.memref_squeeze %dma_wait3A_763 : memref<1x512x2048xf32, #tpu.memory_space<any>> -> memref<512x2048xf32, #tpu.memory_space<any>>
    tpu.wait_dma2 semaphore(%dma_wait3A_756 : memref<!tpu.dma_semaphore, #tpu.memory_space<semaphore_mem>>) src(%dma_wait3A_764 : memref<512x2048xf32, #tpu.memory_space<any>>) dst(%dma_wait3A_760 : memref<512x2048xf32, #tpu.memory_space<vmem>>)
    %dma_start3A_765 = arith.constant 6 : i32
    %dma_start3A_766 = arith.constant 1 : i32
    %dma_start3A_767 = arith.constant 6 : i32
    %dma_start3A_768 = tpu.memref_slice %arg5[%dma_start3A_767] : memref<8x!tpu.dma_semaphore, #tpu.memory_space<semaphore_mem>> -> memref<1x!tpu.dma_semaphore, #tpu.memory_space<semaphore_mem>>
    %dma_start3A_769 = tpu.memref_squeeze %dma_start3A_768 : memref<1x!tpu.dma_semaphore, #tpu.memory_space<semaphore_mem>> -> memref<!tpu.dma_semaphore, #tpu.memory_space<semaphore_mem>>
    %dma_start3A_770 = arith.constant 2112 : i32
    %dma_start3A_771 = arith.constant 0 : i32
    %dma_start3A_772 = tpu.memref_slice %arg2[%dma_start3A_766, %dma_start3A_770, %dma_start3A_771] : memref<4x4160x2048xf32, #tpu.memory_space<any>> -> memref<1x512x2048xf32, #tpu.memory_space<any>>
    %dma_start3A_773 = tpu.memref_squeeze %dma_start3A_772 : memref<1x512x2048xf32, #tpu.memory_space<any>> -> memref<512x2048xf32, #tpu.memory_space<any>>
    %dma_start3A_774 = arith.constant 0 : i32
    %dma_start3A_775 = arith.constant 0 : i32
    %dma_start3A_776 = tpu.memref_slice %arg3[%dma_start3A_765, %dma_start3A_774, %dma_start3A_775] : memref<8x512x2048xf32, #tpu.memory_space<vmem>> -> memref<1x512x2048xf32, #tpu.memory_space<vmem>>
    %dma_start3A_777 = tpu.memref_squeeze %dma_start3A_776 : memref<1x512x2048xf32, #tpu.memory_space<vmem>> -> memref<512x2048xf32, #tpu.memory_space<vmem>>
    tpu.enqueue_dma source(%dma_start3A_777 : memref<512x2048xf32, #tpu.memory_space<vmem>>) target(%dma_start3A_773 : memref<512x2048xf32, #tpu.memory_space<any>>) target_semaphore(%dma_start3A_769 : memref<!tpu.dma_semaphore, #tpu.memory_space<semaphore_mem>>)
    %dma_wait3A_778 = arith.constant 3 : i32
    %dma_wait3A_779 = arith.constant 1 : i32
    %dma_wait3A_780 = arith.constant 3 : i32
    %dma_wait3A_781 = tpu.memref_slice %arg5[%dma_wait3A_780] : memref<8x!tpu.dma_semaphore, #tpu.memory_space<semaphore_mem>> -> memref<1x!tpu.dma_semaphore, #tpu.memory_space<semaphore_mem>>
    %dma_wait3A_782 = tpu.memref_squeeze %dma_wait3A_781 : memref<1x!tpu.dma_semaphore, #tpu.memory_space<semaphore_mem>> -> memref<!tpu.dma_semaphore, #tpu.memory_space<semaphore_mem>>
    %dma_wait3A_783 = arith.constant 576 : i32
    %dma_wait3A_784 = arith.constant 0 : i32
    %dma_wait3A_785 = tpu.memref_slice %arg2[%dma_wait3A_779, %dma_wait3A_783, %dma_wait3A_784] : memref<4x4160x2048xf32, #tpu.memory_space<any>> -> memref<1x512x2048xf32, #tpu.memory_space<any>>
    %dma_wait3A_786 = tpu.memref_squeeze %dma_wait3A_785 : memref<1x512x2048xf32, #tpu.memory_space<any>> -> memref<512x2048xf32, #tpu.memory_space<any>>
    %dma_wait3A_787 = arith.constant 0 : i32
    %dma_wait3A_788 = arith.constant 0 : i32
    %dma_wait3A_789 = tpu.memref_slice %arg3[%dma_wait3A_778, %dma_wait3A_787, %dma_wait3A_788] : memref<8x512x2048xf32, #tpu.memory_space<vmem>> -> memref<1x512x2048xf32, #tpu.memory_space<vmem>>
    %dma_wait3A_790 = tpu.memref_squeeze %dma_wait3A_789 : memref<1x512x2048xf32, #tpu.memory_space<vmem>> -> memref<512x2048xf32, #tpu.memory_space<vmem>>
    tpu.wait_dma2 semaphore(%dma_wait3A_782 : memref<!tpu.dma_semaphore, #tpu.memory_space<semaphore_mem>>) src(%dma_wait3A_790 : memref<512x2048xf32, #tpu.memory_space<vmem>>) dst(%dma_wait3A_786 : memref<512x2048xf32, #tpu.memory_space<any>>)
    %dma_start3A_791 = arith.constant 2 : i32
    %dma_start3A_792 = arith.constant 3 : i32
    %dma_start3A_793 = arith.constant 3 : i32
    %dma_start3A_794 = tpu.memref_slice %arg4[%dma_start3A_793] : memref<8x!tpu.dma_semaphore, #tpu.memory_space<semaphore_mem>> -> memref<1x!tpu.dma_semaphore, #tpu.memory_space<semaphore_mem>>
    %dma_start3A_795 = tpu.memref_squeeze %dma_start3A_794 : memref<1x!tpu.dma_semaphore, #tpu.memory_space<semaphore_mem>> -> memref<!tpu.dma_semaphore, #tpu.memory_space<semaphore_mem>>
    %dma_start3A_796 = arith.constant 0 : i32
    %dma_start3A_797 = arith.constant 0 : i32
    %dma_start3A_798 = tpu.memref_slice %arg3[%dma_start3A_792, %dma_start3A_796, %dma_start3A_797] : memref<8x512x2048xf32, #tpu.memory_space<vmem>> -> memref<1x512x2048xf32, #tpu.memory_space<vmem>>
    %dma_start3A_799 = tpu.memref_squeeze %dma_start3A_798 : memref<1x512x2048xf32, #tpu.memory_space<vmem>> -> memref<512x2048xf32, #tpu.memory_space<vmem>>
    %dma_start3A_800 = arith.constant 0 : i32
    %dma_start3A_801 = arith.constant 0 : i32
    %dma_start3A_802 = tpu.memref_slice %arg0[%dma_start3A_791, %dma_start3A_800, %dma_start3A_801] : memref<4x4096x2048xf32, #tpu.memory_space<any>> -> memref<1x512x2048xf32, #tpu.memory_space<any>>
    %dma_start3A_803 = tpu.memref_squeeze %dma_start3A_802 : memref<1x512x2048xf32, #tpu.memory_space<any>> -> memref<512x2048xf32, #tpu.memory_space<any>>
    tpu.enqueue_dma source(%dma_start3A_803 : memref<512x2048xf32, #tpu.memory_space<any>>) target(%dma_start3A_799 : memref<512x2048xf32, #tpu.memory_space<vmem>>) target_semaphore(%dma_start3A_795 : memref<!tpu.dma_semaphore, #tpu.memory_space<semaphore_mem>>)
    %dma_wait3A_804 = arith.constant 1 : i32
    %dma_wait3A_805 = arith.constant 7 : i32
    %dma_wait3A_806 = arith.constant 7 : i32
    %dma_wait3A_807 = tpu.memref_slice %arg4[%dma_wait3A_806] : memref<8x!tpu.dma_semaphore, #tpu.memory_space<semaphore_mem>> -> memref<1x!tpu.dma_semaphore, #tpu.memory_space<semaphore_mem>>
    %dma_wait3A_808 = tpu.memref_squeeze %dma_wait3A_807 : memref<1x!tpu.dma_semaphore, #tpu.memory_space<semaphore_mem>> -> memref<!tpu.dma_semaphore, #tpu.memory_space<semaphore_mem>>
    %dma_wait3A_809 = arith.constant 0 : i32
    %dma_wait3A_810 = arith.constant 0 : i32
    %dma_wait3A_811 = tpu.memref_slice %arg3[%dma_wait3A_805, %dma_wait3A_809, %dma_wait3A_810] : memref<8x512x2048xf32, #tpu.memory_space<vmem>> -> memref<1x512x2048xf32, #tpu.memory_space<vmem>>
    %dma_wait3A_812 = tpu.memref_squeeze %dma_wait3A_811 : memref<1x512x2048xf32, #tpu.memory_space<vmem>> -> memref<512x2048xf32, #tpu.memory_space<vmem>>
    %dma_wait3A_813 = arith.constant 2560 : i32
    %dma_wait3A_814 = arith.constant 0 : i32
    %dma_wait3A_815 = tpu.memref_slice %arg0[%dma_wait3A_804, %dma_wait3A_813, %dma_wait3A_814] : memref<4x4096x2048xf32, #tpu.memory_space<any>> -> memref<1x512x2048xf32, #tpu.memory_space<any>>
    %dma_wait3A_816 = tpu.memref_squeeze %dma_wait3A_815 : memref<1x512x2048xf32, #tpu.memory_space<any>> -> memref<512x2048xf32, #tpu.memory_space<any>>
    tpu.wait_dma2 semaphore(%dma_wait3A_808 : memref<!tpu.dma_semaphore, #tpu.memory_space<semaphore_mem>>) src(%dma_wait3A_816 : memref<512x2048xf32, #tpu.memory_space<any>>) dst(%dma_wait3A_812 : memref<512x2048xf32, #tpu.memory_space<vmem>>)
    %dma_start3A_817 = arith.constant 7 : i32
    %dma_start3A_818 = arith.constant 1 : i32
    %dma_start3A_819 = arith.constant 7 : i32
    %dma_start3A_820 = tpu.memref_slice %arg5[%dma_start3A_819] : memref<8x!tpu.dma_semaphore, #tpu.memory_space<semaphore_mem>> -> memref<1x!tpu.dma_semaphore, #tpu.memory_space<semaphore_mem>>
    %dma_start3A_821 = tpu.memref_squeeze %dma_start3A_820 : memref<1x!tpu.dma_semaphore, #tpu.memory_space<semaphore_mem>> -> memref<!tpu.dma_semaphore, #tpu.memory_space<semaphore_mem>>
    %dma_start3A_822 = arith.constant 2624 : i32
    %dma_start3A_823 = arith.constant 0 : i32
    %dma_start3A_824 = tpu.memref_slice %arg2[%dma_start3A_818, %dma_start3A_822, %dma_start3A_823] : memref<4x4160x2048xf32, #tpu.memory_space<any>> -> memref<1x512x2048xf32, #tpu.memory_space<any>>
    %dma_start3A_825 = tpu.memref_squeeze %dma_start3A_824 : memref<1x512x2048xf32, #tpu.memory_space<any>> -> memref<512x2048xf32, #tpu.memory_space<any>>
    %dma_start3A_826 = arith.constant 0 : i32
    %dma_start3A_827 = arith.constant 0 : i32
    %dma_start3A_828 = tpu.memref_slice %arg3[%dma_start3A_817, %dma_start3A_826, %dma_start3A_827] : memref<8x512x2048xf32, #tpu.memory_space<vmem>> -> memref<1x512x2048xf32, #tpu.memory_space<vmem>>
    %dma_start3A_829 = tpu.memref_squeeze %dma_start3A_828 : memref<1x512x2048xf32, #tpu.memory_space<vmem>> -> memref<512x2048xf32, #tpu.memory_space<vmem>>
    tpu.enqueue_dma source(%dma_start3A_829 : memref<512x2048xf32, #tpu.memory_space<vmem>>) target(%dma_start3A_825 : memref<512x2048xf32, #tpu.memory_space<any>>) target_semaphore(%dma_start3A_821 : memref<!tpu.dma_semaphore, #tpu.memory_space<semaphore_mem>>)
    %dma_wait3A_830 = arith.constant 4 : i32
    %dma_wait3A_831 = arith.constant 1 : i32
    %dma_wait3A_832 = arith.constant 4 : i32
    %dma_wait3A_833 = tpu.memref_slice %arg5[%dma_wait3A_832] : memref<8x!tpu.dma_semaphore, #tpu.memory_space<semaphore_mem>> -> memref<1x!tpu.dma_semaphore, #tpu.memory_space<semaphore_mem>>
    %dma_wait3A_834 = tpu.memref_squeeze %dma_wait3A_833 : memref<1x!tpu.dma_semaphore, #tpu.memory_space<semaphore_mem>> -> memref<!tpu.dma_semaphore, #tpu.memory_space<semaphore_mem>>
    %dma_wait3A_835 = arith.constant 1088 : i32
    %dma_wait3A_836 = arith.constant 0 : i32
    %dma_wait3A_837 = tpu.memref_slice %arg2[%dma_wait3A_831, %dma_wait3A_835, %dma_wait3A_836] : memref<4x4160x2048xf32, #tpu.memory_space<any>> -> memref<1x512x2048xf32, #tpu.memory_space<any>>
    %dma_wait3A_838 = tpu.memref_squeeze %dma_wait3A_837 : memref<1x512x2048xf32, #tpu.memory_space<any>> -> memref<512x2048xf32, #tpu.memory_space<any>>
    %dma_wait3A_839 = arith.constant 0 : i32
    %dma_wait3A_840 = arith.constant 0 : i32
    %dma_wait3A_841 = tpu.memref_slice %arg3[%dma_wait3A_830, %dma_wait3A_839, %dma_wait3A_840] : memref<8x512x2048xf32, #tpu.memory_space<vmem>> -> memref<1x512x2048xf32, #tpu.memory_space<vmem>>
    %dma_wait3A_842 = tpu.memref_squeeze %dma_wait3A_841 : memref<1x512x2048xf32, #tpu.memory_space<vmem>> -> memref<512x2048xf32, #tpu.memory_space<vmem>>
    tpu.wait_dma2 semaphore(%dma_wait3A_834 : memref<!tpu.dma_semaphore, #tpu.memory_space<semaphore_mem>>) src(%dma_wait3A_842 : memref<512x2048xf32, #tpu.memory_space<vmem>>) dst(%dma_wait3A_838 : memref<512x2048xf32, #tpu.memory_space<any>>)
    %dma_start3A_843 = arith.constant 2 : i32
    %dma_start3A_844 = arith.constant 4 : i32
    %dma_start3A_845 = arith.constant 4 : i32
    %dma_start3A_846 = tpu.memref_slice %arg4[%dma_start3A_845] : memref<8x!tpu.dma_semaphore, #tpu.memory_space<semaphore_mem>> -> memref<1x!tpu.dma_semaphore, #tpu.memory_space<semaphore_mem>>
    %dma_start3A_847 = tpu.memref_squeeze %dma_start3A_846 : memref<1x!tpu.dma_semaphore, #tpu.memory_space<semaphore_mem>> -> memref<!tpu.dma_semaphore, #tpu.memory_space<semaphore_mem>>
    %dma_start3A_848 = arith.constant 0 : i32
    %dma_start3A_849 = arith.constant 0 : i32
    %dma_start3A_850 = tpu.memref_slice %arg3[%dma_start3A_844, %dma_start3A_848, %dma_start3A_849] : memref<8x512x2048xf32, #tpu.memory_space<vmem>> -> memref<1x512x2048xf32, #tpu.memory_space<vmem>>
    %dma_start3A_851 = tpu.memref_squeeze %dma_start3A_850 : memref<1x512x2048xf32, #tpu.memory_space<vmem>> -> memref<512x2048xf32, #tpu.memory_space<vmem>>
    %dma_start3A_852 = arith.constant 512 : i32
    %dma_start3A_853 = arith.constant 0 : i32
    %dma_start3A_854 = tpu.memref_slice %arg0[%dma_start3A_843, %dma_start3A_852, %dma_start3A_853] : memref<4x4096x2048xf32, #tpu.memory_space<any>> -> memref<1x512x2048xf32, #tpu.memory_space<any>>
    %dma_start3A_855 = tpu.memref_squeeze %dma_start3A_854 : memref<1x512x2048xf32, #tpu.memory_space<any>> -> memref<512x2048xf32, #tpu.memory_space<any>>
    tpu.enqueue_dma source(%dma_start3A_855 : memref<512x2048xf32, #tpu.memory_space<any>>) target(%dma_start3A_851 : memref<512x2048xf32, #tpu.memory_space<vmem>>) target_semaphore(%dma_start3A_847 : memref<!tpu.dma_semaphore, #tpu.memory_space<semaphore_mem>>)
    %dma_wait3A_856 = arith.constant 1 : i32
    %dma_wait3A_857 = arith.constant 0 : i32
    %dma_wait3A_858 = arith.constant 0 : i32
    %dma_wait3A_859 = tpu.memref_slice %arg4[%dma_wait3A_858] : memref<8x!tpu.dma_semaphore, #tpu.memory_space<semaphore_mem>> -> memref<1x!tpu.dma_semaphore, #tpu.memory_space<semaphore_mem>>
    %dma_wait3A_860 = tpu.memref_squeeze %dma_wait3A_859 : memref<1x!tpu.dma_semaphore, #tpu.memory_space<semaphore_mem>> -> memref<!tpu.dma_semaphore, #tpu.memory_space<semaphore_mem>>
    %dma_wait3A_861 = arith.constant 0 : i32
    %dma_wait3A_862 = arith.constant 0 : i32
    %dma_wait3A_863 = tpu.memref_slice %arg3[%dma_wait3A_857, %dma_wait3A_861, %dma_wait3A_862] : memref<8x512x2048xf32, #tpu.memory_space<vmem>> -> memref<1x512x2048xf32, #tpu.memory_space<vmem>>
    %dma_wait3A_864 = tpu.memref_squeeze %dma_wait3A_863 : memref<1x512x2048xf32, #tpu.memory_space<vmem>> -> memref<512x2048xf32, #tpu.memory_space<vmem>>
    %dma_wait3A_865 = arith.constant 3072 : i32
    %dma_wait3A_866 = arith.constant 0 : i32
    %dma_wait3A_867 = tpu.memref_slice %arg0[%dma_wait3A_856, %dma_wait3A_865, %dma_wait3A_866] : memref<4x4096x2048xf32, #tpu.memory_space<any>> -> memref<1x512x2048xf32, #tpu.memory_space<any>>
    %dma_wait3A_868 = tpu.memref_squeeze %dma_wait3A_867 : memref<1x512x2048xf32, #tpu.memory_space<any>> -> memref<512x2048xf32, #tpu.memory_space<any>>
    tpu.wait_dma2 semaphore(%dma_wait3A_860 : memref<!tpu.dma_semaphore, #tpu.memory_space<semaphore_mem>>) src(%dma_wait3A_868 : memref<512x2048xf32, #tpu.memory_space<any>>) dst(%dma_wait3A_864 : memref<512x2048xf32, #tpu.memory_space<vmem>>)
    %dma_start3A_869 = arith.constant 0 : i32
    %dma_start3A_870 = arith.constant 1 : i32
    %dma_start3A_871 = arith.constant 0 : i32
    %dma_start3A_872 = tpu.memref_slice %arg5[%dma_start3A_871] : memref<8x!tpu.dma_semaphore, #tpu.memory_space<semaphore_mem>> -> memref<1x!tpu.dma_semaphore, #tpu.memory_space<semaphore_mem>>
    %dma_start3A_873 = tpu.memref_squeeze %dma_start3A_872 : memref<1x!tpu.dma_semaphore, #tpu.memory_space<semaphore_mem>> -> memref<!tpu.dma_semaphore, #tpu.memory_space<semaphore_mem>>
    %dma_start3A_874 = arith.constant 3136 : i32
    %dma_start3A_875 = arith.constant 0 : i32
    %dma_start3A_876 = tpu.memref_slice %arg2[%dma_start3A_870, %dma_start3A_874, %dma_start3A_875] : memref<4x4160x2048xf32, #tpu.memory_space<any>> -> memref<1x512x2048xf32, #tpu.memory_space<any>>
    %dma_start3A_877 = tpu.memref_squeeze %dma_start3A_876 : memref<1x512x2048xf32, #tpu.memory_space<any>> -> memref<512x2048xf32, #tpu.memory_space<any>>
    %dma_start3A_878 = arith.constant 0 : i32
    %dma_start3A_879 = arith.constant 0 : i32
    %dma_start3A_880 = tpu.memref_slice %arg3[%dma_start3A_869, %dma_start3A_878, %dma_start3A_879] : memref<8x512x2048xf32, #tpu.memory_space<vmem>> -> memref<1x512x2048xf32, #tpu.memory_space<vmem>>
    %dma_start3A_881 = tpu.memref_squeeze %dma_start3A_880 : memref<1x512x2048xf32, #tpu.memory_space<vmem>> -> memref<512x2048xf32, #tpu.memory_space<vmem>>
    tpu.enqueue_dma source(%dma_start3A_881 : memref<512x2048xf32, #tpu.memory_space<vmem>>) target(%dma_start3A_877 : memref<512x2048xf32, #tpu.memory_space<any>>) target_semaphore(%dma_start3A_873 : memref<!tpu.dma_semaphore, #tpu.memory_space<semaphore_mem>>)
    %dma_wait3A_882 = arith.constant 5 : i32
    %dma_wait3A_883 = arith.constant 1 : i32
    %dma_wait3A_884 = arith.constant 5 : i32
    %dma_wait3A_885 = tpu.memref_slice %arg5[%dma_wait3A_884] : memref<8x!tpu.dma_semaphore, #tpu.memory_space<semaphore_mem>> -> memref<1x!tpu.dma_semaphore, #tpu.memory_space<semaphore_mem>>
    %dma_wait3A_886 = tpu.memref_squeeze %dma_wait3A_885 : memref<1x!tpu.dma_semaphore, #tpu.memory_space<semaphore_mem>> -> memref<!tpu.dma_semaphore, #tpu.memory_space<semaphore_mem>>
    %dma_wait3A_887 = arith.constant 1600 : i32
    %dma_wait3A_888 = arith.constant 0 : i32
    %dma_wait3A_889 = tpu.memref_slice %arg2[%dma_wait3A_883, %dma_wait3A_887, %dma_wait3A_888] : memref<4x4160x2048xf32, #tpu.memory_space<any>> -> memref<1x512x2048xf32, #tpu.memory_space<any>>
    %dma_wait3A_890 = tpu.memref_squeeze %dma_wait3A_889 : memref<1x512x2048xf32, #tpu.memory_space<any>> -> memref<512x2048xf32, #tpu.memory_space<any>>
    %dma_wait3A_891 = arith.constant 0 : i32
    %dma_wait3A_892 = arith.constant 0 : i32
    %dma_wait3A_893 = tpu.memref_slice %arg3[%dma_wait3A_882, %dma_wait3A_891, %dma_wait3A_892] : memref<8x512x2048xf32, #tpu.memory_space<vmem>> -> memref<1x512x2048xf32, #tpu.memory_space<vmem>>
    %dma_wait3A_894 = tpu.memref_squeeze %dma_wait3A_893 : memref<1x512x2048xf32, #tpu.memory_space<vmem>> -> memref<512x2048xf32, #tpu.memory_space<vmem>>
    tpu.wait_dma2 semaphore(%dma_wait3A_886 : memref<!tpu.dma_semaphore, #tpu.memory_space<semaphore_mem>>) src(%dma_wait3A_894 : memref<512x2048xf32, #tpu.memory_space<vmem>>) dst(%dma_wait3A_890 : memref<512x2048xf32, #tpu.memory_space<any>>)
    %dma_start3A_895 = arith.constant 2 : i32
    %dma_start3A_896 = arith.constant 5 : i32
    %dma_start3A_897 = arith.constant 5 : i32
    %dma_start3A_898 = tpu.memref_slice %arg4[%dma_start3A_897] : memref<8x!tpu.dma_semaphore, #tpu.memory_space<semaphore_mem>> -> memref<1x!tpu.dma_semaphore, #tpu.memory_space<semaphore_mem>>
    %dma_start3A_899 = tpu.memref_squeeze %dma_start3A_898 : memref<1x!tpu.dma_semaphore, #tpu.memory_space<semaphore_mem>> -> memref<!tpu.dma_semaphore, #tpu.memory_space<semaphore_mem>>
    %dma_start3A_900 = arith.constant 0 : i32
    %dma_start3A_901 = arith.constant 0 : i32
    %dma_start3A_902 = tpu.memref_slice %arg3[%dma_start3A_896, %dma_start3A_900, %dma_start3A_901] : memref<8x512x2048xf32, #tpu.memory_space<vmem>> -> memref<1x512x2048xf32, #tpu.memory_space<vmem>>
    %dma_start3A_903 = tpu.memref_squeeze %dma_start3A_902 : memref<1x512x2048xf32, #tpu.memory_space<vmem>> -> memref<512x2048xf32, #tpu.memory_space<vmem>>
    %dma_start3A_904 = arith.constant 1024 : i32
    %dma_start3A_905 = arith.constant 0 : i32
    %dma_start3A_906 = tpu.memref_slice %arg0[%dma_start3A_895, %dma_start3A_904, %dma_start3A_905] : memref<4x4096x2048xf32, #tpu.memory_space<any>> -> memref<1x512x2048xf32, #tpu.memory_space<any>>
    %dma_start3A_907 = tpu.memref_squeeze %dma_start3A_906 : memref<1x512x2048xf32, #tpu.memory_space<any>> -> memref<512x2048xf32, #tpu.memory_space<any>>
    tpu.enqueue_dma source(%dma_start3A_907 : memref<512x2048xf32, #tpu.memory_space<any>>) target(%dma_start3A_903 : memref<512x2048xf32, #tpu.memory_space<vmem>>) target_semaphore(%dma_start3A_899 : memref<!tpu.dma_semaphore, #tpu.memory_space<semaphore_mem>>)
    %dma_wait3A_908 = arith.constant 1 : i32
    %dma_wait3A_909 = arith.constant 1 : i32
    %dma_wait3A_910 = arith.constant 1 : i32
    %dma_wait3A_911 = tpu.memref_slice %arg4[%dma_wait3A_910] : memref<8x!tpu.dma_semaphore, #tpu.memory_space<semaphore_mem>> -> memref<1x!tpu.dma_semaphore, #tpu.memory_space<semaphore_mem>>
    %dma_wait3A_912 = tpu.memref_squeeze %dma_wait3A_911 : memref<1x!tpu.dma_semaphore, #tpu.memory_space<semaphore_mem>> -> memref<!tpu.dma_semaphore, #tpu.memory_space<semaphore_mem>>
    %dma_wait3A_913 = arith.constant 0 : i32
    %dma_wait3A_914 = arith.constant 0 : i32
    %dma_wait3A_915 = tpu.memref_slice %arg3[%dma_wait3A_909, %dma_wait3A_913, %dma_wait3A_914] : memref<8x512x2048xf32, #tpu.memory_space<vmem>> -> memref<1x512x2048xf32, #tpu.memory_space<vmem>>
    %dma_wait3A_916 = tpu.memref_squeeze %dma_wait3A_915 : memref<1x512x2048xf32, #tpu.memory_space<vmem>> -> memref<512x2048xf32, #tpu.memory_space<vmem>>
    %dma_wait3A_917 = arith.constant 3584 : i32
    %dma_wait3A_918 = arith.constant 0 : i32
    %dma_wait3A_919 = tpu.memref_slice %arg0[%dma_wait3A_908, %dma_wait3A_917, %dma_wait3A_918] : memref<4x4096x2048xf32, #tpu.memory_space<any>> -> memref<1x512x2048xf32, #tpu.memory_space<any>>
    %dma_wait3A_920 = tpu.memref_squeeze %dma_wait3A_919 : memref<1x512x2048xf32, #tpu.memory_space<any>> -> memref<512x2048xf32, #tpu.memory_space<any>>
    tpu.wait_dma2 semaphore(%dma_wait3A_912 : memref<!tpu.dma_semaphore, #tpu.memory_space<semaphore_mem>>) src(%dma_wait3A_920 : memref<512x2048xf32, #tpu.memory_space<any>>) dst(%dma_wait3A_916 : memref<512x2048xf32, #tpu.memory_space<vmem>>)
    %dma_start3A_921 = arith.constant 1 : i32
    %dma_start3A_922 = arith.constant 1 : i32
    %dma_start3A_923 = arith.constant 1 : i32
    %dma_start3A_924 = tpu.memref_slice %arg5[%dma_start3A_923] : memref<8x!tpu.dma_semaphore, #tpu.memory_space<semaphore_mem>> -> memref<1x!tpu.dma_semaphore, #tpu.memory_space<semaphore_mem>>
    %dma_start3A_925 = tpu.memref_squeeze %dma_start3A_924 : memref<1x!tpu.dma_semaphore, #tpu.memory_space<semaphore_mem>> -> memref<!tpu.dma_semaphore, #tpu.memory_space<semaphore_mem>>
    %dma_start3A_926 = arith.constant 3648 : i32
    %dma_start3A_927 = arith.constant 0 : i32
    %dma_start3A_928 = tpu.memref_slice %arg2[%dma_start3A_922, %dma_start3A_926, %dma_start3A_927] : memref<4x4160x2048xf32, #tpu.memory_space<any>> -> memref<1x512x2048xf32, #tpu.memory_space<any>>
    %dma_start3A_929 = tpu.memref_squeeze %dma_start3A_928 : memref<1x512x2048xf32, #tpu.memory_space<any>> -> memref<512x2048xf32, #tpu.memory_space<any>>
    %dma_start3A_930 = arith.constant 0 : i32
    %dma_start3A_931 = arith.constant 0 : i32
    %dma_start3A_932 = tpu.memref_slice %arg3[%dma_start3A_921, %dma_start3A_930, %dma_start3A_931] : memref<8x512x2048xf32, #tpu.memory_space<vmem>> -> memref<1x512x2048xf32, #tpu.memory_space<vmem>>
    %dma_start3A_933 = tpu.memref_squeeze %dma_start3A_932 : memref<1x512x2048xf32, #tpu.memory_space<vmem>> -> memref<512x2048xf32, #tpu.memory_space<vmem>>
    tpu.enqueue_dma source(%dma_start3A_933 : memref<512x2048xf32, #tpu.memory_space<vmem>>) target(%dma_start3A_929 : memref<512x2048xf32, #tpu.memory_space<any>>) target_semaphore(%dma_start3A_925 : memref<!tpu.dma_semaphore, #tpu.memory_space<semaphore_mem>>)
    %dma_wait3A_934 = arith.constant 6 : i32
    %dma_wait3A_935 = arith.constant 1 : i32
    %dma_wait3A_936 = arith.constant 6 : i32
    %dma_wait3A_937 = tpu.memref_slice %arg5[%dma_wait3A_936] : memref<8x!tpu.dma_semaphore, #tpu.memory_space<semaphore_mem>> -> memref<1x!tpu.dma_semaphore, #tpu.memory_space<semaphore_mem>>
    %dma_wait3A_938 = tpu.memref_squeeze %dma_wait3A_937 : memref<1x!tpu.dma_semaphore, #tpu.memory_space<semaphore_mem>> -> memref<!tpu.dma_semaphore, #tpu.memory_space<semaphore_mem>>
    %dma_wait3A_939 = arith.constant 2112 : i32
    %dma_wait3A_940 = arith.constant 0 : i32
    %dma_wait3A_941 = tpu.memref_slice %arg2[%dma_wait3A_935, %dma_wait3A_939, %dma_wait3A_940] : memref<4x4160x2048xf32, #tpu.memory_space<any>> -> memref<1x512x2048xf32, #tpu.memory_space<any>>
    %dma_wait3A_942 = tpu.memref_squeeze %dma_wait3A_941 : memref<1x512x2048xf32, #tpu.memory_space<any>> -> memref<512x2048xf32, #tpu.memory_space<any>>
    %dma_wait3A_943 = arith.constant 0 : i32
    %dma_wait3A_944 = arith.constant 0 : i32
    %dma_wait3A_945 = tpu.memref_slice %arg3[%dma_wait3A_934, %dma_wait3A_943, %dma_wait3A_944] : memref<8x512x2048xf32, #tpu.memory_space<vmem>> -> memref<1x512x2048xf32, #tpu.memory_space<vmem>>
    %dma_wait3A_946 = tpu.memref_squeeze %dma_wait3A_945 : memref<1x512x2048xf32, #tpu.memory_space<vmem>> -> memref<512x2048xf32, #tpu.memory_space<vmem>>
    tpu.wait_dma2 semaphore(%dma_wait3A_938 : memref<!tpu.dma_semaphore, #tpu.memory_space<semaphore_mem>>) src(%dma_wait3A_946 : memref<512x2048xf32, #tpu.memory_space<vmem>>) dst(%dma_wait3A_942 : memref<512x2048xf32, #tpu.memory_space<any>>)
    %dma_start3A_947 = arith.constant 2 : i32
    %dma_start3A_948 = arith.constant 6 : i32
    %dma_start3A_949 = arith.constant 6 : i32
    %dma_start3A_950 = tpu.memref_slice %arg4[%dma_start3A_949] : memref<8x!tpu.dma_semaphore, #tpu.memory_space<semaphore_mem>> -> memref<1x!tpu.dma_semaphore, #tpu.memory_space<semaphore_mem>>
    %dma_start3A_951 = tpu.memref_squeeze %dma_start3A_950 : memref<1x!tpu.dma_semaphore, #tpu.memory_space<semaphore_mem>> -> memref<!tpu.dma_semaphore, #tpu.memory_space<semaphore_mem>>
    %dma_start3A_952 = arith.constant 0 : i32
    %dma_start3A_953 = arith.constant 0 : i32
    %dma_start3A_954 = tpu.memref_slice %arg3[%dma_start3A_948, %dma_start3A_952, %dma_start3A_953] : memref<8x512x2048xf32, #tpu.memory_space<vmem>> -> memref<1x512x2048xf32, #tpu.memory_space<vmem>>
    %dma_start3A_955 = tpu.memref_squeeze %dma_start3A_954 : memref<1x512x2048xf32, #tpu.memory_space<vmem>> -> memref<512x2048xf32, #tpu.memory_space<vmem>>
    %dma_start3A_956 = arith.constant 1536 : i32
    %dma_start3A_957 = arith.constant 0 : i32
    %dma_start3A_958 = tpu.memref_slice %arg0[%dma_start3A_947, %dma_start3A_956, %dma_start3A_957] : memref<4x4096x2048xf32, #tpu.memory_space<any>> -> memref<1x512x2048xf32, #tpu.memory_space<any>>
    %dma_start3A_959 = tpu.memref_squeeze %dma_start3A_958 : memref<1x512x2048xf32, #tpu.memory_space<any>> -> memref<512x2048xf32, #tpu.memory_space<any>>
    tpu.enqueue_dma source(%dma_start3A_959 : memref<512x2048xf32, #tpu.memory_space<any>>) target(%dma_start3A_955 : memref<512x2048xf32, #tpu.memory_space<vmem>>) target_semaphore(%dma_start3A_951 : memref<!tpu.dma_semaphore, #tpu.memory_space<semaphore_mem>>)
    %dma_wait3A_960 = arith.constant 2 : i32
    %dma_wait3A_961 = arith.constant 2 : i32
    %dma_wait3A_962 = arith.constant 2 : i32
    %dma_wait3A_963 = tpu.memref_slice %arg4[%dma_wait3A_962] : memref<8x!tpu.dma_semaphore, #tpu.memory_space<semaphore_mem>> -> memref<1x!tpu.dma_semaphore, #tpu.memory_space<semaphore_mem>>
    %dma_wait3A_964 = tpu.memref_squeeze %dma_wait3A_963 : memref<1x!tpu.dma_semaphore, #tpu.memory_space<semaphore_mem>> -> memref<!tpu.dma_semaphore, #tpu.memory_space<semaphore_mem>>
    %dma_wait3A_965 = arith.constant 0 : i32
    %dma_wait3A_966 = arith.constant 0 : i32
    %dma_wait3A_967 = tpu.memref_slice %arg3[%dma_wait3A_961, %dma_wait3A_965, %dma_wait3A_966] : memref<8x512x2048xf32, #tpu.memory_space<vmem>> -> memref<1x64x2048xf32, #tpu.memory_space<vmem>>
    %dma_wait3A_968 = tpu.memref_squeeze %dma_wait3A_967 : memref<1x64x2048xf32, #tpu.memory_space<vmem>> -> memref<64x2048xf32, #tpu.memory_space<vmem>>
    %dma_wait3A_969 = arith.constant 0 : i32
    %dma_wait3A_970 = arith.constant 0 : i32
    %dma_wait3A_971 = tpu.memref_slice %arg1[%dma_wait3A_960, %dma_wait3A_969, %dma_wait3A_970] : memref<4x64x2048xf32, #tpu.memory_space<any>> -> memref<1x64x2048xf32, #tpu.memory_space<any>>
    %dma_wait3A_972 = tpu.memref_squeeze %dma_wait3A_971 : memref<1x64x2048xf32, #tpu.memory_space<any>> -> memref<64x2048xf32, #tpu.memory_space<any>>
    tpu.wait_dma2 semaphore(%dma_wait3A_964 : memref<!tpu.dma_semaphore, #tpu.memory_space<semaphore_mem>>) src(%dma_wait3A_972 : memref<64x2048xf32, #tpu.memory_space<any>>) dst(%dma_wait3A_968 : memref<64x2048xf32, #tpu.memory_space<vmem>>)
    %dma_start3A_973 = arith.constant 2 : i32
    %dma_start3A_974 = arith.constant 2 : i32
    %dma_start3A_975 = arith.constant 2 : i32
    %dma_start3A_976 = tpu.memref_slice %arg5[%dma_start3A_975] : memref<8x!tpu.dma_semaphore, #tpu.memory_space<semaphore_mem>> -> memref<1x!tpu.dma_semaphore, #tpu.memory_space<semaphore_mem>>
    %dma_start3A_977 = tpu.memref_squeeze %dma_start3A_976 : memref<1x!tpu.dma_semaphore, #tpu.memory_space<semaphore_mem>> -> memref<!tpu.dma_semaphore, #tpu.memory_space<semaphore_mem>>
    %dma_start3A_978 = arith.constant 0 : i32
    %dma_start3A_979 = arith.constant 0 : i32
    %dma_start3A_980 = tpu.memref_slice %arg2[%dma_start3A_974, %dma_start3A_978, %dma_start3A_979] : memref<4x4160x2048xf32, #tpu.memory_space<any>> -> memref<1x64x2048xf32, #tpu.memory_space<any>>
    %dma_start3A_981 = tpu.memref_squeeze %dma_start3A_980 : memref<1x64x2048xf32, #tpu.memory_space<any>> -> memref<64x2048xf32, #tpu.memory_space<any>>
    %dma_start3A_982 = arith.constant 0 : i32
    %dma_start3A_983 = arith.constant 0 : i32
    %dma_start3A_984 = tpu.memref_slice %arg3[%dma_start3A_973, %dma_start3A_982, %dma_start3A_983] : memref<8x512x2048xf32, #tpu.memory_space<vmem>> -> memref<1x64x2048xf32, #tpu.memory_space<vmem>>
    %dma_start3A_985 = tpu.memref_squeeze %dma_start3A_984 : memref<1x64x2048xf32, #tpu.memory_space<vmem>> -> memref<64x2048xf32, #tpu.memory_space<vmem>>
    tpu.enqueue_dma source(%dma_start3A_985 : memref<64x2048xf32, #tpu.memory_space<vmem>>) target(%dma_start3A_981 : memref<64x2048xf32, #tpu.memory_space<any>>) target_semaphore(%dma_start3A_977 : memref<!tpu.dma_semaphore, #tpu.memory_space<semaphore_mem>>)
    %dma_wait3A_986 = arith.constant 7 : i32
    %dma_wait3A_987 = arith.constant 1 : i32
    %dma_wait3A_988 = arith.constant 7 : i32
    %dma_wait3A_989 = tpu.memref_slice %arg5[%dma_wait3A_988] : memref<8x!tpu.dma_semaphore, #tpu.memory_space<semaphore_mem>> -> memref<1x!tpu.dma_semaphore, #tpu.memory_space<semaphore_mem>>
    %dma_wait3A_990 = tpu.memref_squeeze %dma_wait3A_989 : memref<1x!tpu.dma_semaphore, #tpu.memory_space<semaphore_mem>> -> memref<!tpu.dma_semaphore, #tpu.memory_space<semaphore_mem>>
    %dma_wait3A_991 = arith.constant 2624 : i32
    %dma_wait3A_992 = arith.constant 0 : i32
    %dma_wait3A_993 = tpu.memref_slice %arg2[%dma_wait3A_987, %dma_wait3A_991, %dma_wait3A_992] : memref<4x4160x2048xf32, #tpu.memory_space<any>> -> memref<1x512x2048xf32, #tpu.memory_space<any>>
    %dma_wait3A_994 = tpu.memref_squeeze %dma_wait3A_993 : memref<1x512x2048xf32, #tpu.memory_space<any>> -> memref<512x2048xf32, #tpu.memory_space<any>>
    %dma_wait3A_995 = arith.constant 0 : i32
    %dma_wait3A_996 = arith.constant 0 : i32
    %dma_wait3A_997 = tpu.memref_slice %arg3[%dma_wait3A_986, %dma_wait3A_995, %dma_wait3A_996] : memref<8x512x2048xf32, #tpu.memory_space<vmem>> -> memref<1x512x2048xf32, #tpu.memory_space<vmem>>
    %dma_wait3A_998 = tpu.memref_squeeze %dma_wait3A_997 : memref<1x512x2048xf32, #tpu.memory_space<vmem>> -> memref<512x2048xf32, #tpu.memory_space<vmem>>
    tpu.wait_dma2 semaphore(%dma_wait3A_990 : memref<!tpu.dma_semaphore, #tpu.memory_space<semaphore_mem>>) src(%dma_wait3A_998 : memref<512x2048xf32, #tpu.memory_space<vmem>>) dst(%dma_wait3A_994 : memref<512x2048xf32, #tpu.memory_space<any>>)
    %dma_start3A_999 = arith.constant 2 : i32
    %dma_start3A_1000 = arith.constant 7 : i32
    %dma_start3A_1001 = arith.constant 7 : i32
    %dma_start3A_1002 = tpu.memref_slice %arg4[%dma_start3A_1001] : memref<8x!tpu.dma_semaphore, #tpu.memory_space<semaphore_mem>> -> memref<1x!tpu.dma_semaphore, #tpu.memory_space<semaphore_mem>>
    %dma_start3A_1003 = tpu.memref_squeeze %dma_start3A_1002 : memref<1x!tpu.dma_semaphore, #tpu.memory_space<semaphore_mem>> -> memref<!tpu.dma_semaphore, #tpu.memory_space<semaphore_mem>>
    %dma_start3A_1004 = arith.constant 0 : i32
    %dma_start3A_1005 = arith.constant 0 : i32
    %dma_start3A_1006 = tpu.memref_slice %arg3[%dma_start3A_1000, %dma_start3A_1004, %dma_start3A_1005] : memref<8x512x2048xf32, #tpu.memory_space<vmem>> -> memref<1x512x2048xf32, #tpu.memory_space<vmem>>
    %dma_start3A_1007 = tpu.memref_squeeze %dma_start3A_1006 : memref<1x512x2048xf32, #tpu.memory_space<vmem>> -> memref<512x2048xf32, #tpu.memory_space<vmem>>
    %dma_start3A_1008 = arith.constant 2048 : i32
    %dma_start3A_1009 = arith.constant 0 : i32
    %dma_start3A_1010 = tpu.memref_slice %arg0[%dma_start3A_999, %dma_start3A_1008, %dma_start3A_1009] : memref<4x4096x2048xf32, #tpu.memory_space<any>> -> memref<1x512x2048xf32, #tpu.memory_space<any>>
    %dma_start3A_1011 = tpu.memref_squeeze %dma_start3A_1010 : memref<1x512x2048xf32, #tpu.memory_space<any>> -> memref<512x2048xf32, #tpu.memory_space<any>>
    tpu.enqueue_dma source(%dma_start3A_1011 : memref<512x2048xf32, #tpu.memory_space<any>>) target(%dma_start3A_1007 : memref<512x2048xf32, #tpu.memory_space<vmem>>) target_semaphore(%dma_start3A_1003 : memref<!tpu.dma_semaphore, #tpu.memory_space<semaphore_mem>>)
    %dma_wait3A_1012 = arith.constant 2 : i32
    %dma_wait3A_1013 = arith.constant 3 : i32
    %dma_wait3A_1014 = arith.constant 3 : i32
    %dma_wait3A_1015 = tpu.memref_slice %arg4[%dma_wait3A_1014] : memref<8x!tpu.dma_semaphore, #tpu.memory_space<semaphore_mem>> -> memref<1x!tpu.dma_semaphore, #tpu.memory_space<semaphore_mem>>
    %dma_wait3A_1016 = tpu.memref_squeeze %dma_wait3A_1015 : memref<1x!tpu.dma_semaphore, #tpu.memory_space<semaphore_mem>> -> memref<!tpu.dma_semaphore, #tpu.memory_space<semaphore_mem>>
    %dma_wait3A_1017 = arith.constant 0 : i32
    %dma_wait3A_1018 = arith.constant 0 : i32
    %dma_wait3A_1019 = tpu.memref_slice %arg3[%dma_wait3A_1013, %dma_wait3A_1017, %dma_wait3A_1018] : memref<8x512x2048xf32, #tpu.memory_space<vmem>> -> memref<1x512x2048xf32, #tpu.memory_space<vmem>>
    %dma_wait3A_1020 = tpu.memref_squeeze %dma_wait3A_1019 : memref<1x512x2048xf32, #tpu.memory_space<vmem>> -> memref<512x2048xf32, #tpu.memory_space<vmem>>
    %dma_wait3A_1021 = arith.constant 0 : i32
    %dma_wait3A_1022 = arith.constant 0 : i32
    %dma_wait3A_1023 = tpu.memref_slice %arg0[%dma_wait3A_1012, %dma_wait3A_1021, %dma_wait3A_1022] : memref<4x4096x2048xf32, #tpu.memory_space<any>> -> memref<1x512x2048xf32, #tpu.memory_space<any>>
    %dma_wait3A_1024 = tpu.memref_squeeze %dma_wait3A_1023 : memref<1x512x2048xf32, #tpu.memory_space<any>> -> memref<512x2048xf32, #tpu.memory_space<any>>
    tpu.wait_dma2 semaphore(%dma_wait3A_1016 : memref<!tpu.dma_semaphore, #tpu.memory_space<semaphore_mem>>) src(%dma_wait3A_1024 : memref<512x2048xf32, #tpu.memory_space<any>>) dst(%dma_wait3A_1020 : memref<512x2048xf32, #tpu.memory_space<vmem>>)
    %dma_start3A_1025 = arith.constant 3 : i32
    %dma_start3A_1026 = arith.constant 2 : i32
    %dma_start3A_1027 = arith.constant 3 : i32
    %dma_start3A_1028 = tpu.memref_slice %arg5[%dma_start3A_1027] : memref<8x!tpu.dma_semaphore, #tpu.memory_space<semaphore_mem>> -> memref<1x!tpu.dma_semaphore, #tpu.memory_space<semaphore_mem>>
    %dma_start3A_1029 = tpu.memref_squeeze %dma_start3A_1028 : memref<1x!tpu.dma_semaphore, #tpu.memory_space<semaphore_mem>> -> memref<!tpu.dma_semaphore, #tpu.memory_space<semaphore_mem>>
    %dma_start3A_1030 = arith.constant 64 : i32
    %dma_start3A_1031 = arith.constant 0 : i32
    %dma_start3A_1032 = tpu.memref_slice %arg2[%dma_start3A_1026, %dma_start3A_1030, %dma_start3A_1031] : memref<4x4160x2048xf32, #tpu.memory_space<any>> -> memref<1x512x2048xf32, #tpu.memory_space<any>>
    %dma_start3A_1033 = tpu.memref_squeeze %dma_start3A_1032 : memref<1x512x2048xf32, #tpu.memory_space<any>> -> memref<512x2048xf32, #tpu.memory_space<any>>
    %dma_start3A_1034 = arith.constant 0 : i32
    %dma_start3A_1035 = arith.constant 0 : i32
    %dma_start3A_1036 = tpu.memref_slice %arg3[%dma_start3A_1025, %dma_start3A_1034, %dma_start3A_1035] : memref<8x512x2048xf32, #tpu.memory_space<vmem>> -> memref<1x512x2048xf32, #tpu.memory_space<vmem>>
    %dma_start3A_1037 = tpu.memref_squeeze %dma_start3A_1036 : memref<1x512x2048xf32, #tpu.memory_space<vmem>> -> memref<512x2048xf32, #tpu.memory_space<vmem>>
    tpu.enqueue_dma source(%dma_start3A_1037 : memref<512x2048xf32, #tpu.memory_space<vmem>>) target(%dma_start3A_1033 : memref<512x2048xf32, #tpu.memory_space<any>>) target_semaphore(%dma_start3A_1029 : memref<!tpu.dma_semaphore, #tpu.memory_space<semaphore_mem>>)
    %dma_wait3A_1038 = arith.constant 0 : i32
    %dma_wait3A_1039 = arith.constant 1 : i32
    %dma_wait3A_1040 = arith.constant 0 : i32
    %dma_wait3A_1041 = tpu.memref_slice %arg5[%dma_wait3A_1040] : memref<8x!tpu.dma_semaphore, #tpu.memory_space<semaphore_mem>> -> memref<1x!tpu.dma_semaphore, #tpu.memory_space<semaphore_mem>>
    %dma_wait3A_1042 = tpu.memref_squeeze %dma_wait3A_1041 : memref<1x!tpu.dma_semaphore, #tpu.memory_space<semaphore_mem>> -> memref<!tpu.dma_semaphore, #tpu.memory_space<semaphore_mem>>
    %dma_wait3A_1043 = arith.constant 3136 : i32
    %dma_wait3A_1044 = arith.constant 0 : i32
    %dma_wait3A_1045 = tpu.memref_slice %arg2[%dma_wait3A_1039, %dma_wait3A_1043, %dma_wait3A_1044] : memref<4x4160x2048xf32, #tpu.memory_space<any>> -> memref<1x512x2048xf32, #tpu.memory_space<any>>
    %dma_wait3A_1046 = tpu.memref_squeeze %dma_wait3A_1045 : memref<1x512x2048xf32, #tpu.memory_space<any>> -> memref<512x2048xf32, #tpu.memory_space<any>>
    %dma_wait3A_1047 = arith.constant 0 : i32
    %dma_wait3A_1048 = arith.constant 0 : i32
    %dma_wait3A_1049 = tpu.memref_slice %arg3[%dma_wait3A_1038, %dma_wait3A_1047, %dma_wait3A_1048] : memref<8x512x2048xf32, #tpu.memory_space<vmem>> -> memref<1x512x2048xf32, #tpu.memory_space<vmem>>
    %dma_wait3A_1050 = tpu.memref_squeeze %dma_wait3A_1049 : memref<1x512x2048xf32, #tpu.memory_space<vmem>> -> memref<512x2048xf32, #tpu.memory_space<vmem>>
    tpu.wait_dma2 semaphore(%dma_wait3A_1042 : memref<!tpu.dma_semaphore, #tpu.memory_space<semaphore_mem>>) src(%dma_wait3A_1050 : memref<512x2048xf32, #tpu.memory_space<vmem>>) dst(%dma_wait3A_1046 : memref<512x2048xf32, #tpu.memory_space<any>>)
    %dma_start3A_1051 = arith.constant 2 : i32
    %dma_start3A_1052 = arith.constant 0 : i32
    %dma_start3A_1053 = arith.constant 0 : i32
    %dma_start3A_1054 = tpu.memref_slice %arg4[%dma_start3A_1053] : memref<8x!tpu.dma_semaphore, #tpu.memory_space<semaphore_mem>> -> memref<1x!tpu.dma_semaphore, #tpu.memory_space<semaphore_mem>>
    %dma_start3A_1055 = tpu.memref_squeeze %dma_start3A_1054 : memref<1x!tpu.dma_semaphore, #tpu.memory_space<semaphore_mem>> -> memref<!tpu.dma_semaphore, #tpu.memory_space<semaphore_mem>>
    %dma_start3A_1056 = arith.constant 0 : i32
    %dma_start3A_1057 = arith.constant 0 : i32
    %dma_start3A_1058 = tpu.memref_slice %arg3[%dma_start3A_1052, %dma_start3A_1056, %dma_start3A_1057] : memref<8x512x2048xf32, #tpu.memory_space<vmem>> -> memref<1x512x2048xf32, #tpu.memory_space<vmem>>
    %dma_start3A_1059 = tpu.memref_squeeze %dma_start3A_1058 : memref<1x512x2048xf32, #tpu.memory_space<vmem>> -> memref<512x2048xf32, #tpu.memory_space<vmem>>
    %dma_start3A_1060 = arith.constant 2560 : i32
    %dma_start3A_1061 = arith.constant 0 : i32
    %dma_start3A_1062 = tpu.memref_slice %arg0[%dma_start3A_1051, %dma_start3A_1060, %dma_start3A_1061] : memref<4x4096x2048xf32, #tpu.memory_space<any>> -> memref<1x512x2048xf32, #tpu.memory_space<any>>
    %dma_start3A_1063 = tpu.memref_squeeze %dma_start3A_1062 : memref<1x512x2048xf32, #tpu.memory_space<any>> -> memref<512x2048xf32, #tpu.memory_space<any>>
    tpu.enqueue_dma source(%dma_start3A_1063 : memref<512x2048xf32, #tpu.memory_space<any>>) target(%dma_start3A_1059 : memref<512x2048xf32, #tpu.memory_space<vmem>>) target_semaphore(%dma_start3A_1055 : memref<!tpu.dma_semaphore, #tpu.memory_space<semaphore_mem>>)
    %dma_wait3A_1064 = arith.constant 2 : i32
    %dma_wait3A_1065 = arith.constant 4 : i32
    %dma_wait3A_1066 = arith.constant 4 : i32
    %dma_wait3A_1067 = tpu.memref_slice %arg4[%dma_wait3A_1066] : memref<8x!tpu.dma_semaphore, #tpu.memory_space<semaphore_mem>> -> memref<1x!tpu.dma_semaphore, #tpu.memory_space<semaphore_mem>>
    %dma_wait3A_1068 = tpu.memref_squeeze %dma_wait3A_1067 : memref<1x!tpu.dma_semaphore, #tpu.memory_space<semaphore_mem>> -> memref<!tpu.dma_semaphore, #tpu.memory_space<semaphore_mem>>
    %dma_wait3A_1069 = arith.constant 0 : i32
    %dma_wait3A_1070 = arith.constant 0 : i32
    %dma_wait3A_1071 = tpu.memref_slice %arg3[%dma_wait3A_1065, %dma_wait3A_1069, %dma_wait3A_1070] : memref<8x512x2048xf32, #tpu.memory_space<vmem>> -> memref<1x512x2048xf32, #tpu.memory_space<vmem>>
    %dma_wait3A_1072 = tpu.memref_squeeze %dma_wait3A_1071 : memref<1x512x2048xf32, #tpu.memory_space<vmem>> -> memref<512x2048xf32, #tpu.memory_space<vmem>>
    %dma_wait3A_1073 = arith.constant 512 : i32
    %dma_wait3A_1074 = arith.constant 0 : i32
    %dma_wait3A_1075 = tpu.memref_slice %arg0[%dma_wait3A_1064, %dma_wait3A_1073, %dma_wait3A_1074] : memref<4x4096x2048xf32, #tpu.memory_space<any>> -> memref<1x512x2048xf32, #tpu.memory_space<any>>
    %dma_wait3A_1076 = tpu.memref_squeeze %dma_wait3A_1075 : memref<1x512x2048xf32, #tpu.memory_space<any>> -> memref<512x2048xf32, #tpu.memory_space<any>>
    tpu.wait_dma2 semaphore(%dma_wait3A_1068 : memref<!tpu.dma_semaphore, #tpu.memory_space<semaphore_mem>>) src(%dma_wait3A_1076 : memref<512x2048xf32, #tpu.memory_space<any>>) dst(%dma_wait3A_1072 : memref<512x2048xf32, #tpu.memory_space<vmem>>)
    %dma_start3A_1077 = arith.constant 4 : i32
    %dma_start3A_1078 = arith.constant 2 : i32
    %dma_start3A_1079 = arith.constant 4 : i32
    %dma_start3A_1080 = tpu.memref_slice %arg5[%dma_start3A_1079] : memref<8x!tpu.dma_semaphore, #tpu.memory_space<semaphore_mem>> -> memref<1x!tpu.dma_semaphore, #tpu.memory_space<semaphore_mem>>
    %dma_start3A_1081 = tpu.memref_squeeze %dma_start3A_1080 : memref<1x!tpu.dma_semaphore, #tpu.memory_space<semaphore_mem>> -> memref<!tpu.dma_semaphore, #tpu.memory_space<semaphore_mem>>
    %dma_start3A_1082 = arith.constant 576 : i32
    %dma_start3A_1083 = arith.constant 0 : i32
    %dma_start3A_1084 = tpu.memref_slice %arg2[%dma_start3A_1078, %dma_start3A_1082, %dma_start3A_1083] : memref<4x4160x2048xf32, #tpu.memory_space<any>> -> memref<1x512x2048xf32, #tpu.memory_space<any>>
    %dma_start3A_1085 = tpu.memref_squeeze %dma_start3A_1084 : memref<1x512x2048xf32, #tpu.memory_space<any>> -> memref<512x2048xf32, #tpu.memory_space<any>>
    %dma_start3A_1086 = arith.constant 0 : i32
    %dma_start3A_1087 = arith.constant 0 : i32
    %dma_start3A_1088 = tpu.memref_slice %arg3[%dma_start3A_1077, %dma_start3A_1086, %dma_start3A_1087] : memref<8x512x2048xf32, #tpu.memory_space<vmem>> -> memref<1x512x2048xf32, #tpu.memory_space<vmem>>
    %dma_start3A_1089 = tpu.memref_squeeze %dma_start3A_1088 : memref<1x512x2048xf32, #tpu.memory_space<vmem>> -> memref<512x2048xf32, #tpu.memory_space<vmem>>
    tpu.enqueue_dma source(%dma_start3A_1089 : memref<512x2048xf32, #tpu.memory_space<vmem>>) target(%dma_start3A_1085 : memref<512x2048xf32, #tpu.memory_space<any>>) target_semaphore(%dma_start3A_1081 : memref<!tpu.dma_semaphore, #tpu.memory_space<semaphore_mem>>)
    %dma_wait3A_1090 = arith.constant 1 : i32
    %dma_wait3A_1091 = arith.constant 1 : i32
    %dma_wait3A_1092 = arith.constant 1 : i32
    %dma_wait3A_1093 = tpu.memref_slice %arg5[%dma_wait3A_1092] : memref<8x!tpu.dma_semaphore, #tpu.memory_space<semaphore_mem>> -> memref<1x!tpu.dma_semaphore, #tpu.memory_space<semaphore_mem>>
    %dma_wait3A_1094 = tpu.memref_squeeze %dma_wait3A_1093 : memref<1x!tpu.dma_semaphore, #tpu.memory_space<semaphore_mem>> -> memref<!tpu.dma_semaphore, #tpu.memory_space<semaphore_mem>>
    %dma_wait3A_1095 = arith.constant 3648 : i32
    %dma_wait3A_1096 = arith.constant 0 : i32
    %dma_wait3A_1097 = tpu.memref_slice %arg2[%dma_wait3A_1091, %dma_wait3A_1095, %dma_wait3A_1096] : memref<4x4160x2048xf32, #tpu.memory_space<any>> -> memref<1x512x2048xf32, #tpu.memory_space<any>>
    %dma_wait3A_1098 = tpu.memref_squeeze %dma_wait3A_1097 : memref<1x512x2048xf32, #tpu.memory_space<any>> -> memref<512x2048xf32, #tpu.memory_space<any>>
    %dma_wait3A_1099 = arith.constant 0 : i32
    %dma_wait3A_1100 = arith.constant 0 : i32
    %dma_wait3A_1101 = tpu.memref_slice %arg3[%dma_wait3A_1090, %dma_wait3A_1099, %dma_wait3A_1100] : memref<8x512x2048xf32, #tpu.memory_space<vmem>> -> memref<1x512x2048xf32, #tpu.memory_space<vmem>>
    %dma_wait3A_1102 = tpu.memref_squeeze %dma_wait3A_1101 : memref<1x512x2048xf32, #tpu.memory_space<vmem>> -> memref<512x2048xf32, #tpu.memory_space<vmem>>
    tpu.wait_dma2 semaphore(%dma_wait3A_1094 : memref<!tpu.dma_semaphore, #tpu.memory_space<semaphore_mem>>) src(%dma_wait3A_1102 : memref<512x2048xf32, #tpu.memory_space<vmem>>) dst(%dma_wait3A_1098 : memref<512x2048xf32, #tpu.memory_space<any>>)
    %dma_start3A_1103 = arith.constant 2 : i32
    %dma_start3A_1104 = arith.constant 1 : i32
    %dma_start3A_1105 = arith.constant 1 : i32
    %dma_start3A_1106 = tpu.memref_slice %arg4[%dma_start3A_1105] : memref<8x!tpu.dma_semaphore, #tpu.memory_space<semaphore_mem>> -> memref<1x!tpu.dma_semaphore, #tpu.memory_space<semaphore_mem>>
    %dma_start3A_1107 = tpu.memref_squeeze %dma_start3A_1106 : memref<1x!tpu.dma_semaphore, #tpu.memory_space<semaphore_mem>> -> memref<!tpu.dma_semaphore, #tpu.memory_space<semaphore_mem>>
    %dma_start3A_1108 = arith.constant 0 : i32
    %dma_start3A_1109 = arith.constant 0 : i32
    %dma_start3A_1110 = tpu.memref_slice %arg3[%dma_start3A_1104, %dma_start3A_1108, %dma_start3A_1109] : memref<8x512x2048xf32, #tpu.memory_space<vmem>> -> memref<1x512x2048xf32, #tpu.memory_space<vmem>>
    %dma_start3A_1111 = tpu.memref_squeeze %dma_start3A_1110 : memref<1x512x2048xf32, #tpu.memory_space<vmem>> -> memref<512x2048xf32, #tpu.memory_space<vmem>>
    %dma_start3A_1112 = arith.constant 3072 : i32
    %dma_start3A_1113 = arith.constant 0 : i32
    %dma_start3A_1114 = tpu.memref_slice %arg0[%dma_start3A_1103, %dma_start3A_1112, %dma_start3A_1113] : memref<4x4096x2048xf32, #tpu.memory_space<any>> -> memref<1x512x2048xf32, #tpu.memory_space<any>>
    %dma_start3A_1115 = tpu.memref_squeeze %dma_start3A_1114 : memref<1x512x2048xf32, #tpu.memory_space<any>> -> memref<512x2048xf32, #tpu.memory_space<any>>
    tpu.enqueue_dma source(%dma_start3A_1115 : memref<512x2048xf32, #tpu.memory_space<any>>) target(%dma_start3A_1111 : memref<512x2048xf32, #tpu.memory_space<vmem>>) target_semaphore(%dma_start3A_1107 : memref<!tpu.dma_semaphore, #tpu.memory_space<semaphore_mem>>)
    %dma_wait3A_1116 = arith.constant 2 : i32
    %dma_wait3A_1117 = arith.constant 5 : i32
    %dma_wait3A_1118 = arith.constant 5 : i32
    %dma_wait3A_1119 = tpu.memref_slice %arg4[%dma_wait3A_1118] : memref<8x!tpu.dma_semaphore, #tpu.memory_space<semaphore_mem>> -> memref<1x!tpu.dma_semaphore, #tpu.memory_space<semaphore_mem>>
    %dma_wait3A_1120 = tpu.memref_squeeze %dma_wait3A_1119 : memref<1x!tpu.dma_semaphore, #tpu.memory_space<semaphore_mem>> -> memref<!tpu.dma_semaphore, #tpu.memory_space<semaphore_mem>>
    %dma_wait3A_1121 = arith.constant 0 : i32
    %dma_wait3A_1122 = arith.constant 0 : i32
    %dma_wait3A_1123 = tpu.memref_slice %arg3[%dma_wait3A_1117, %dma_wait3A_1121, %dma_wait3A_1122] : memref<8x512x2048xf32, #tpu.memory_space<vmem>> -> memref<1x512x2048xf32, #tpu.memory_space<vmem>>
    %dma_wait3A_1124 = tpu.memref_squeeze %dma_wait3A_1123 : memref<1x512x2048xf32, #tpu.memory_space<vmem>> -> memref<512x2048xf32, #tpu.memory_space<vmem>>
    %dma_wait3A_1125 = arith.constant 1024 : i32
    %dma_wait3A_1126 = arith.constant 0 : i32
    %dma_wait3A_1127 = tpu.memref_slice %arg0[%dma_wait3A_1116, %dma_wait3A_1125, %dma_wait3A_1126] : memref<4x4096x2048xf32, #tpu.memory_space<any>> -> memref<1x512x2048xf32, #tpu.memory_space<any>>
    %dma_wait3A_1128 = tpu.memref_squeeze %dma_wait3A_1127 : memref<1x512x2048xf32, #tpu.memory_space<any>> -> memref<512x2048xf32, #tpu.memory_space<any>>
    tpu.wait_dma2 semaphore(%dma_wait3A_1120 : memref<!tpu.dma_semaphore, #tpu.memory_space<semaphore_mem>>) src(%dma_wait3A_1128 : memref<512x2048xf32, #tpu.memory_space<any>>) dst(%dma_wait3A_1124 : memref<512x2048xf32, #tpu.memory_space<vmem>>)
    %dma_start3A_1129 = arith.constant 5 : i32
    %dma_start3A_1130 = arith.constant 2 : i32
    %dma_start3A_1131 = arith.constant 5 : i32
    %dma_start3A_1132 = tpu.memref_slice %arg5[%dma_start3A_1131] : memref<8x!tpu.dma_semaphore, #tpu.memory_space<semaphore_mem>> -> memref<1x!tpu.dma_semaphore, #tpu.memory_space<semaphore_mem>>
    %dma_start3A_1133 = tpu.memref_squeeze %dma_start3A_1132 : memref<1x!tpu.dma_semaphore, #tpu.memory_space<semaphore_mem>> -> memref<!tpu.dma_semaphore, #tpu.memory_space<semaphore_mem>>
    %dma_start3A_1134 = arith.constant 1088 : i32
    %dma_start3A_1135 = arith.constant 0 : i32
    %dma_start3A_1136 = tpu.memref_slice %arg2[%dma_start3A_1130, %dma_start3A_1134, %dma_start3A_1135] : memref<4x4160x2048xf32, #tpu.memory_space<any>> -> memref<1x512x2048xf32, #tpu.memory_space<any>>
    %dma_start3A_1137 = tpu.memref_squeeze %dma_start3A_1136 : memref<1x512x2048xf32, #tpu.memory_space<any>> -> memref<512x2048xf32, #tpu.memory_space<any>>
    %dma_start3A_1138 = arith.constant 0 : i32
    %dma_start3A_1139 = arith.constant 0 : i32
    %dma_start3A_1140 = tpu.memref_slice %arg3[%dma_start3A_1129, %dma_start3A_1138, %dma_start3A_1139] : memref<8x512x2048xf32, #tpu.memory_space<vmem>> -> memref<1x512x2048xf32, #tpu.memory_space<vmem>>
    %dma_start3A_1141 = tpu.memref_squeeze %dma_start3A_1140 : memref<1x512x2048xf32, #tpu.memory_space<vmem>> -> memref<512x2048xf32, #tpu.memory_space<vmem>>
    tpu.enqueue_dma source(%dma_start3A_1141 : memref<512x2048xf32, #tpu.memory_space<vmem>>) target(%dma_start3A_1137 : memref<512x2048xf32, #tpu.memory_space<any>>) target_semaphore(%dma_start3A_1133 : memref<!tpu.dma_semaphore, #tpu.memory_space<semaphore_mem>>)
    %dma_wait3A_1142 = arith.constant 2 : i32
    %dma_wait3A_1143 = arith.constant 2 : i32
    %dma_wait3A_1144 = arith.constant 2 : i32
    %dma_wait3A_1145 = tpu.memref_slice %arg5[%dma_wait3A_1144] : memref<8x!tpu.dma_semaphore, #tpu.memory_space<semaphore_mem>> -> memref<1x!tpu.dma_semaphore, #tpu.memory_space<semaphore_mem>>
    %dma_wait3A_1146 = tpu.memref_squeeze %dma_wait3A_1145 : memref<1x!tpu.dma_semaphore, #tpu.memory_space<semaphore_mem>> -> memref<!tpu.dma_semaphore, #tpu.memory_space<semaphore_mem>>
    %dma_wait3A_1147 = arith.constant 0 : i32
    %dma_wait3A_1148 = arith.constant 0 : i32
    %dma_wait3A_1149 = tpu.memref_slice %arg2[%dma_wait3A_1143, %dma_wait3A_1147, %dma_wait3A_1148] : memref<4x4160x2048xf32, #tpu.memory_space<any>> -> memref<1x64x2048xf32, #tpu.memory_space<any>>
    %dma_wait3A_1150 = tpu.memref_squeeze %dma_wait3A_1149 : memref<1x64x2048xf32, #tpu.memory_space<any>> -> memref<64x2048xf32, #tpu.memory_space<any>>
    %dma_wait3A_1151 = arith.constant 0 : i32
    %dma_wait3A_1152 = arith.constant 0 : i32
    %dma_wait3A_1153 = tpu.memref_slice %arg3[%dma_wait3A_1142, %dma_wait3A_1151, %dma_wait3A_1152] : memref<8x512x2048xf32, #tpu.memory_space<vmem>> -> memref<1x64x2048xf32, #tpu.memory_space<vmem>>
    %dma_wait3A_1154 = tpu.memref_squeeze %dma_wait3A_1153 : memref<1x64x2048xf32, #tpu.memory_space<vmem>> -> memref<64x2048xf32, #tpu.memory_space<vmem>>
    tpu.wait_dma2 semaphore(%dma_wait3A_1146 : memref<!tpu.dma_semaphore, #tpu.memory_space<semaphore_mem>>) src(%dma_wait3A_1154 : memref<64x2048xf32, #tpu.memory_space<vmem>>) dst(%dma_wait3A_1150 : memref<64x2048xf32, #tpu.memory_space<any>>)
    %dma_start3A_1155 = arith.constant 2 : i32
    %dma_start3A_1156 = arith.constant 2 : i32
    %dma_start3A_1157 = arith.constant 2 : i32
    %dma_start3A_1158 = tpu.memref_slice %arg4[%dma_start3A_1157] : memref<8x!tpu.dma_semaphore, #tpu.memory_space<semaphore_mem>> -> memref<1x!tpu.dma_semaphore, #tpu.memory_space<semaphore_mem>>
    %dma_start3A_1159 = tpu.memref_squeeze %dma_start3A_1158 : memref<1x!tpu.dma_semaphore, #tpu.memory_space<semaphore_mem>> -> memref<!tpu.dma_semaphore, #tpu.memory_space<semaphore_mem>>
    %dma_start3A_1160 = arith.constant 0 : i32
    %dma_start3A_1161 = arith.constant 0 : i32
    %dma_start3A_1162 = tpu.memref_slice %arg3[%dma_start3A_1156, %dma_start3A_1160, %dma_start3A_1161] : memref<8x512x2048xf32, #tpu.memory_space<vmem>> -> memref<1x512x2048xf32, #tpu.memory_space<vmem>>
    %dma_start3A_1163 = tpu.memref_squeeze %dma_start3A_1162 : memref<1x512x2048xf32, #tpu.memory_space<vmem>> -> memref<512x2048xf32, #tpu.memory_space<vmem>>
    %dma_start3A_1164 = arith.constant 3584 : i32
    %dma_start3A_1165 = arith.constant 0 : i32
    %dma_start3A_1166 = tpu.memref_slice %arg0[%dma_start3A_1155, %dma_start3A_1164, %dma_start3A_1165] : memref<4x4096x2048xf32, #tpu.memory_space<any>> -> memref<1x512x2048xf32, #tpu.memory_space<any>>
    %dma_start3A_1167 = tpu.memref_squeeze %dma_start3A_1166 : memref<1x512x2048xf32, #tpu.memory_space<any>> -> memref<512x2048xf32, #tpu.memory_space<any>>
    tpu.enqueue_dma source(%dma_start3A_1167 : memref<512x2048xf32, #tpu.memory_space<any>>) target(%dma_start3A_1163 : memref<512x2048xf32, #tpu.memory_space<vmem>>) target_semaphore(%dma_start3A_1159 : memref<!tpu.dma_semaphore, #tpu.memory_space<semaphore_mem>>)
    %dma_wait3A_1168 = arith.constant 2 : i32
    %dma_wait3A_1169 = arith.constant 6 : i32
    %dma_wait3A_1170 = arith.constant 6 : i32
    %dma_wait3A_1171 = tpu.memref_slice %arg4[%dma_wait3A_1170] : memref<8x!tpu.dma_semaphore, #tpu.memory_space<semaphore_mem>> -> memref<1x!tpu.dma_semaphore, #tpu.memory_space<semaphore_mem>>
    %dma_wait3A_1172 = tpu.memref_squeeze %dma_wait3A_1171 : memref<1x!tpu.dma_semaphore, #tpu.memory_space<semaphore_mem>> -> memref<!tpu.dma_semaphore, #tpu.memory_space<semaphore_mem>>
    %dma_wait3A_1173 = arith.constant 0 : i32
    %dma_wait3A_1174 = arith.constant 0 : i32
    %dma_wait3A_1175 = tpu.memref_slice %arg3[%dma_wait3A_1169, %dma_wait3A_1173, %dma_wait3A_1174] : memref<8x512x2048xf32, #tpu.memory_space<vmem>> -> memref<1x512x2048xf32, #tpu.memory_space<vmem>>
    %dma_wait3A_1176 = tpu.memref_squeeze %dma_wait3A_1175 : memref<1x512x2048xf32, #tpu.memory_space<vmem>> -> memref<512x2048xf32, #tpu.memory_space<vmem>>
    %dma_wait3A_1177 = arith.constant 1536 : i32
    %dma_wait3A_1178 = arith.constant 0 : i32
    %dma_wait3A_1179 = tpu.memref_slice %arg0[%dma_wait3A_1168, %dma_wait3A_1177, %dma_wait3A_1178] : memref<4x4096x2048xf32, #tpu.memory_space<any>> -> memref<1x512x2048xf32, #tpu.memory_space<any>>
    %dma_wait3A_1180 = tpu.memref_squeeze %dma_wait3A_1179 : memref<1x512x2048xf32, #tpu.memory_space<any>> -> memref<512x2048xf32, #tpu.memory_space<any>>
    tpu.wait_dma2 semaphore(%dma_wait3A_1172 : memref<!tpu.dma_semaphore, #tpu.memory_space<semaphore_mem>>) src(%dma_wait3A_1180 : memref<512x2048xf32, #tpu.memory_space<any>>) dst(%dma_wait3A_1176 : memref<512x2048xf32, #tpu.memory_space<vmem>>)
    %dma_start3A_1181 = arith.constant 6 : i32
    %dma_start3A_1182 = arith.constant 2 : i32
    %dma_start3A_1183 = arith.constant 6 : i32
    %dma_start3A_1184 = tpu.memref_slice %arg5[%dma_start3A_1183] : memref<8x!tpu.dma_semaphore, #tpu.memory_space<semaphore_mem>> -> memref<1x!tpu.dma_semaphore, #tpu.memory_space<semaphore_mem>>
    %dma_start3A_1185 = tpu.memref_squeeze %dma_start3A_1184 : memref<1x!tpu.dma_semaphore, #tpu.memory_space<semaphore_mem>> -> memref<!tpu.dma_semaphore, #tpu.memory_space<semaphore_mem>>
    %dma_start3A_1186 = arith.constant 1600 : i32
    %dma_start3A_1187 = arith.constant 0 : i32
    %dma_start3A_1188 = tpu.memref_slice %arg2[%dma_start3A_1182, %dma_start3A_1186, %dma_start3A_1187] : memref<4x4160x2048xf32, #tpu.memory_space<any>> -> memref<1x512x2048xf32, #tpu.memory_space<any>>
    %dma_start3A_1189 = tpu.memref_squeeze %dma_start3A_1188 : memref<1x512x2048xf32, #tpu.memory_space<any>> -> memref<512x2048xf32, #tpu.memory_space<any>>
    %dma_start3A_1190 = arith.constant 0 : i32
    %dma_start3A_1191 = arith.constant 0 : i32
    %dma_start3A_1192 = tpu.memref_slice %arg3[%dma_start3A_1181, %dma_start3A_1190, %dma_start3A_1191] : memref<8x512x2048xf32, #tpu.memory_space<vmem>> -> memref<1x512x2048xf32, #tpu.memory_space<vmem>>
    %dma_start3A_1193 = tpu.memref_squeeze %dma_start3A_1192 : memref<1x512x2048xf32, #tpu.memory_space<vmem>> -> memref<512x2048xf32, #tpu.memory_space<vmem>>
    tpu.enqueue_dma source(%dma_start3A_1193 : memref<512x2048xf32, #tpu.memory_space<vmem>>) target(%dma_start3A_1189 : memref<512x2048xf32, #tpu.memory_space<any>>) target_semaphore(%dma_start3A_1185 : memref<!tpu.dma_semaphore, #tpu.memory_space<semaphore_mem>>)
    %dma_wait3A_1194 = arith.constant 3 : i32
    %dma_wait3A_1195 = arith.constant 2 : i32
    %dma_wait3A_1196 = arith.constant 3 : i32
    %dma_wait3A_1197 = tpu.memref_slice %arg5[%dma_wait3A_1196] : memref<8x!tpu.dma_semaphore, #tpu.memory_space<semaphore_mem>> -> memref<1x!tpu.dma_semaphore, #tpu.memory_space<semaphore_mem>>
    %dma_wait3A_1198 = tpu.memref_squeeze %dma_wait3A_1197 : memref<1x!tpu.dma_semaphore, #tpu.memory_space<semaphore_mem>> -> memref<!tpu.dma_semaphore, #tpu.memory_space<semaphore_mem>>
    %dma_wait3A_1199 = arith.constant 64 : i32
    %dma_wait3A_1200 = arith.constant 0 : i32
    %dma_wait3A_1201 = tpu.memref_slice %arg2[%dma_wait3A_1195, %dma_wait3A_1199, %dma_wait3A_1200] : memref<4x4160x2048xf32, #tpu.memory_space<any>> -> memref<1x512x2048xf32, #tpu.memory_space<any>>
    %dma_wait3A_1202 = tpu.memref_squeeze %dma_wait3A_1201 : memref<1x512x2048xf32, #tpu.memory_space<any>> -> memref<512x2048xf32, #tpu.memory_space<any>>
    %dma_wait3A_1203 = arith.constant 0 : i32
    %dma_wait3A_1204 = arith.constant 0 : i32
    %dma_wait3A_1205 = tpu.memref_slice %arg3[%dma_wait3A_1194, %dma_wait3A_1203, %dma_wait3A_1204] : memref<8x512x2048xf32, #tpu.memory_space<vmem>> -> memref<1x512x2048xf32, #tpu.memory_space<vmem>>
    %dma_wait3A_1206 = tpu.memref_squeeze %dma_wait3A_1205 : memref<1x512x2048xf32, #tpu.memory_space<vmem>> -> memref<512x2048xf32, #tpu.memory_space<vmem>>
    tpu.wait_dma2 semaphore(%dma_wait3A_1198 : memref<!tpu.dma_semaphore, #tpu.memory_space<semaphore_mem>>) src(%dma_wait3A_1206 : memref<512x2048xf32, #tpu.memory_space<vmem>>) dst(%dma_wait3A_1202 : memref<512x2048xf32, #tpu.memory_space<any>>)
    %dma_start3A_1207 = arith.constant 3 : i32
    %dma_start3A_1208 = arith.constant 3 : i32
    %dma_start3A_1209 = arith.constant 3 : i32
    %dma_start3A_1210 = tpu.memref_slice %arg4[%dma_start3A_1209] : memref<8x!tpu.dma_semaphore, #tpu.memory_space<semaphore_mem>> -> memref<1x!tpu.dma_semaphore, #tpu.memory_space<semaphore_mem>>
    %dma_start3A_1211 = tpu.memref_squeeze %dma_start3A_1210 : memref<1x!tpu.dma_semaphore, #tpu.memory_space<semaphore_mem>> -> memref<!tpu.dma_semaphore, #tpu.memory_space<semaphore_mem>>
    %dma_start3A_1212 = arith.constant 0 : i32
    %dma_start3A_1213 = arith.constant 0 : i32
    %dma_start3A_1214 = tpu.memref_slice %arg3[%dma_start3A_1208, %dma_start3A_1212, %dma_start3A_1213] : memref<8x512x2048xf32, #tpu.memory_space<vmem>> -> memref<1x64x2048xf32, #tpu.memory_space<vmem>>
    %dma_start3A_1215 = tpu.memref_squeeze %dma_start3A_1214 : memref<1x64x2048xf32, #tpu.memory_space<vmem>> -> memref<64x2048xf32, #tpu.memory_space<vmem>>
    %dma_start3A_1216 = arith.constant 0 : i32
    %dma_start3A_1217 = arith.constant 0 : i32
    %dma_start3A_1218 = tpu.memref_slice %arg1[%dma_start3A_1207, %dma_start3A_1216, %dma_start3A_1217] : memref<4x64x2048xf32, #tpu.memory_space<any>> -> memref<1x64x2048xf32, #tpu.memory_space<any>>
    %dma_start3A_1219 = tpu.memref_squeeze %dma_start3A_1218 : memref<1x64x2048xf32, #tpu.memory_space<any>> -> memref<64x2048xf32, #tpu.memory_space<any>>
    tpu.enqueue_dma source(%dma_start3A_1219 : memref<64x2048xf32, #tpu.memory_space<any>>) target(%dma_start3A_1215 : memref<64x2048xf32, #tpu.memory_space<vmem>>) target_semaphore(%dma_start3A_1211 : memref<!tpu.dma_semaphore, #tpu.memory_space<semaphore_mem>>)
    %dma_wait3A_1220 = arith.constant 2 : i32
    %dma_wait3A_1221 = arith.constant 7 : i32
    %dma_wait3A_1222 = arith.constant 7 : i32
    %dma_wait3A_1223 = tpu.memref_slice %arg4[%dma_wait3A_1222] : memref<8x!tpu.dma_semaphore, #tpu.memory_space<semaphore_mem>> -> memref<1x!tpu.dma_semaphore, #tpu.memory_space<semaphore_mem>>
    %dma_wait3A_1224 = tpu.memref_squeeze %dma_wait3A_1223 : memref<1x!tpu.dma_semaphore, #tpu.memory_space<semaphore_mem>> -> memref<!tpu.dma_semaphore, #tpu.memory_space<semaphore_mem>>
    %dma_wait3A_1225 = arith.constant 0 : i32
    %dma_wait3A_1226 = arith.constant 0 : i32
    %dma_wait3A_1227 = tpu.memref_slice %arg3[%dma_wait3A_1221, %dma_wait3A_1225, %dma_wait3A_1226] : memref<8x512x2048xf32, #tpu.memory_space<vmem>> -> memref<1x512x2048xf32, #tpu.memory_space<vmem>>
    %dma_wait3A_1228 = tpu.memref_squeeze %dma_wait3A_1227 : memref<1x512x2048xf32, #tpu.memory_space<vmem>> -> memref<512x2048xf32, #tpu.memory_space<vmem>>
    %dma_wait3A_1229 = arith.constant 2048 : i32
    %dma_wait3A_1230 = arith.constant 0 : i32
    %dma_wait3A_1231 = tpu.memref_slice %arg0[%dma_wait3A_1220, %dma_wait3A_1229, %dma_wait3A_1230] : memref<4x4096x2048xf32, #tpu.memory_space<any>> -> memref<1x512x2048xf32, #tpu.memory_space<any>>
    %dma_wait3A_1232 = tpu.memref_squeeze %dma_wait3A_1231 : memref<1x512x2048xf32, #tpu.memory_space<any>> -> memref<512x2048xf32, #tpu.memory_space<any>>
    tpu.wait_dma2 semaphore(%dma_wait3A_1224 : memref<!tpu.dma_semaphore, #tpu.memory_space<semaphore_mem>>) src(%dma_wait3A_1232 : memref<512x2048xf32, #tpu.memory_space<any>>) dst(%dma_wait3A_1228 : memref<512x2048xf32, #tpu.memory_space<vmem>>)
    %dma_start3A_1233 = arith.constant 7 : i32
    %dma_start3A_1234 = arith.constant 2 : i32
    %dma_start3A_1235 = arith.constant 7 : i32
    %dma_start3A_1236 = tpu.memref_slice %arg5[%dma_start3A_1235] : memref<8x!tpu.dma_semaphore, #tpu.memory_space<semaphore_mem>> -> memref<1x!tpu.dma_semaphore, #tpu.memory_space<semaphore_mem>>
    %dma_start3A_1237 = tpu.memref_squeeze %dma_start3A_1236 : memref<1x!tpu.dma_semaphore, #tpu.memory_space<semaphore_mem>> -> memref<!tpu.dma_semaphore, #tpu.memory_space<semaphore_mem>>
    %dma_start3A_1238 = arith.constant 2112 : i32
    %dma_start3A_1239 = arith.constant 0 : i32
    %dma_start3A_1240 = tpu.memref_slice %arg2[%dma_start3A_1234, %dma_start3A_1238, %dma_start3A_1239] : memref<4x4160x2048xf32, #tpu.memory_space<any>> -> memref<1x512x2048xf32, #tpu.memory_space<any>>
    %dma_start3A_1241 = tpu.memref_squeeze %dma_start3A_1240 : memref<1x512x2048xf32, #tpu.memory_space<any>> -> memref<512x2048xf32, #tpu.memory_space<any>>
    %dma_start3A_1242 = arith.constant 0 : i32
    %dma_start3A_1243 = arith.constant 0 : i32
    %dma_start3A_1244 = tpu.memref_slice %arg3[%dma_start3A_1233, %dma_start3A_1242, %dma_start3A_1243] : memref<8x512x2048xf32, #tpu.memory_space<vmem>> -> memref<1x512x2048xf32, #tpu.memory_space<vmem>>
    %dma_start3A_1245 = tpu.memref_squeeze %dma_start3A_1244 : memref<1x512x2048xf32, #tpu.memory_space<vmem>> -> memref<512x2048xf32, #tpu.memory_space<vmem>>
    tpu.enqueue_dma source(%dma_start3A_1245 : memref<512x2048xf32, #tpu.memory_space<vmem>>) target(%dma_start3A_1241 : memref<512x2048xf32, #tpu.memory_space<any>>) target_semaphore(%dma_start3A_1237 : memref<!tpu.dma_semaphore, #tpu.memory_space<semaphore_mem>>)
    %dma_wait3A_1246 = arith.constant 4 : i32
    %dma_wait3A_1247 = arith.constant 2 : i32
    %dma_wait3A_1248 = arith.constant 4 : i32
    %dma_wait3A_1249 = tpu.memref_slice %arg5[%dma_wait3A_1248] : memref<8x!tpu.dma_semaphore, #tpu.memory_space<semaphore_mem>> -> memref<1x!tpu.dma_semaphore, #tpu.memory_space<semaphore_mem>>
    %dma_wait3A_1250 = tpu.memref_squeeze %dma_wait3A_1249 : memref<1x!tpu.dma_semaphore, #tpu.memory_space<semaphore_mem>> -> memref<!tpu.dma_semaphore, #tpu.memory_space<semaphore_mem>>
    %dma_wait3A_1251 = arith.constant 576 : i32
    %dma_wait3A_1252 = arith.constant 0 : i32
    %dma_wait3A_1253 = tpu.memref_slice %arg2[%dma_wait3A_1247, %dma_wait3A_1251, %dma_wait3A_1252] : memref<4x4160x2048xf32, #tpu.memory_space<any>> -> memref<1x512x2048xf32, #tpu.memory_space<any>>
    %dma_wait3A_1254 = tpu.memref_squeeze %dma_wait3A_1253 : memref<1x512x2048xf32, #tpu.memory_space<any>> -> memref<512x2048xf32, #tpu.memory_space<any>>
    %dma_wait3A_1255 = arith.constant 0 : i32
    %dma_wait3A_1256 = arith.constant 0 : i32
    %dma_wait3A_1257 = tpu.memref_slice %arg3[%dma_wait3A_1246, %dma_wait3A_1255, %dma_wait3A_1256] : memref<8x512x2048xf32, #tpu.memory_space<vmem>> -> memref<1x512x2048xf32, #tpu.memory_space<vmem>>
    %dma_wait3A_1258 = tpu.memref_squeeze %dma_wait3A_1257 : memref<1x512x2048xf32, #tpu.memory_space<vmem>> -> memref<512x2048xf32, #tpu.memory_space<vmem>>
    tpu.wait_dma2 semaphore(%dma_wait3A_1250 : memref<!tpu.dma_semaphore, #tpu.memory_space<semaphore_mem>>) src(%dma_wait3A_1258 : memref<512x2048xf32, #tpu.memory_space<vmem>>) dst(%dma_wait3A_1254 : memref<512x2048xf32, #tpu.memory_space<any>>)
    %dma_start3A_1259 = arith.constant 3 : i32
    %dma_start3A_1260 = arith.constant 4 : i32
    %dma_start3A_1261 = arith.constant 4 : i32
    %dma_start3A_1262 = tpu.memref_slice %arg4[%dma_start3A_1261] : memref<8x!tpu.dma_semaphore, #tpu.memory_space<semaphore_mem>> -> memref<1x!tpu.dma_semaphore, #tpu.memory_space<semaphore_mem>>
    %dma_start3A_1263 = tpu.memref_squeeze %dma_start3A_1262 : memref<1x!tpu.dma_semaphore, #tpu.memory_space<semaphore_mem>> -> memref<!tpu.dma_semaphore, #tpu.memory_space<semaphore_mem>>
    %dma_start3A_1264 = arith.constant 0 : i32
    %dma_start3A_1265 = arith.constant 0 : i32
    %dma_start3A_1266 = tpu.memref_slice %arg3[%dma_start3A_1260, %dma_start3A_1264, %dma_start3A_1265] : memref<8x512x2048xf32, #tpu.memory_space<vmem>> -> memref<1x512x2048xf32, #tpu.memory_space<vmem>>
    %dma_start3A_1267 = tpu.memref_squeeze %dma_start3A_1266 : memref<1x512x2048xf32, #tpu.memory_space<vmem>> -> memref<512x2048xf32, #tpu.memory_space<vmem>>
    %dma_start3A_1268 = arith.constant 0 : i32
    %dma_start3A_1269 = arith.constant 0 : i32
    %dma_start3A_1270 = tpu.memref_slice %arg0[%dma_start3A_1259, %dma_start3A_1268, %dma_start3A_1269] : memref<4x4096x2048xf32, #tpu.memory_space<any>> -> memref<1x512x2048xf32, #tpu.memory_space<any>>
    %dma_start3A_1271 = tpu.memref_squeeze %dma_start3A_1270 : memref<1x512x2048xf32, #tpu.memory_space<any>> -> memref<512x2048xf32, #tpu.memory_space<any>>
    tpu.enqueue_dma source(%dma_start3A_1271 : memref<512x2048xf32, #tpu.memory_space<any>>) target(%dma_start3A_1267 : memref<512x2048xf32, #tpu.memory_space<vmem>>) target_semaphore(%dma_start3A_1263 : memref<!tpu.dma_semaphore, #tpu.memory_space<semaphore_mem>>)
    %dma_wait3A_1272 = arith.constant 2 : i32
    %dma_wait3A_1273 = arith.constant 0 : i32
    %dma_wait3A_1274 = arith.constant 0 : i32
    %dma_wait3A_1275 = tpu.memref_slice %arg4[%dma_wait3A_1274] : memref<8x!tpu.dma_semaphore, #tpu.memory_space<semaphore_mem>> -> memref<1x!tpu.dma_semaphore, #tpu.memory_space<semaphore_mem>>
    %dma_wait3A_1276 = tpu.memref_squeeze %dma_wait3A_1275 : memref<1x!tpu.dma_semaphore, #tpu.memory_space<semaphore_mem>> -> memref<!tpu.dma_semaphore, #tpu.memory_space<semaphore_mem>>
    %dma_wait3A_1277 = arith.constant 0 : i32
    %dma_wait3A_1278 = arith.constant 0 : i32
    %dma_wait3A_1279 = tpu.memref_slice %arg3[%dma_wait3A_1273, %dma_wait3A_1277, %dma_wait3A_1278] : memref<8x512x2048xf32, #tpu.memory_space<vmem>> -> memref<1x512x2048xf32, #tpu.memory_space<vmem>>
    %dma_wait3A_1280 = tpu.memref_squeeze %dma_wait3A_1279 : memref<1x512x2048xf32, #tpu.memory_space<vmem>> -> memref<512x2048xf32, #tpu.memory_space<vmem>>
    %dma_wait3A_1281 = arith.constant 2560 : i32
    %dma_wait3A_1282 = arith.constant 0 : i32
    %dma_wait3A_1283 = tpu.memref_slice %arg0[%dma_wait3A_1272, %dma_wait3A_1281, %dma_wait3A_1282] : memref<4x4096x2048xf32, #tpu.memory_space<any>> -> memref<1x512x2048xf32, #tpu.memory_space<any>>
    %dma_wait3A_1284 = tpu.memref_squeeze %dma_wait3A_1283 : memref<1x512x2048xf32, #tpu.memory_space<any>> -> memref<512x2048xf32, #tpu.memory_space<any>>
    tpu.wait_dma2 semaphore(%dma_wait3A_1276 : memref<!tpu.dma_semaphore, #tpu.memory_space<semaphore_mem>>) src(%dma_wait3A_1284 : memref<512x2048xf32, #tpu.memory_space<any>>) dst(%dma_wait3A_1280 : memref<512x2048xf32, #tpu.memory_space<vmem>>)
    %dma_start3A_1285 = arith.constant 0 : i32
    %dma_start3A_1286 = arith.constant 2 : i32
    %dma_start3A_1287 = arith.constant 0 : i32
    %dma_start3A_1288 = tpu.memref_slice %arg5[%dma_start3A_1287] : memref<8x!tpu.dma_semaphore, #tpu.memory_space<semaphore_mem>> -> memref<1x!tpu.dma_semaphore, #tpu.memory_space<semaphore_mem>>
    %dma_start3A_1289 = tpu.memref_squeeze %dma_start3A_1288 : memref<1x!tpu.dma_semaphore, #tpu.memory_space<semaphore_mem>> -> memref<!tpu.dma_semaphore, #tpu.memory_space<semaphore_mem>>
    %dma_start3A_1290 = arith.constant 2624 : i32
    %dma_start3A_1291 = arith.constant 0 : i32
    %dma_start3A_1292 = tpu.memref_slice %arg2[%dma_start3A_1286, %dma_start3A_1290, %dma_start3A_1291] : memref<4x4160x2048xf32, #tpu.memory_space<any>> -> memref<1x512x2048xf32, #tpu.memory_space<any>>
    %dma_start3A_1293 = tpu.memref_squeeze %dma_start3A_1292 : memref<1x512x2048xf32, #tpu.memory_space<any>> -> memref<512x2048xf32, #tpu.memory_space<any>>
    %dma_start3A_1294 = arith.constant 0 : i32
    %dma_start3A_1295 = arith.constant 0 : i32
    %dma_start3A_1296 = tpu.memref_slice %arg3[%dma_start3A_1285, %dma_start3A_1294, %dma_start3A_1295] : memref<8x512x2048xf32, #tpu.memory_space<vmem>> -> memref<1x512x2048xf32, #tpu.memory_space<vmem>>
    %dma_start3A_1297 = tpu.memref_squeeze %dma_start3A_1296 : memref<1x512x2048xf32, #tpu.memory_space<vmem>> -> memref<512x2048xf32, #tpu.memory_space<vmem>>
    tpu.enqueue_dma source(%dma_start3A_1297 : memref<512x2048xf32, #tpu.memory_space<vmem>>) target(%dma_start3A_1293 : memref<512x2048xf32, #tpu.memory_space<any>>) target_semaphore(%dma_start3A_1289 : memref<!tpu.dma_semaphore, #tpu.memory_space<semaphore_mem>>)
    %dma_wait3A_1298 = arith.constant 5 : i32
    %dma_wait3A_1299 = arith.constant 2 : i32
    %dma_wait3A_1300 = arith.constant 5 : i32
    %dma_wait3A_1301 = tpu.memref_slice %arg5[%dma_wait3A_1300] : memref<8x!tpu.dma_semaphore, #tpu.memory_space<semaphore_mem>> -> memref<1x!tpu.dma_semaphore, #tpu.memory_space<semaphore_mem>>
    %dma_wait3A_1302 = tpu.memref_squeeze %dma_wait3A_1301 : memref<1x!tpu.dma_semaphore, #tpu.memory_space<semaphore_mem>> -> memref<!tpu.dma_semaphore, #tpu.memory_space<semaphore_mem>>
    %dma_wait3A_1303 = arith.constant 1088 : i32
    %dma_wait3A_1304 = arith.constant 0 : i32
    %dma_wait3A_1305 = tpu.memref_slice %arg2[%dma_wait3A_1299, %dma_wait3A_1303, %dma_wait3A_1304] : memref<4x4160x2048xf32, #tpu.memory_space<any>> -> memref<1x512x2048xf32, #tpu.memory_space<any>>
    %dma_wait3A_1306 = tpu.memref_squeeze %dma_wait3A_1305 : memref<1x512x2048xf32, #tpu.memory_space<any>> -> memref<512x2048xf32, #tpu.memory_space<any>>
    %dma_wait3A_1307 = arith.constant 0 : i32
    %dma_wait3A_1308 = arith.constant 0 : i32
    %dma_wait3A_1309 = tpu.memref_slice %arg3[%dma_wait3A_1298, %dma_wait3A_1307, %dma_wait3A_1308] : memref<8x512x2048xf32, #tpu.memory_space<vmem>> -> memref<1x512x2048xf32, #tpu.memory_space<vmem>>
    %dma_wait3A_1310 = tpu.memref_squeeze %dma_wait3A_1309 : memref<1x512x2048xf32, #tpu.memory_space<vmem>> -> memref<512x2048xf32, #tpu.memory_space<vmem>>
    tpu.wait_dma2 semaphore(%dma_wait3A_1302 : memref<!tpu.dma_semaphore, #tpu.memory_space<semaphore_mem>>) src(%dma_wait3A_1310 : memref<512x2048xf32, #tpu.memory_space<vmem>>) dst(%dma_wait3A_1306 : memref<512x2048xf32, #tpu.memory_space<any>>)
    %dma_start3A_1311 = arith.constant 3 : i32
    %dma_start3A_1312 = arith.constant 5 : i32
    %dma_start3A_1313 = arith.constant 5 : i32
    %dma_start3A_1314 = tpu.memref_slice %arg4[%dma_start3A_1313] : memref<8x!tpu.dma_semaphore, #tpu.memory_space<semaphore_mem>> -> memref<1x!tpu.dma_semaphore, #tpu.memory_space<semaphore_mem>>
    %dma_start3A_1315 = tpu.memref_squeeze %dma_start3A_1314 : memref<1x!tpu.dma_semaphore, #tpu.memory_space<semaphore_mem>> -> memref<!tpu.dma_semaphore, #tpu.memory_space<semaphore_mem>>
    %dma_start3A_1316 = arith.constant 0 : i32
    %dma_start3A_1317 = arith.constant 0 : i32
    %dma_start3A_1318 = tpu.memref_slice %arg3[%dma_start3A_1312, %dma_start3A_1316, %dma_start3A_1317] : memref<8x512x2048xf32, #tpu.memory_space<vmem>> -> memref<1x512x2048xf32, #tpu.memory_space<vmem>>
    %dma_start3A_1319 = tpu.memref_squeeze %dma_start3A_1318 : memref<1x512x2048xf32, #tpu.memory_space<vmem>> -> memref<512x2048xf32, #tpu.memory_space<vmem>>
    %dma_start3A_1320 = arith.constant 512 : i32
    %dma_start3A_1321 = arith.constant 0 : i32
    %dma_start3A_1322 = tpu.memref_slice %arg0[%dma_start3A_1311, %dma_start3A_1320, %dma_start3A_1321] : memref<4x4096x2048xf32, #tpu.memory_space<any>> -> memref<1x512x2048xf32, #tpu.memory_space<any>>
    %dma_start3A_1323 = tpu.memref_squeeze %dma_start3A_1322 : memref<1x512x2048xf32, #tpu.memory_space<any>> -> memref<512x2048xf32, #tpu.memory_space<any>>
    tpu.enqueue_dma source(%dma_start3A_1323 : memref<512x2048xf32, #tpu.memory_space<any>>) target(%dma_start3A_1319 : memref<512x2048xf32, #tpu.memory_space<vmem>>) target_semaphore(%dma_start3A_1315 : memref<!tpu.dma_semaphore, #tpu.memory_space<semaphore_mem>>)
    %dma_wait3A_1324 = arith.constant 2 : i32
    %dma_wait3A_1325 = arith.constant 1 : i32
    %dma_wait3A_1326 = arith.constant 1 : i32
    %dma_wait3A_1327 = tpu.memref_slice %arg4[%dma_wait3A_1326] : memref<8x!tpu.dma_semaphore, #tpu.memory_space<semaphore_mem>> -> memref<1x!tpu.dma_semaphore, #tpu.memory_space<semaphore_mem>>
    %dma_wait3A_1328 = tpu.memref_squeeze %dma_wait3A_1327 : memref<1x!tpu.dma_semaphore, #tpu.memory_space<semaphore_mem>> -> memref<!tpu.dma_semaphore, #tpu.memory_space<semaphore_mem>>
    %dma_wait3A_1329 = arith.constant 0 : i32
    %dma_wait3A_1330 = arith.constant 0 : i32
    %dma_wait3A_1331 = tpu.memref_slice %arg3[%dma_wait3A_1325, %dma_wait3A_1329, %dma_wait3A_1330] : memref<8x512x2048xf32, #tpu.memory_space<vmem>> -> memref<1x512x2048xf32, #tpu.memory_space<vmem>>
    %dma_wait3A_1332 = tpu.memref_squeeze %dma_wait3A_1331 : memref<1x512x2048xf32, #tpu.memory_space<vmem>> -> memref<512x2048xf32, #tpu.memory_space<vmem>>
    %dma_wait3A_1333 = arith.constant 3072 : i32
    %dma_wait3A_1334 = arith.constant 0 : i32
    %dma_wait3A_1335 = tpu.memref_slice %arg0[%dma_wait3A_1324, %dma_wait3A_1333, %dma_wait3A_1334] : memref<4x4096x2048xf32, #tpu.memory_space<any>> -> memref<1x512x2048xf32, #tpu.memory_space<any>>
    %dma_wait3A_1336 = tpu.memref_squeeze %dma_wait3A_1335 : memref<1x512x2048xf32, #tpu.memory_space<any>> -> memref<512x2048xf32, #tpu.memory_space<any>>
    tpu.wait_dma2 semaphore(%dma_wait3A_1328 : memref<!tpu.dma_semaphore, #tpu.memory_space<semaphore_mem>>) src(%dma_wait3A_1336 : memref<512x2048xf32, #tpu.memory_space<any>>) dst(%dma_wait3A_1332 : memref<512x2048xf32, #tpu.memory_space<vmem>>)
    %dma_start3A_1337 = arith.constant 1 : i32
    %dma_start3A_1338 = arith.constant 2 : i32
    %dma_start3A_1339 = arith.constant 1 : i32
    %dma_start3A_1340 = tpu.memref_slice %arg5[%dma_start3A_1339] : memref<8x!tpu.dma_semaphore, #tpu.memory_space<semaphore_mem>> -> memref<1x!tpu.dma_semaphore, #tpu.memory_space<semaphore_mem>>
    %dma_start3A_1341 = tpu.memref_squeeze %dma_start3A_1340 : memref<1x!tpu.dma_semaphore, #tpu.memory_space<semaphore_mem>> -> memref<!tpu.dma_semaphore, #tpu.memory_space<semaphore_mem>>
    %dma_start3A_1342 = arith.constant 3136 : i32
    %dma_start3A_1343 = arith.constant 0 : i32
    %dma_start3A_1344 = tpu.memref_slice %arg2[%dma_start3A_1338, %dma_start3A_1342, %dma_start3A_1343] : memref<4x4160x2048xf32, #tpu.memory_space<any>> -> memref<1x512x2048xf32, #tpu.memory_space<any>>
    %dma_start3A_1345 = tpu.memref_squeeze %dma_start3A_1344 : memref<1x512x2048xf32, #tpu.memory_space<any>> -> memref<512x2048xf32, #tpu.memory_space<any>>
    %dma_start3A_1346 = arith.constant 0 : i32
    %dma_start3A_1347 = arith.constant 0 : i32
    %dma_start3A_1348 = tpu.memref_slice %arg3[%dma_start3A_1337, %dma_start3A_1346, %dma_start3A_1347] : memref<8x512x2048xf32, #tpu.memory_space<vmem>> -> memref<1x512x2048xf32, #tpu.memory_space<vmem>>
    %dma_start3A_1349 = tpu.memref_squeeze %dma_start3A_1348 : memref<1x512x2048xf32, #tpu.memory_space<vmem>> -> memref<512x2048xf32, #tpu.memory_space<vmem>>
    tpu.enqueue_dma source(%dma_start3A_1349 : memref<512x2048xf32, #tpu.memory_space<vmem>>) target(%dma_start3A_1345 : memref<512x2048xf32, #tpu.memory_space<any>>) target_semaphore(%dma_start3A_1341 : memref<!tpu.dma_semaphore, #tpu.memory_space<semaphore_mem>>)
    %dma_wait3A_1350 = arith.constant 6 : i32
    %dma_wait3A_1351 = arith.constant 2 : i32
    %dma_wait3A_1352 = arith.constant 6 : i32
    %dma_wait3A_1353 = tpu.memref_slice %arg5[%dma_wait3A_1352] : memref<8x!tpu.dma_semaphore, #tpu.memory_space<semaphore_mem>> -> memref<1x!tpu.dma_semaphore, #tpu.memory_space<semaphore_mem>>
    %dma_wait3A_1354 = tpu.memref_squeeze %dma_wait3A_1353 : memref<1x!tpu.dma_semaphore, #tpu.memory_space<semaphore_mem>> -> memref<!tpu.dma_semaphore, #tpu.memory_space<semaphore_mem>>
    %dma_wait3A_1355 = arith.constant 1600 : i32
    %dma_wait3A_1356 = arith.constant 0 : i32
    %dma_wait3A_1357 = tpu.memref_slice %arg2[%dma_wait3A_1351, %dma_wait3A_1355, %dma_wait3A_1356] : memref<4x4160x2048xf32, #tpu.memory_space<any>> -> memref<1x512x2048xf32, #tpu.memory_space<any>>
    %dma_wait3A_1358 = tpu.memref_squeeze %dma_wait3A_1357 : memref<1x512x2048xf32, #tpu.memory_space<any>> -> memref<512x2048xf32, #tpu.memory_space<any>>
    %dma_wait3A_1359 = arith.constant 0 : i32
    %dma_wait3A_1360 = arith.constant 0 : i32
    %dma_wait3A_1361 = tpu.memref_slice %arg3[%dma_wait3A_1350, %dma_wait3A_1359, %dma_wait3A_1360] : memref<8x512x2048xf32, #tpu.memory_space<vmem>> -> memref<1x512x2048xf32, #tpu.memory_space<vmem>>
    %dma_wait3A_1362 = tpu.memref_squeeze %dma_wait3A_1361 : memref<1x512x2048xf32, #tpu.memory_space<vmem>> -> memref<512x2048xf32, #tpu.memory_space<vmem>>
    tpu.wait_dma2 semaphore(%dma_wait3A_1354 : memref<!tpu.dma_semaphore, #tpu.memory_space<semaphore_mem>>) src(%dma_wait3A_1362 : memref<512x2048xf32, #tpu.memory_space<vmem>>) dst(%dma_wait3A_1358 : memref<512x2048xf32, #tpu.memory_space<any>>)
    %dma_start3A_1363 = arith.constant 3 : i32
    %dma_start3A_1364 = arith.constant 6 : i32
    %dma_start3A_1365 = arith.constant 6 : i32
    %dma_start3A_1366 = tpu.memref_slice %arg4[%dma_start3A_1365] : memref<8x!tpu.dma_semaphore, #tpu.memory_space<semaphore_mem>> -> memref<1x!tpu.dma_semaphore, #tpu.memory_space<semaphore_mem>>
    %dma_start3A_1367 = tpu.memref_squeeze %dma_start3A_1366 : memref<1x!tpu.dma_semaphore, #tpu.memory_space<semaphore_mem>> -> memref<!tpu.dma_semaphore, #tpu.memory_space<semaphore_mem>>
    %dma_start3A_1368 = arith.constant 0 : i32
    %dma_start3A_1369 = arith.constant 0 : i32
    %dma_start3A_1370 = tpu.memref_slice %arg3[%dma_start3A_1364, %dma_start3A_1368, %dma_start3A_1369] : memref<8x512x2048xf32, #tpu.memory_space<vmem>> -> memref<1x512x2048xf32, #tpu.memory_space<vmem>>
    %dma_start3A_1371 = tpu.memref_squeeze %dma_start3A_1370 : memref<1x512x2048xf32, #tpu.memory_space<vmem>> -> memref<512x2048xf32, #tpu.memory_space<vmem>>
    %dma_start3A_1372 = arith.constant 1024 : i32
    %dma_start3A_1373 = arith.constant 0 : i32
    %dma_start3A_1374 = tpu.memref_slice %arg0[%dma_start3A_1363, %dma_start3A_1372, %dma_start3A_1373] : memref<4x4096x2048xf32, #tpu.memory_space<any>> -> memref<1x512x2048xf32, #tpu.memory_space<any>>
    %dma_start3A_1375 = tpu.memref_squeeze %dma_start3A_1374 : memref<1x512x2048xf32, #tpu.memory_space<any>> -> memref<512x2048xf32, #tpu.memory_space<any>>
    tpu.enqueue_dma source(%dma_start3A_1375 : memref<512x2048xf32, #tpu.memory_space<any>>) target(%dma_start3A_1371 : memref<512x2048xf32, #tpu.memory_space<vmem>>) target_semaphore(%dma_start3A_1367 : memref<!tpu.dma_semaphore, #tpu.memory_space<semaphore_mem>>)
    %dma_wait3A_1376 = arith.constant 2 : i32
    %dma_wait3A_1377 = arith.constant 2 : i32
    %dma_wait3A_1378 = arith.constant 2 : i32
    %dma_wait3A_1379 = tpu.memref_slice %arg4[%dma_wait3A_1378] : memref<8x!tpu.dma_semaphore, #tpu.memory_space<semaphore_mem>> -> memref<1x!tpu.dma_semaphore, #tpu.memory_space<semaphore_mem>>
    %dma_wait3A_1380 = tpu.memref_squeeze %dma_wait3A_1379 : memref<1x!tpu.dma_semaphore, #tpu.memory_space<semaphore_mem>> -> memref<!tpu.dma_semaphore, #tpu.memory_space<semaphore_mem>>
    %dma_wait3A_1381 = arith.constant 0 : i32
    %dma_wait3A_1382 = arith.constant 0 : i32
    %dma_wait3A_1383 = tpu.memref_slice %arg3[%dma_wait3A_1377, %dma_wait3A_1381, %dma_wait3A_1382] : memref<8x512x2048xf32, #tpu.memory_space<vmem>> -> memref<1x512x2048xf32, #tpu.memory_space<vmem>>
    %dma_wait3A_1384 = tpu.memref_squeeze %dma_wait3A_1383 : memref<1x512x2048xf32, #tpu.memory_space<vmem>> -> memref<512x2048xf32, #tpu.memory_space<vmem>>
    %dma_wait3A_1385 = arith.constant 3584 : i32
    %dma_wait3A_1386 = arith.constant 0 : i32
    %dma_wait3A_1387 = tpu.memref_slice %arg0[%dma_wait3A_1376, %dma_wait3A_1385, %dma_wait3A_1386] : memref<4x4096x2048xf32, #tpu.memory_space<any>> -> memref<1x512x2048xf32, #tpu.memory_space<any>>
    %dma_wait3A_1388 = tpu.memref_squeeze %dma_wait3A_1387 : memref<1x512x2048xf32, #tpu.memory_space<any>> -> memref<512x2048xf32, #tpu.memory_space<any>>
    tpu.wait_dma2 semaphore(%dma_wait3A_1380 : memref<!tpu.dma_semaphore, #tpu.memory_space<semaphore_mem>>) src(%dma_wait3A_1388 : memref<512x2048xf32, #tpu.memory_space<any>>) dst(%dma_wait3A_1384 : memref<512x2048xf32, #tpu.memory_space<vmem>>)
    %dma_start3A_1389 = arith.constant 2 : i32
    %dma_start3A_1390 = arith.constant 2 : i32
    %dma_start3A_1391 = arith.constant 2 : i32
    %dma_start3A_1392 = tpu.memref_slice %arg5[%dma_start3A_1391] : memref<8x!tpu.dma_semaphore, #tpu.memory_space<semaphore_mem>> -> memref<1x!tpu.dma_semaphore, #tpu.memory_space<semaphore_mem>>
    %dma_start3A_1393 = tpu.memref_squeeze %dma_start3A_1392 : memref<1x!tpu.dma_semaphore, #tpu.memory_space<semaphore_mem>> -> memref<!tpu.dma_semaphore, #tpu.memory_space<semaphore_mem>>
    %dma_start3A_1394 = arith.constant 3648 : i32
    %dma_start3A_1395 = arith.constant 0 : i32
    %dma_start3A_1396 = tpu.memref_slice %arg2[%dma_start3A_1390, %dma_start3A_1394, %dma_start3A_1395] : memref<4x4160x2048xf32, #tpu.memory_space<any>> -> memref<1x512x2048xf32, #tpu.memory_space<any>>
    %dma_start3A_1397 = tpu.memref_squeeze %dma_start3A_1396 : memref<1x512x2048xf32, #tpu.memory_space<any>> -> memref<512x2048xf32, #tpu.memory_space<any>>
    %dma_start3A_1398 = arith.constant 0 : i32
    %dma_start3A_1399 = arith.constant 0 : i32
    %dma_start3A_1400 = tpu.memref_slice %arg3[%dma_start3A_1389, %dma_start3A_1398, %dma_start3A_1399] : memref<8x512x2048xf32, #tpu.memory_space<vmem>> -> memref<1x512x2048xf32, #tpu.memory_space<vmem>>
    %dma_start3A_1401 = tpu.memref_squeeze %dma_start3A_1400 : memref<1x512x2048xf32, #tpu.memory_space<vmem>> -> memref<512x2048xf32, #tpu.memory_space<vmem>>
    tpu.enqueue_dma source(%dma_start3A_1401 : memref<512x2048xf32, #tpu.memory_space<vmem>>) target(%dma_start3A_1397 : memref<512x2048xf32, #tpu.memory_space<any>>) target_semaphore(%dma_start3A_1393 : memref<!tpu.dma_semaphore, #tpu.memory_space<semaphore_mem>>)
    %dma_wait3A_1402 = arith.constant 7 : i32
    %dma_wait3A_1403 = arith.constant 2 : i32
    %dma_wait3A_1404 = arith.constant 7 : i32
    %dma_wait3A_1405 = tpu.memref_slice %arg5[%dma_wait3A_1404] : memref<8x!tpu.dma_semaphore, #tpu.memory_space<semaphore_mem>> -> memref<1x!tpu.dma_semaphore, #tpu.memory_space<semaphore_mem>>
    %dma_wait3A_1406 = tpu.memref_squeeze %dma_wait3A_1405 : memref<1x!tpu.dma_semaphore, #tpu.memory_space<semaphore_mem>> -> memref<!tpu.dma_semaphore, #tpu.memory_space<semaphore_mem>>
    %dma_wait3A_1407 = arith.constant 2112 : i32
    %dma_wait3A_1408 = arith.constant 0 : i32
    %dma_wait3A_1409 = tpu.memref_slice %arg2[%dma_wait3A_1403, %dma_wait3A_1407, %dma_wait3A_1408] : memref<4x4160x2048xf32, #tpu.memory_space<any>> -> memref<1x512x2048xf32, #tpu.memory_space<any>>
    %dma_wait3A_1410 = tpu.memref_squeeze %dma_wait3A_1409 : memref<1x512x2048xf32, #tpu.memory_space<any>> -> memref<512x2048xf32, #tpu.memory_space<any>>
    %dma_wait3A_1411 = arith.constant 0 : i32
    %dma_wait3A_1412 = arith.constant 0 : i32
    %dma_wait3A_1413 = tpu.memref_slice %arg3[%dma_wait3A_1402, %dma_wait3A_1411, %dma_wait3A_1412] : memref<8x512x2048xf32, #tpu.memory_space<vmem>> -> memref<1x512x2048xf32, #tpu.memory_space<vmem>>
    %dma_wait3A_1414 = tpu.memref_squeeze %dma_wait3A_1413 : memref<1x512x2048xf32, #tpu.memory_space<vmem>> -> memref<512x2048xf32, #tpu.memory_space<vmem>>
    tpu.wait_dma2 semaphore(%dma_wait3A_1406 : memref<!tpu.dma_semaphore, #tpu.memory_space<semaphore_mem>>) src(%dma_wait3A_1414 : memref<512x2048xf32, #tpu.memory_space<vmem>>) dst(%dma_wait3A_1410 : memref<512x2048xf32, #tpu.memory_space<any>>)
    %dma_start3A_1415 = arith.constant 3 : i32
    %dma_start3A_1416 = arith.constant 7 : i32
    %dma_start3A_1417 = arith.constant 7 : i32
    %dma_start3A_1418 = tpu.memref_slice %arg4[%dma_start3A_1417] : memref<8x!tpu.dma_semaphore, #tpu.memory_space<semaphore_mem>> -> memref<1x!tpu.dma_semaphore, #tpu.memory_space<semaphore_mem>>
    %dma_start3A_1419 = tpu.memref_squeeze %dma_start3A_1418 : memref<1x!tpu.dma_semaphore, #tpu.memory_space<semaphore_mem>> -> memref<!tpu.dma_semaphore, #tpu.memory_space<semaphore_mem>>
    %dma_start3A_1420 = arith.constant 0 : i32
    %dma_start3A_1421 = arith.constant 0 : i32
    %dma_start3A_1422 = tpu.memref_slice %arg3[%dma_start3A_1416, %dma_start3A_1420, %dma_start3A_1421] : memref<8x512x2048xf32, #tpu.memory_space<vmem>> -> memref<1x512x2048xf32, #tpu.memory_space<vmem>>
    %dma_start3A_1423 = tpu.memref_squeeze %dma_start3A_1422 : memref<1x512x2048xf32, #tpu.memory_space<vmem>> -> memref<512x2048xf32, #tpu.memory_space<vmem>>
    %dma_start3A_1424 = arith.constant 1536 : i32
    %dma_start3A_1425 = arith.constant 0 : i32
    %dma_start3A_1426 = tpu.memref_slice %arg0[%dma_start3A_1415, %dma_start3A_1424, %dma_start3A_1425] : memref<4x4096x2048xf32, #tpu.memory_space<any>> -> memref<1x512x2048xf32, #tpu.memory_space<any>>
    %dma_start3A_1427 = tpu.memref_squeeze %dma_start3A_1426 : memref<1x512x2048xf32, #tpu.memory_space<any>> -> memref<512x2048xf32, #tpu.memory_space<any>>
    tpu.enqueue_dma source(%dma_start3A_1427 : memref<512x2048xf32, #tpu.memory_space<any>>) target(%dma_start3A_1423 : memref<512x2048xf32, #tpu.memory_space<vmem>>) target_semaphore(%dma_start3A_1419 : memref<!tpu.dma_semaphore, #tpu.memory_space<semaphore_mem>>)
    %dma_wait3A_1428 = arith.constant 3 : i32
    %dma_wait3A_1429 = arith.constant 3 : i32
    %dma_wait3A_1430 = arith.constant 3 : i32
    %dma_wait3A_1431 = tpu.memref_slice %arg4[%dma_wait3A_1430] : memref<8x!tpu.dma_semaphore, #tpu.memory_space<semaphore_mem>> -> memref<1x!tpu.dma_semaphore, #tpu.memory_space<semaphore_mem>>
    %dma_wait3A_1432 = tpu.memref_squeeze %dma_wait3A_1431 : memref<1x!tpu.dma_semaphore, #tpu.memory_space<semaphore_mem>> -> memref<!tpu.dma_semaphore, #tpu.memory_space<semaphore_mem>>
    %dma_wait3A_1433 = arith.constant 0 : i32
    %dma_wait3A_1434 = arith.constant 0 : i32
    %dma_wait3A_1435 = tpu.memref_slice %arg3[%dma_wait3A_1429, %dma_wait3A_1433, %dma_wait3A_1434] : memref<8x512x2048xf32, #tpu.memory_space<vmem>> -> memref<1x64x2048xf32, #tpu.memory_space<vmem>>
    %dma_wait3A_1436 = tpu.memref_squeeze %dma_wait3A_1435 : memref<1x64x2048xf32, #tpu.memory_space<vmem>> -> memref<64x2048xf32, #tpu.memory_space<vmem>>
    %dma_wait3A_1437 = arith.constant 0 : i32
    %dma_wait3A_1438 = arith.constant 0 : i32
    %dma_wait3A_1439 = tpu.memref_slice %arg1[%dma_wait3A_1428, %dma_wait3A_1437, %dma_wait3A_1438] : memref<4x64x2048xf32, #tpu.memory_space<any>> -> memref<1x64x2048xf32, #tpu.memory_space<any>>
    %dma_wait3A_1440 = tpu.memref_squeeze %dma_wait3A_1439 : memref<1x64x2048xf32, #tpu.memory_space<any>> -> memref<64x2048xf32, #tpu.memory_space<any>>
    tpu.wait_dma2 semaphore(%dma_wait3A_1432 : memref<!tpu.dma_semaphore, #tpu.memory_space<semaphore_mem>>) src(%dma_wait3A_1440 : memref<64x2048xf32, #tpu.memory_space<any>>) dst(%dma_wait3A_1436 : memref<64x2048xf32, #tpu.memory_space<vmem>>)
    %dma_start3A_1441 = arith.constant 3 : i32
    %dma_start3A_1442 = arith.constant 3 : i32
    %dma_start3A_1443 = arith.constant 3 : i32
    %dma_start3A_1444 = tpu.memref_slice %arg5[%dma_start3A_1443] : memref<8x!tpu.dma_semaphore, #tpu.memory_space<semaphore_mem>> -> memref<1x!tpu.dma_semaphore, #tpu.memory_space<semaphore_mem>>
    %dma_start3A_1445 = tpu.memref_squeeze %dma_start3A_1444 : memref<1x!tpu.dma_semaphore, #tpu.memory_space<semaphore_mem>> -> memref<!tpu.dma_semaphore, #tpu.memory_space<semaphore_mem>>
    %dma_start3A_1446 = arith.constant 0 : i32
    %dma_start3A_1447 = arith.constant 0 : i32
    %dma_start3A_1448 = tpu.memref_slice %arg2[%dma_start3A_1442, %dma_start3A_1446, %dma_start3A_1447] : memref<4x4160x2048xf32, #tpu.memory_space<any>> -> memref<1x64x2048xf32, #tpu.memory_space<any>>
    %dma_start3A_1449 = tpu.memref_squeeze %dma_start3A_1448 : memref<1x64x2048xf32, #tpu.memory_space<any>> -> memref<64x2048xf32, #tpu.memory_space<any>>
    %dma_start3A_1450 = arith.constant 0 : i32
    %dma_start3A_1451 = arith.constant 0 : i32
    %dma_start3A_1452 = tpu.memref_slice %arg3[%dma_start3A_1441, %dma_start3A_1450, %dma_start3A_1451] : memref<8x512x2048xf32, #tpu.memory_space<vmem>> -> memref<1x64x2048xf32, #tpu.memory_space<vmem>>
    %dma_start3A_1453 = tpu.memref_squeeze %dma_start3A_1452 : memref<1x64x2048xf32, #tpu.memory_space<vmem>> -> memref<64x2048xf32, #tpu.memory_space<vmem>>
    tpu.enqueue_dma source(%dma_start3A_1453 : memref<64x2048xf32, #tpu.memory_space<vmem>>) target(%dma_start3A_1449 : memref<64x2048xf32, #tpu.memory_space<any>>) target_semaphore(%dma_start3A_1445 : memref<!tpu.dma_semaphore, #tpu.memory_space<semaphore_mem>>)
    %dma_wait3A_1454 = arith.constant 0 : i32
    %dma_wait3A_1455 = arith.constant 2 : i32
    %dma_wait3A_1456 = arith.constant 0 : i32
    %dma_wait3A_1457 = tpu.memref_slice %arg5[%dma_wait3A_1456] : memref<8x!tpu.dma_semaphore, #tpu.memory_space<semaphore_mem>> -> memref<1x!tpu.dma_semaphore, #tpu.memory_space<semaphore_mem>>
    %dma_wait3A_1458 = tpu.memref_squeeze %dma_wait3A_1457 : memref<1x!tpu.dma_semaphore, #tpu.memory_space<semaphore_mem>> -> memref<!tpu.dma_semaphore, #tpu.memory_space<semaphore_mem>>
    %dma_wait3A_1459 = arith.constant 2624 : i32
    %dma_wait3A_1460 = arith.constant 0 : i32
    %dma_wait3A_1461 = tpu.memref_slice %arg2[%dma_wait3A_1455, %dma_wait3A_1459, %dma_wait3A_1460] : memref<4x4160x2048xf32, #tpu.memory_space<any>> -> memref<1x512x2048xf32, #tpu.memory_space<any>>
    %dma_wait3A_1462 = tpu.memref_squeeze %dma_wait3A_1461 : memref<1x512x2048xf32, #tpu.memory_space<any>> -> memref<512x2048xf32, #tpu.memory_space<any>>
    %dma_wait3A_1463 = arith.constant 0 : i32
    %dma_wait3A_1464 = arith.constant 0 : i32
    %dma_wait3A_1465 = tpu.memref_slice %arg3[%dma_wait3A_1454, %dma_wait3A_1463, %dma_wait3A_1464] : memref<8x512x2048xf32, #tpu.memory_space<vmem>> -> memref<1x512x2048xf32, #tpu.memory_space<vmem>>
    %dma_wait3A_1466 = tpu.memref_squeeze %dma_wait3A_1465 : memref<1x512x2048xf32, #tpu.memory_space<vmem>> -> memref<512x2048xf32, #tpu.memory_space<vmem>>
    tpu.wait_dma2 semaphore(%dma_wait3A_1458 : memref<!tpu.dma_semaphore, #tpu.memory_space<semaphore_mem>>) src(%dma_wait3A_1466 : memref<512x2048xf32, #tpu.memory_space<vmem>>) dst(%dma_wait3A_1462 : memref<512x2048xf32, #tpu.memory_space<any>>)
    %dma_start3A_1467 = arith.constant 3 : i32
    %dma_start3A_1468 = arith.constant 0 : i32
    %dma_start3A_1469 = arith.constant 0 : i32
    %dma_start3A_1470 = tpu.memref_slice %arg4[%dma_start3A_1469] : memref<8x!tpu.dma_semaphore, #tpu.memory_space<semaphore_mem>> -> memref<1x!tpu.dma_semaphore, #tpu.memory_space<semaphore_mem>>
    %dma_start3A_1471 = tpu.memref_squeeze %dma_start3A_1470 : memref<1x!tpu.dma_semaphore, #tpu.memory_space<semaphore_mem>> -> memref<!tpu.dma_semaphore, #tpu.memory_space<semaphore_mem>>
    %dma_start3A_1472 = arith.constant 0 : i32
    %dma_start3A_1473 = arith.constant 0 : i32
    %dma_start3A_1474 = tpu.memref_slice %arg3[%dma_start3A_1468, %dma_start3A_1472, %dma_start3A_1473] : memref<8x512x2048xf32, #tpu.memory_space<vmem>> -> memref<1x512x2048xf32, #tpu.memory_space<vmem>>
    %dma_start3A_1475 = tpu.memref_squeeze %dma_start3A_1474 : memref<1x512x2048xf32, #tpu.memory_space<vmem>> -> memref<512x2048xf32, #tpu.memory_space<vmem>>
    %dma_start3A_1476 = arith.constant 2048 : i32
    %dma_start3A_1477 = arith.constant 0 : i32
    %dma_start3A_1478 = tpu.memref_slice %arg0[%dma_start3A_1467, %dma_start3A_1476, %dma_start3A_1477] : memref<4x4096x2048xf32, #tpu.memory_space<any>> -> memref<1x512x2048xf32, #tpu.memory_space<any>>
    %dma_start3A_1479 = tpu.memref_squeeze %dma_start3A_1478 : memref<1x512x2048xf32, #tpu.memory_space<any>> -> memref<512x2048xf32, #tpu.memory_space<any>>
    tpu.enqueue_dma source(%dma_start3A_1479 : memref<512x2048xf32, #tpu.memory_space<any>>) target(%dma_start3A_1475 : memref<512x2048xf32, #tpu.memory_space<vmem>>) target_semaphore(%dma_start3A_1471 : memref<!tpu.dma_semaphore, #tpu.memory_space<semaphore_mem>>)
    %dma_wait3A_1480 = arith.constant 3 : i32
    %dma_wait3A_1481 = arith.constant 4 : i32
    %dma_wait3A_1482 = arith.constant 4 : i32
    %dma_wait3A_1483 = tpu.memref_slice %arg4[%dma_wait3A_1482] : memref<8x!tpu.dma_semaphore, #tpu.memory_space<semaphore_mem>> -> memref<1x!tpu.dma_semaphore, #tpu.memory_space<semaphore_mem>>
    %dma_wait3A_1484 = tpu.memref_squeeze %dma_wait3A_1483 : memref<1x!tpu.dma_semaphore, #tpu.memory_space<semaphore_mem>> -> memref<!tpu.dma_semaphore, #tpu.memory_space<semaphore_mem>>
    %dma_wait3A_1485 = arith.constant 0 : i32
    %dma_wait3A_1486 = arith.constant 0 : i32
    %dma_wait3A_1487 = tpu.memref_slice %arg3[%dma_wait3A_1481, %dma_wait3A_1485, %dma_wait3A_1486] : memref<8x512x2048xf32, #tpu.memory_space<vmem>> -> memref<1x512x2048xf32, #tpu.memory_space<vmem>>
    %dma_wait3A_1488 = tpu.memref_squeeze %dma_wait3A_1487 : memref<1x512x2048xf32, #tpu.memory_space<vmem>> -> memref<512x2048xf32, #tpu.memory_space<vmem>>
    %dma_wait3A_1489 = arith.constant 0 : i32
    %dma_wait3A_1490 = arith.constant 0 : i32
    %dma_wait3A_1491 = tpu.memref_slice %arg0[%dma_wait3A_1480, %dma_wait3A_1489, %dma_wait3A_1490] : memref<4x4096x2048xf32, #tpu.memory_space<any>> -> memref<1x512x2048xf32, #tpu.memory_space<any>>
    %dma_wait3A_1492 = tpu.memref_squeeze %dma_wait3A_1491 : memref<1x512x2048xf32, #tpu.memory_space<any>> -> memref<512x2048xf32, #tpu.memory_space<any>>
    tpu.wait_dma2 semaphore(%dma_wait3A_1484 : memref<!tpu.dma_semaphore, #tpu.memory_space<semaphore_mem>>) src(%dma_wait3A_1492 : memref<512x2048xf32, #tpu.memory_space<any>>) dst(%dma_wait3A_1488 : memref<512x2048xf32, #tpu.memory_space<vmem>>)
    %dma_start3A_1493 = arith.constant 4 : i32
    %dma_start3A_1494 = arith.constant 3 : i32
    %dma_start3A_1495 = arith.constant 4 : i32
    %dma_start3A_1496 = tpu.memref_slice %arg5[%dma_start3A_1495] : memref<8x!tpu.dma_semaphore, #tpu.memory_space<semaphore_mem>> -> memref<1x!tpu.dma_semaphore, #tpu.memory_space<semaphore_mem>>
    %dma_start3A_1497 = tpu.memref_squeeze %dma_start3A_1496 : memref<1x!tpu.dma_semaphore, #tpu.memory_space<semaphore_mem>> -> memref<!tpu.dma_semaphore, #tpu.memory_space<semaphore_mem>>
    %dma_start3A_1498 = arith.constant 64 : i32
    %dma_start3A_1499 = arith.constant 0 : i32
    %dma_start3A_1500 = tpu.memref_slice %arg2[%dma_start3A_1494, %dma_start3A_1498, %dma_start3A_1499] : memref<4x4160x2048xf32, #tpu.memory_space<any>> -> memref<1x512x2048xf32, #tpu.memory_space<any>>
    %dma_start3A_1501 = tpu.memref_squeeze %dma_start3A_1500 : memref<1x512x2048xf32, #tpu.memory_space<any>> -> memref<512x2048xf32, #tpu.memory_space<any>>
    %dma_start3A_1502 = arith.constant 0 : i32
    %dma_start3A_1503 = arith.constant 0 : i32
    %dma_start3A_1504 = tpu.memref_slice %arg3[%dma_start3A_1493, %dma_start3A_1502, %dma_start3A_1503] : memref<8x512x2048xf32, #tpu.memory_space<vmem>> -> memref<1x512x2048xf32, #tpu.memory_space<vmem>>
    %dma_start3A_1505 = tpu.memref_squeeze %dma_start3A_1504 : memref<1x512x2048xf32, #tpu.memory_space<vmem>> -> memref<512x2048xf32, #tpu.memory_space<vmem>>
    tpu.enqueue_dma source(%dma_start3A_1505 : memref<512x2048xf32, #tpu.memory_space<vmem>>) target(%dma_start3A_1501 : memref<512x2048xf32, #tpu.memory_space<any>>) target_semaphore(%dma_start3A_1497 : memref<!tpu.dma_semaphore, #tpu.memory_space<semaphore_mem>>)
    %dma_wait3A_1506 = arith.constant 1 : i32
    %dma_wait3A_1507 = arith.constant 2 : i32
    %dma_wait3A_1508 = arith.constant 1 : i32
    %dma_wait3A_1509 = tpu.memref_slice %arg5[%dma_wait3A_1508] : memref<8x!tpu.dma_semaphore, #tpu.memory_space<semaphore_mem>> -> memref<1x!tpu.dma_semaphore, #tpu.memory_space<semaphore_mem>>
    %dma_wait3A_1510 = tpu.memref_squeeze %dma_wait3A_1509 : memref<1x!tpu.dma_semaphore, #tpu.memory_space<semaphore_mem>> -> memref<!tpu.dma_semaphore, #tpu.memory_space<semaphore_mem>>
    %dma_wait3A_1511 = arith.constant 3136 : i32
    %dma_wait3A_1512 = arith.constant 0 : i32
    %dma_wait3A_1513 = tpu.memref_slice %arg2[%dma_wait3A_1507, %dma_wait3A_1511, %dma_wait3A_1512] : memref<4x4160x2048xf32, #tpu.memory_space<any>> -> memref<1x512x2048xf32, #tpu.memory_space<any>>
    %dma_wait3A_1514 = tpu.memref_squeeze %dma_wait3A_1513 : memref<1x512x2048xf32, #tpu.memory_space<any>> -> memref<512x2048xf32, #tpu.memory_space<any>>
    %dma_wait3A_1515 = arith.constant 0 : i32
    %dma_wait3A_1516 = arith.constant 0 : i32
    %dma_wait3A_1517 = tpu.memref_slice %arg3[%dma_wait3A_1506, %dma_wait3A_1515, %dma_wait3A_1516] : memref<8x512x2048xf32, #tpu.memory_space<vmem>> -> memref<1x512x2048xf32, #tpu.memory_space<vmem>>
    %dma_wait3A_1518 = tpu.memref_squeeze %dma_wait3A_1517 : memref<1x512x2048xf32, #tpu.memory_space<vmem>> -> memref<512x2048xf32, #tpu.memory_space<vmem>>
    tpu.wait_dma2 semaphore(%dma_wait3A_1510 : memref<!tpu.dma_semaphore, #tpu.memory_space<semaphore_mem>>) src(%dma_wait3A_1518 : memref<512x2048xf32, #tpu.memory_space<vmem>>) dst(%dma_wait3A_1514 : memref<512x2048xf32, #tpu.memory_space<any>>)
    %dma_start3A_1519 = arith.constant 3 : i32
    %dma_start3A_1520 = arith.constant 1 : i32
    %dma_start3A_1521 = arith.constant 1 : i32
    %dma_start3A_1522 = tpu.memref_slice %arg4[%dma_start3A_1521] : memref<8x!tpu.dma_semaphore, #tpu.memory_space<semaphore_mem>> -> memref<1x!tpu.dma_semaphore, #tpu.memory_space<semaphore_mem>>
    %dma_start3A_1523 = tpu.memref_squeeze %dma_start3A_1522 : memref<1x!tpu.dma_semaphore, #tpu.memory_space<semaphore_mem>> -> memref<!tpu.dma_semaphore, #tpu.memory_space<semaphore_mem>>
    %dma_start3A_1524 = arith.constant 0 : i32
    %dma_start3A_1525 = arith.constant 0 : i32
    %dma_start3A_1526 = tpu.memref_slice %arg3[%dma_start3A_1520, %dma_start3A_1524, %dma_start3A_1525] : memref<8x512x2048xf32, #tpu.memory_space<vmem>> -> memref<1x512x2048xf32, #tpu.memory_space<vmem>>
    %dma_start3A_1527 = tpu.memref_squeeze %dma_start3A_1526 : memref<1x512x2048xf32, #tpu.memory_space<vmem>> -> memref<512x2048xf32, #tpu.memory_space<vmem>>
    %dma_start3A_1528 = arith.constant 2560 : i32
    %dma_start3A_1529 = arith.constant 0 : i32
    %dma_start3A_1530 = tpu.memref_slice %arg0[%dma_start3A_1519, %dma_start3A_1528, %dma_start3A_1529] : memref<4x4096x2048xf32, #tpu.memory_space<any>> -> memref<1x512x2048xf32, #tpu.memory_space<any>>
    %dma_start3A_1531 = tpu.memref_squeeze %dma_start3A_1530 : memref<1x512x2048xf32, #tpu.memory_space<any>> -> memref<512x2048xf32, #tpu.memory_space<any>>
    tpu.enqueue_dma source(%dma_start3A_1531 : memref<512x2048xf32, #tpu.memory_space<any>>) target(%dma_start3A_1527 : memref<512x2048xf32, #tpu.memory_space<vmem>>) target_semaphore(%dma_start3A_1523 : memref<!tpu.dma_semaphore, #tpu.memory_space<semaphore_mem>>)
    %dma_wait3A_1532 = arith.constant 3 : i32
    %dma_wait3A_1533 = arith.constant 5 : i32
    %dma_wait3A_1534 = arith.constant 5 : i32
    %dma_wait3A_1535 = tpu.memref_slice %arg4[%dma_wait3A_1534] : memref<8x!tpu.dma_semaphore, #tpu.memory_space<semaphore_mem>> -> memref<1x!tpu.dma_semaphore, #tpu.memory_space<semaphore_mem>>
    %dma_wait3A_1536 = tpu.memref_squeeze %dma_wait3A_1535 : memref<1x!tpu.dma_semaphore, #tpu.memory_space<semaphore_mem>> -> memref<!tpu.dma_semaphore, #tpu.memory_space<semaphore_mem>>
    %dma_wait3A_1537 = arith.constant 0 : i32
    %dma_wait3A_1538 = arith.constant 0 : i32
    %dma_wait3A_1539 = tpu.memref_slice %arg3[%dma_wait3A_1533, %dma_wait3A_1537, %dma_wait3A_1538] : memref<8x512x2048xf32, #tpu.memory_space<vmem>> -> memref<1x512x2048xf32, #tpu.memory_space<vmem>>
    %dma_wait3A_1540 = tpu.memref_squeeze %dma_wait3A_1539 : memref<1x512x2048xf32, #tpu.memory_space<vmem>> -> memref<512x2048xf32, #tpu.memory_space<vmem>>
    %dma_wait3A_1541 = arith.constant 512 : i32
    %dma_wait3A_1542 = arith.constant 0 : i32
    %dma_wait3A_1543 = tpu.memref_slice %arg0[%dma_wait3A_1532, %dma_wait3A_1541, %dma_wait3A_1542] : memref<4x4096x2048xf32, #tpu.memory_space<any>> -> memref<1x512x2048xf32, #tpu.memory_space<any>>
    %dma_wait3A_1544 = tpu.memref_squeeze %dma_wait3A_1543 : memref<1x512x2048xf32, #tpu.memory_space<any>> -> memref<512x2048xf32, #tpu.memory_space<any>>
    tpu.wait_dma2 semaphore(%dma_wait3A_1536 : memref<!tpu.dma_semaphore, #tpu.memory_space<semaphore_mem>>) src(%dma_wait3A_1544 : memref<512x2048xf32, #tpu.memory_space<any>>) dst(%dma_wait3A_1540 : memref<512x2048xf32, #tpu.memory_space<vmem>>)
    %dma_start3A_1545 = arith.constant 5 : i32
    %dma_start3A_1546 = arith.constant 3 : i32
    %dma_start3A_1547 = arith.constant 5 : i32
    %dma_start3A_1548 = tpu.memref_slice %arg5[%dma_start3A_1547] : memref<8x!tpu.dma_semaphore, #tpu.memory_space<semaphore_mem>> -> memref<1x!tpu.dma_semaphore, #tpu.memory_space<semaphore_mem>>
    %dma_start3A_1549 = tpu.memref_squeeze %dma_start3A_1548 : memref<1x!tpu.dma_semaphore, #tpu.memory_space<semaphore_mem>> -> memref<!tpu.dma_semaphore, #tpu.memory_space<semaphore_mem>>
    %dma_start3A_1550 = arith.constant 576 : i32
    %dma_start3A_1551 = arith.constant 0 : i32
    %dma_start3A_1552 = tpu.memref_slice %arg2[%dma_start3A_1546, %dma_start3A_1550, %dma_start3A_1551] : memref<4x4160x2048xf32, #tpu.memory_space<any>> -> memref<1x512x2048xf32, #tpu.memory_space<any>>
    %dma_start3A_1553 = tpu.memref_squeeze %dma_start3A_1552 : memref<1x512x2048xf32, #tpu.memory_space<any>> -> memref<512x2048xf32, #tpu.memory_space<any>>
    %dma_start3A_1554 = arith.constant 0 : i32
    %dma_start3A_1555 = arith.constant 0 : i32
    %dma_start3A_1556 = tpu.memref_slice %arg3[%dma_start3A_1545, %dma_start3A_1554, %dma_start3A_1555] : memref<8x512x2048xf32, #tpu.memory_space<vmem>> -> memref<1x512x2048xf32, #tpu.memory_space<vmem>>
    %dma_start3A_1557 = tpu.memref_squeeze %dma_start3A_1556 : memref<1x512x2048xf32, #tpu.memory_space<vmem>> -> memref<512x2048xf32, #tpu.memory_space<vmem>>
    tpu.enqueue_dma source(%dma_start3A_1557 : memref<512x2048xf32, #tpu.memory_space<vmem>>) target(%dma_start3A_1553 : memref<512x2048xf32, #tpu.memory_space<any>>) target_semaphore(%dma_start3A_1549 : memref<!tpu.dma_semaphore, #tpu.memory_space<semaphore_mem>>)
    %dma_wait3A_1558 = arith.constant 2 : i32
    %dma_wait3A_1559 = arith.constant 2 : i32
    %dma_wait3A_1560 = arith.constant 2 : i32
    %dma_wait3A_1561 = tpu.memref_slice %arg5[%dma_wait3A_1560] : memref<8x!tpu.dma_semaphore, #tpu.memory_space<semaphore_mem>> -> memref<1x!tpu.dma_semaphore, #tpu.memory_space<semaphore_mem>>
    %dma_wait3A_1562 = tpu.memref_squeeze %dma_wait3A_1561 : memref<1x!tpu.dma_semaphore, #tpu.memory_space<semaphore_mem>> -> memref<!tpu.dma_semaphore, #tpu.memory_space<semaphore_mem>>
    %dma_wait3A_1563 = arith.constant 3648 : i32
    %dma_wait3A_1564 = arith.constant 0 : i32
    %dma_wait3A_1565 = tpu.memref_slice %arg2[%dma_wait3A_1559, %dma_wait3A_1563, %dma_wait3A_1564] : memref<4x4160x2048xf32, #tpu.memory_space<any>> -> memref<1x512x2048xf32, #tpu.memory_space<any>>
    %dma_wait3A_1566 = tpu.memref_squeeze %dma_wait3A_1565 : memref<1x512x2048xf32, #tpu.memory_space<any>> -> memref<512x2048xf32, #tpu.memory_space<any>>
    %dma_wait3A_1567 = arith.constant 0 : i32
    %dma_wait3A_1568 = arith.constant 0 : i32
    %dma_wait3A_1569 = tpu.memref_slice %arg3[%dma_wait3A_1558, %dma_wait3A_1567, %dma_wait3A_1568] : memref<8x512x2048xf32, #tpu.memory_space<vmem>> -> memref<1x512x2048xf32, #tpu.memory_space<vmem>>
    %dma_wait3A_1570 = tpu.memref_squeeze %dma_wait3A_1569 : memref<1x512x2048xf32, #tpu.memory_space<vmem>> -> memref<512x2048xf32, #tpu.memory_space<vmem>>
    tpu.wait_dma2 semaphore(%dma_wait3A_1562 : memref<!tpu.dma_semaphore, #tpu.memory_space<semaphore_mem>>) src(%dma_wait3A_1570 : memref<512x2048xf32, #tpu.memory_space<vmem>>) dst(%dma_wait3A_1566 : memref<512x2048xf32, #tpu.memory_space<any>>)
    %dma_start3A_1571 = arith.constant 3 : i32
    %dma_start3A_1572 = arith.constant 2 : i32
    %dma_start3A_1573 = arith.constant 2 : i32
    %dma_start3A_1574 = tpu.memref_slice %arg4[%dma_start3A_1573] : memref<8x!tpu.dma_semaphore, #tpu.memory_space<semaphore_mem>> -> memref<1x!tpu.dma_semaphore, #tpu.memory_space<semaphore_mem>>
    %dma_start3A_1575 = tpu.memref_squeeze %dma_start3A_1574 : memref<1x!tpu.dma_semaphore, #tpu.memory_space<semaphore_mem>> -> memref<!tpu.dma_semaphore, #tpu.memory_space<semaphore_mem>>
    %dma_start3A_1576 = arith.constant 0 : i32
    %dma_start3A_1577 = arith.constant 0 : i32
    %dma_start3A_1578 = tpu.memref_slice %arg3[%dma_start3A_1572, %dma_start3A_1576, %dma_start3A_1577] : memref<8x512x2048xf32, #tpu.memory_space<vmem>> -> memref<1x512x2048xf32, #tpu.memory_space<vmem>>
    %dma_start3A_1579 = tpu.memref_squeeze %dma_start3A_1578 : memref<1x512x2048xf32, #tpu.memory_space<vmem>> -> memref<512x2048xf32, #tpu.memory_space<vmem>>
    %dma_start3A_1580 = arith.constant 3072 : i32
    %dma_start3A_1581 = arith.constant 0 : i32
    %dma_start3A_1582 = tpu.memref_slice %arg0[%dma_start3A_1571, %dma_start3A_1580, %dma_start3A_1581] : memref<4x4096x2048xf32, #tpu.memory_space<any>> -> memref<1x512x2048xf32, #tpu.memory_space<any>>
    %dma_start3A_1583 = tpu.memref_squeeze %dma_start3A_1582 : memref<1x512x2048xf32, #tpu.memory_space<any>> -> memref<512x2048xf32, #tpu.memory_space<any>>
    tpu.enqueue_dma source(%dma_start3A_1583 : memref<512x2048xf32, #tpu.memory_space<any>>) target(%dma_start3A_1579 : memref<512x2048xf32, #tpu.memory_space<vmem>>) target_semaphore(%dma_start3A_1575 : memref<!tpu.dma_semaphore, #tpu.memory_space<semaphore_mem>>)
    %dma_wait3A_1584 = arith.constant 3 : i32
    %dma_wait3A_1585 = arith.constant 6 : i32
    %dma_wait3A_1586 = arith.constant 6 : i32
    %dma_wait3A_1587 = tpu.memref_slice %arg4[%dma_wait3A_1586] : memref<8x!tpu.dma_semaphore, #tpu.memory_space<semaphore_mem>> -> memref<1x!tpu.dma_semaphore, #tpu.memory_space<semaphore_mem>>
    %dma_wait3A_1588 = tpu.memref_squeeze %dma_wait3A_1587 : memref<1x!tpu.dma_semaphore, #tpu.memory_space<semaphore_mem>> -> memref<!tpu.dma_semaphore, #tpu.memory_space<semaphore_mem>>
    %dma_wait3A_1589 = arith.constant 0 : i32
    %dma_wait3A_1590 = arith.constant 0 : i32
    %dma_wait3A_1591 = tpu.memref_slice %arg3[%dma_wait3A_1585, %dma_wait3A_1589, %dma_wait3A_1590] : memref<8x512x2048xf32, #tpu.memory_space<vmem>> -> memref<1x512x2048xf32, #tpu.memory_space<vmem>>
    %dma_wait3A_1592 = tpu.memref_squeeze %dma_wait3A_1591 : memref<1x512x2048xf32, #tpu.memory_space<vmem>> -> memref<512x2048xf32, #tpu.memory_space<vmem>>
    %dma_wait3A_1593 = arith.constant 1024 : i32
    %dma_wait3A_1594 = arith.constant 0 : i32
    %dma_wait3A_1595 = tpu.memref_slice %arg0[%dma_wait3A_1584, %dma_wait3A_1593, %dma_wait3A_1594] : memref<4x4096x2048xf32, #tpu.memory_space<any>> -> memref<1x512x2048xf32, #tpu.memory_space<any>>
    %dma_wait3A_1596 = tpu.memref_squeeze %dma_wait3A_1595 : memref<1x512x2048xf32, #tpu.memory_space<any>> -> memref<512x2048xf32, #tpu.memory_space<any>>
    tpu.wait_dma2 semaphore(%dma_wait3A_1588 : memref<!tpu.dma_semaphore, #tpu.memory_space<semaphore_mem>>) src(%dma_wait3A_1596 : memref<512x2048xf32, #tpu.memory_space<any>>) dst(%dma_wait3A_1592 : memref<512x2048xf32, #tpu.memory_space<vmem>>)
    %dma_start3A_1597 = arith.constant 6 : i32
    %dma_start3A_1598 = arith.constant 3 : i32
    %dma_start3A_1599 = arith.constant 6 : i32
    %dma_start3A_1600 = tpu.memref_slice %arg5[%dma_start3A_1599] : memref<8x!tpu.dma_semaphore, #tpu.memory_space<semaphore_mem>> -> memref<1x!tpu.dma_semaphore, #tpu.memory_space<semaphore_mem>>
    %dma_start3A_1601 = tpu.memref_squeeze %dma_start3A_1600 : memref<1x!tpu.dma_semaphore, #tpu.memory_space<semaphore_mem>> -> memref<!tpu.dma_semaphore, #tpu.memory_space<semaphore_mem>>
    %dma_start3A_1602 = arith.constant 1088 : i32
    %dma_start3A_1603 = arith.constant 0 : i32
    %dma_start3A_1604 = tpu.memref_slice %arg2[%dma_start3A_1598, %dma_start3A_1602, %dma_start3A_1603] : memref<4x4160x2048xf32, #tpu.memory_space<any>> -> memref<1x512x2048xf32, #tpu.memory_space<any>>
    %dma_start3A_1605 = tpu.memref_squeeze %dma_start3A_1604 : memref<1x512x2048xf32, #tpu.memory_space<any>> -> memref<512x2048xf32, #tpu.memory_space<any>>
    %dma_start3A_1606 = arith.constant 0 : i32
    %dma_start3A_1607 = arith.constant 0 : i32
    %dma_start3A_1608 = tpu.memref_slice %arg3[%dma_start3A_1597, %dma_start3A_1606, %dma_start3A_1607] : memref<8x512x2048xf32, #tpu.memory_space<vmem>> -> memref<1x512x2048xf32, #tpu.memory_space<vmem>>
    %dma_start3A_1609 = tpu.memref_squeeze %dma_start3A_1608 : memref<1x512x2048xf32, #tpu.memory_space<vmem>> -> memref<512x2048xf32, #tpu.memory_space<vmem>>
    tpu.enqueue_dma source(%dma_start3A_1609 : memref<512x2048xf32, #tpu.memory_space<vmem>>) target(%dma_start3A_1605 : memref<512x2048xf32, #tpu.memory_space<any>>) target_semaphore(%dma_start3A_1601 : memref<!tpu.dma_semaphore, #tpu.memory_space<semaphore_mem>>)
    %dma_wait3A_1610 = arith.constant 3 : i32
    %dma_wait3A_1611 = arith.constant 3 : i32
    %dma_wait3A_1612 = arith.constant 3 : i32
    %dma_wait3A_1613 = tpu.memref_slice %arg5[%dma_wait3A_1612] : memref<8x!tpu.dma_semaphore, #tpu.memory_space<semaphore_mem>> -> memref<1x!tpu.dma_semaphore, #tpu.memory_space<semaphore_mem>>
    %dma_wait3A_1614 = tpu.memref_squeeze %dma_wait3A_1613 : memref<1x!tpu.dma_semaphore, #tpu.memory_space<semaphore_mem>> -> memref<!tpu.dma_semaphore, #tpu.memory_space<semaphore_mem>>
    %dma_wait3A_1615 = arith.constant 0 : i32
    %dma_wait3A_1616 = arith.constant 0 : i32
    %dma_wait3A_1617 = tpu.memref_slice %arg2[%dma_wait3A_1611, %dma_wait3A_1615, %dma_wait3A_1616] : memref<4x4160x2048xf32, #tpu.memory_space<any>> -> memref<1x64x2048xf32, #tpu.memory_space<any>>
    %dma_wait3A_1618 = tpu.memref_squeeze %dma_wait3A_1617 : memref<1x64x2048xf32, #tpu.memory_space<any>> -> memref<64x2048xf32, #tpu.memory_space<any>>
    %dma_wait3A_1619 = arith.constant 0 : i32
    %dma_wait3A_1620 = arith.constant 0 : i32
    %dma_wait3A_1621 = tpu.memref_slice %arg3[%dma_wait3A_1610, %dma_wait3A_1619, %dma_wait3A_1620] : memref<8x512x2048xf32, #tpu.memory_space<vmem>> -> memref<1x64x2048xf32, #tpu.memory_space<vmem>>
    %dma_wait3A_1622 = tpu.memref_squeeze %dma_wait3A_1621 : memref<1x64x2048xf32, #tpu.memory_space<vmem>> -> memref<64x2048xf32, #tpu.memory_space<vmem>>
    tpu.wait_dma2 semaphore(%dma_wait3A_1614 : memref<!tpu.dma_semaphore, #tpu.memory_space<semaphore_mem>>) src(%dma_wait3A_1622 : memref<64x2048xf32, #tpu.memory_space<vmem>>) dst(%dma_wait3A_1618 : memref<64x2048xf32, #tpu.memory_space<any>>)
    %dma_start3A_1623 = arith.constant 3 : i32
    %dma_start3A_1624 = arith.constant 3 : i32
    %dma_start3A_1625 = arith.constant 3 : i32
    %dma_start3A_1626 = tpu.memref_slice %arg4[%dma_start3A_1625] : memref<8x!tpu.dma_semaphore, #tpu.memory_space<semaphore_mem>> -> memref<1x!tpu.dma_semaphore, #tpu.memory_space<semaphore_mem>>
    %dma_start3A_1627 = tpu.memref_squeeze %dma_start3A_1626 : memref<1x!tpu.dma_semaphore, #tpu.memory_space<semaphore_mem>> -> memref<!tpu.dma_semaphore, #tpu.memory_space<semaphore_mem>>
    %dma_start3A_1628 = arith.constant 0 : i32
    %dma_start3A_1629 = arith.constant 0 : i32
    %dma_start3A_1630 = tpu.memref_slice %arg3[%dma_start3A_1624, %dma_start3A_1628, %dma_start3A_1629] : memref<8x512x2048xf32, #tpu.memory_space<vmem>> -> memref<1x512x2048xf32, #tpu.memory_space<vmem>>
    %dma_start3A_1631 = tpu.memref_squeeze %dma_start3A_1630 : memref<1x512x2048xf32, #tpu.memory_space<vmem>> -> memref<512x2048xf32, #tpu.memory_space<vmem>>
    %dma_start3A_1632 = arith.constant 3584 : i32
    %dma_start3A_1633 = arith.constant 0 : i32
    %dma_start3A_1634 = tpu.memref_slice %arg0[%dma_start3A_1623, %dma_start3A_1632, %dma_start3A_1633] : memref<4x4096x2048xf32, #tpu.memory_space<any>> -> memref<1x512x2048xf32, #tpu.memory_space<any>>
    %dma_start3A_1635 = tpu.memref_squeeze %dma_start3A_1634 : memref<1x512x2048xf32, #tpu.memory_space<any>> -> memref<512x2048xf32, #tpu.memory_space<any>>
    tpu.enqueue_dma source(%dma_start3A_1635 : memref<512x2048xf32, #tpu.memory_space<any>>) target(%dma_start3A_1631 : memref<512x2048xf32, #tpu.memory_space<vmem>>) target_semaphore(%dma_start3A_1627 : memref<!tpu.dma_semaphore, #tpu.memory_space<semaphore_mem>>)
    %dma_wait3A_1636 = arith.constant 3 : i32
    %dma_wait3A_1637 = arith.constant 7 : i32
    %dma_wait3A_1638 = arith.constant 7 : i32
    %dma_wait3A_1639 = tpu.memref_slice %arg4[%dma_wait3A_1638] : memref<8x!tpu.dma_semaphore, #tpu.memory_space<semaphore_mem>> -> memref<1x!tpu.dma_semaphore, #tpu.memory_space<semaphore_mem>>
    %dma_wait3A_1640 = tpu.memref_squeeze %dma_wait3A_1639 : memref<1x!tpu.dma_semaphore, #tpu.memory_space<semaphore_mem>> -> memref<!tpu.dma_semaphore, #tpu.memory_space<semaphore_mem>>
    %dma_wait3A_1641 = arith.constant 0 : i32
    %dma_wait3A_1642 = arith.constant 0 : i32
    %dma_wait3A_1643 = tpu.memref_slice %arg3[%dma_wait3A_1637, %dma_wait3A_1641, %dma_wait3A_1642] : memref<8x512x2048xf32, #tpu.memory_space<vmem>> -> memref<1x512x2048xf32, #tpu.memory_space<vmem>>
    %dma_wait3A_1644 = tpu.memref_squeeze %dma_wait3A_1643 : memref<1x512x2048xf32, #tpu.memory_space<vmem>> -> memref<512x2048xf32, #tpu.memory_space<vmem>>
    %dma_wait3A_1645 = arith.constant 1536 : i32
    %dma_wait3A_1646 = arith.constant 0 : i32
    %dma_wait3A_1647 = tpu.memref_slice %arg0[%dma_wait3A_1636, %dma_wait3A_1645, %dma_wait3A_1646] : memref<4x4096x2048xf32, #tpu.memory_space<any>> -> memref<1x512x2048xf32, #tpu.memory_space<any>>
    %dma_wait3A_1648 = tpu.memref_squeeze %dma_wait3A_1647 : memref<1x512x2048xf32, #tpu.memory_space<any>> -> memref<512x2048xf32, #tpu.memory_space<any>>
    tpu.wait_dma2 semaphore(%dma_wait3A_1640 : memref<!tpu.dma_semaphore, #tpu.memory_space<semaphore_mem>>) src(%dma_wait3A_1648 : memref<512x2048xf32, #tpu.memory_space<any>>) dst(%dma_wait3A_1644 : memref<512x2048xf32, #tpu.memory_space<vmem>>)
    %dma_start3A_1649 = arith.constant 7 : i32
    %dma_start3A_1650 = arith.constant 3 : i32
    %dma_start3A_1651 = arith.constant 7 : i32
    %dma_start3A_1652 = tpu.memref_slice %arg5[%dma_start3A_1651] : memref<8x!tpu.dma_semaphore, #tpu.memory_space<semaphore_mem>> -> memref<1x!tpu.dma_semaphore, #tpu.memory_space<semaphore_mem>>
    %dma_start3A_1653 = tpu.memref_squeeze %dma_start3A_1652 : memref<1x!tpu.dma_semaphore, #tpu.memory_space<semaphore_mem>> -> memref<!tpu.dma_semaphore, #tpu.memory_space<semaphore_mem>>
    %dma_start3A_1654 = arith.constant 1600 : i32
    %dma_start3A_1655 = arith.constant 0 : i32
    %dma_start3A_1656 = tpu.memref_slice %arg2[%dma_start3A_1650, %dma_start3A_1654, %dma_start3A_1655] : memref<4x4160x2048xf32, #tpu.memory_space<any>> -> memref<1x512x2048xf32, #tpu.memory_space<any>>
    %dma_start3A_1657 = tpu.memref_squeeze %dma_start3A_1656 : memref<1x512x2048xf32, #tpu.memory_space<any>> -> memref<512x2048xf32, #tpu.memory_space<any>>
    %dma_start3A_1658 = arith.constant 0 : i32
    %dma_start3A_1659 = arith.constant 0 : i32
    %dma_start3A_1660 = tpu.memref_slice %arg3[%dma_start3A_1649, %dma_start3A_1658, %dma_start3A_1659] : memref<8x512x2048xf32, #tpu.memory_space<vmem>> -> memref<1x512x2048xf32, #tpu.memory_space<vmem>>
    %dma_start3A_1661 = tpu.memref_squeeze %dma_start3A_1660 : memref<1x512x2048xf32, #tpu.memory_space<vmem>> -> memref<512x2048xf32, #tpu.memory_space<vmem>>
    tpu.enqueue_dma source(%dma_start3A_1661 : memref<512x2048xf32, #tpu.memory_space<vmem>>) target(%dma_start3A_1657 : memref<512x2048xf32, #tpu.memory_space<any>>) target_semaphore(%dma_start3A_1653 : memref<!tpu.dma_semaphore, #tpu.memory_space<semaphore_mem>>)
    %dma_wait3A_1662 = arith.constant 3 : i32
    %dma_wait3A_1663 = arith.constant 0 : i32
    %dma_wait3A_1664 = arith.constant 0 : i32
    %dma_wait3A_1665 = tpu.memref_slice %arg4[%dma_wait3A_1664] : memref<8x!tpu.dma_semaphore, #tpu.memory_space<semaphore_mem>> -> memref<1x!tpu.dma_semaphore, #tpu.memory_space<semaphore_mem>>
    %dma_wait3A_1666 = tpu.memref_squeeze %dma_wait3A_1665 : memref<1x!tpu.dma_semaphore, #tpu.memory_space<semaphore_mem>> -> memref<!tpu.dma_semaphore, #tpu.memory_space<semaphore_mem>>
    %dma_wait3A_1667 = arith.constant 0 : i32
    %dma_wait3A_1668 = arith.constant 0 : i32
    %dma_wait3A_1669 = tpu.memref_slice %arg3[%dma_wait3A_1663, %dma_wait3A_1667, %dma_wait3A_1668] : memref<8x512x2048xf32, #tpu.memory_space<vmem>> -> memref<1x512x2048xf32, #tpu.memory_space<vmem>>
    %dma_wait3A_1670 = tpu.memref_squeeze %dma_wait3A_1669 : memref<1x512x2048xf32, #tpu.memory_space<vmem>> -> memref<512x2048xf32, #tpu.memory_space<vmem>>
    %dma_wait3A_1671 = arith.constant 2048 : i32
    %dma_wait3A_1672 = arith.constant 0 : i32
    %dma_wait3A_1673 = tpu.memref_slice %arg0[%dma_wait3A_1662, %dma_wait3A_1671, %dma_wait3A_1672] : memref<4x4096x2048xf32, #tpu.memory_space<any>> -> memref<1x512x2048xf32, #tpu.memory_space<any>>
    %dma_wait3A_1674 = tpu.memref_squeeze %dma_wait3A_1673 : memref<1x512x2048xf32, #tpu.memory_space<any>> -> memref<512x2048xf32, #tpu.memory_space<any>>
    tpu.wait_dma2 semaphore(%dma_wait3A_1666 : memref<!tpu.dma_semaphore, #tpu.memory_space<semaphore_mem>>) src(%dma_wait3A_1674 : memref<512x2048xf32, #tpu.memory_space<any>>) dst(%dma_wait3A_1670 : memref<512x2048xf32, #tpu.memory_space<vmem>>)
    %dma_start3A_1675 = arith.constant 0 : i32
    %dma_start3A_1676 = arith.constant 3 : i32
    %dma_start3A_1677 = arith.constant 0 : i32
    %dma_start3A_1678 = tpu.memref_slice %arg5[%dma_start3A_1677] : memref<8x!tpu.dma_semaphore, #tpu.memory_space<semaphore_mem>> -> memref<1x!tpu.dma_semaphore, #tpu.memory_space<semaphore_mem>>
    %dma_start3A_1679 = tpu.memref_squeeze %dma_start3A_1678 : memref<1x!tpu.dma_semaphore, #tpu.memory_space<semaphore_mem>> -> memref<!tpu.dma_semaphore, #tpu.memory_space<semaphore_mem>>
    %dma_start3A_1680 = arith.constant 2112 : i32
    %dma_start3A_1681 = arith.constant 0 : i32
    %dma_start3A_1682 = tpu.memref_slice %arg2[%dma_start3A_1676, %dma_start3A_1680, %dma_start3A_1681] : memref<4x4160x2048xf32, #tpu.memory_space<any>> -> memref<1x512x2048xf32, #tpu.memory_space<any>>
    %dma_start3A_1683 = tpu.memref_squeeze %dma_start3A_1682 : memref<1x512x2048xf32, #tpu.memory_space<any>> -> memref<512x2048xf32, #tpu.memory_space<any>>
    %dma_start3A_1684 = arith.constant 0 : i32
    %dma_start3A_1685 = arith.constant 0 : i32
    %dma_start3A_1686 = tpu.memref_slice %arg3[%dma_start3A_1675, %dma_start3A_1684, %dma_start3A_1685] : memref<8x512x2048xf32, #tpu.memory_space<vmem>> -> memref<1x512x2048xf32, #tpu.memory_space<vmem>>
    %dma_start3A_1687 = tpu.memref_squeeze %dma_start3A_1686 : memref<1x512x2048xf32, #tpu.memory_space<vmem>> -> memref<512x2048xf32, #tpu.memory_space<vmem>>
    tpu.enqueue_dma source(%dma_start3A_1687 : memref<512x2048xf32, #tpu.memory_space<vmem>>) target(%dma_start3A_1683 : memref<512x2048xf32, #tpu.memory_space<any>>) target_semaphore(%dma_start3A_1679 : memref<!tpu.dma_semaphore, #tpu.memory_space<semaphore_mem>>)
    %dma_wait3A_1688 = arith.constant 3 : i32
    %dma_wait3A_1689 = arith.constant 1 : i32
    %dma_wait3A_1690 = arith.constant 1 : i32
    %dma_wait3A_1691 = tpu.memref_slice %arg4[%dma_wait3A_1690] : memref<8x!tpu.dma_semaphore, #tpu.memory_space<semaphore_mem>> -> memref<1x!tpu.dma_semaphore, #tpu.memory_space<semaphore_mem>>
    %dma_wait3A_1692 = tpu.memref_squeeze %dma_wait3A_1691 : memref<1x!tpu.dma_semaphore, #tpu.memory_space<semaphore_mem>> -> memref<!tpu.dma_semaphore, #tpu.memory_space<semaphore_mem>>
    %dma_wait3A_1693 = arith.constant 0 : i32
    %dma_wait3A_1694 = arith.constant 0 : i32
    %dma_wait3A_1695 = tpu.memref_slice %arg3[%dma_wait3A_1689, %dma_wait3A_1693, %dma_wait3A_1694] : memref<8x512x2048xf32, #tpu.memory_space<vmem>> -> memref<1x512x2048xf32, #tpu.memory_space<vmem>>
    %dma_wait3A_1696 = tpu.memref_squeeze %dma_wait3A_1695 : memref<1x512x2048xf32, #tpu.memory_space<vmem>> -> memref<512x2048xf32, #tpu.memory_space<vmem>>
    %dma_wait3A_1697 = arith.constant 2560 : i32
    %dma_wait3A_1698 = arith.constant 0 : i32
    %dma_wait3A_1699 = tpu.memref_slice %arg0[%dma_wait3A_1688, %dma_wait3A_1697, %dma_wait3A_1698] : memref<4x4096x2048xf32, #tpu.memory_space<any>> -> memref<1x512x2048xf32, #tpu.memory_space<any>>
    %dma_wait3A_1700 = tpu.memref_squeeze %dma_wait3A_1699 : memref<1x512x2048xf32, #tpu.memory_space<any>> -> memref<512x2048xf32, #tpu.memory_space<any>>
    tpu.wait_dma2 semaphore(%dma_wait3A_1692 : memref<!tpu.dma_semaphore, #tpu.memory_space<semaphore_mem>>) src(%dma_wait3A_1700 : memref<512x2048xf32, #tpu.memory_space<any>>) dst(%dma_wait3A_1696 : memref<512x2048xf32, #tpu.memory_space<vmem>>)
    %dma_start3A_1701 = arith.constant 1 : i32
    %dma_start3A_1702 = arith.constant 3 : i32
    %dma_start3A_1703 = arith.constant 1 : i32
    %dma_start3A_1704 = tpu.memref_slice %arg5[%dma_start3A_1703] : memref<8x!tpu.dma_semaphore, #tpu.memory_space<semaphore_mem>> -> memref<1x!tpu.dma_semaphore, #tpu.memory_space<semaphore_mem>>
    %dma_start3A_1705 = tpu.memref_squeeze %dma_start3A_1704 : memref<1x!tpu.dma_semaphore, #tpu.memory_space<semaphore_mem>> -> memref<!tpu.dma_semaphore, #tpu.memory_space<semaphore_mem>>
    %dma_start3A_1706 = arith.constant 2624 : i32
    %dma_start3A_1707 = arith.constant 0 : i32
    %dma_start3A_1708 = tpu.memref_slice %arg2[%dma_start3A_1702, %dma_start3A_1706, %dma_start3A_1707] : memref<4x4160x2048xf32, #tpu.memory_space<any>> -> memref<1x512x2048xf32, #tpu.memory_space<any>>
    %dma_start3A_1709 = tpu.memref_squeeze %dma_start3A_1708 : memref<1x512x2048xf32, #tpu.memory_space<any>> -> memref<512x2048xf32, #tpu.memory_space<any>>
    %dma_start3A_1710 = arith.constant 0 : i32
    %dma_start3A_1711 = arith.constant 0 : i32
    %dma_start3A_1712 = tpu.memref_slice %arg3[%dma_start3A_1701, %dma_start3A_1710, %dma_start3A_1711] : memref<8x512x2048xf32, #tpu.memory_space<vmem>> -> memref<1x512x2048xf32, #tpu.memory_space<vmem>>
    %dma_start3A_1713 = tpu.memref_squeeze %dma_start3A_1712 : memref<1x512x2048xf32, #tpu.memory_space<vmem>> -> memref<512x2048xf32, #tpu.memory_space<vmem>>
    tpu.enqueue_dma source(%dma_start3A_1713 : memref<512x2048xf32, #tpu.memory_space<vmem>>) target(%dma_start3A_1709 : memref<512x2048xf32, #tpu.memory_space<any>>) target_semaphore(%dma_start3A_1705 : memref<!tpu.dma_semaphore, #tpu.memory_space<semaphore_mem>>)
    %dma_wait3A_1714 = arith.constant 3 : i32
    %dma_wait3A_1715 = arith.constant 2 : i32
    %dma_wait3A_1716 = arith.constant 2 : i32
    %dma_wait3A_1717 = tpu.memref_slice %arg4[%dma_wait3A_1716] : memref<8x!tpu.dma_semaphore, #tpu.memory_space<semaphore_mem>> -> memref<1x!tpu.dma_semaphore, #tpu.memory_space<semaphore_mem>>
    %dma_wait3A_1718 = tpu.memref_squeeze %dma_wait3A_1717 : memref<1x!tpu.dma_semaphore, #tpu.memory_space<semaphore_mem>> -> memref<!tpu.dma_semaphore, #tpu.memory_space<semaphore_mem>>
    %dma_wait3A_1719 = arith.constant 0 : i32
    %dma_wait3A_1720 = arith.constant 0 : i32
    %dma_wait3A_1721 = tpu.memref_slice %arg3[%dma_wait3A_1715, %dma_wait3A_1719, %dma_wait3A_1720] : memref<8x512x2048xf32, #tpu.memory_space<vmem>> -> memref<1x512x2048xf32, #tpu.memory_space<vmem>>
    %dma_wait3A_1722 = tpu.memref_squeeze %dma_wait3A_1721 : memref<1x512x2048xf32, #tpu.memory_space<vmem>> -> memref<512x2048xf32, #tpu.memory_space<vmem>>
    %dma_wait3A_1723 = arith.constant 3072 : i32
    %dma_wait3A_1724 = arith.constant 0 : i32
    %dma_wait3A_1725 = tpu.memref_slice %arg0[%dma_wait3A_1714, %dma_wait3A_1723, %dma_wait3A_1724] : memref<4x4096x2048xf32, #tpu.memory_space<any>> -> memref<1x512x2048xf32, #tpu.memory_space<any>>
    %dma_wait3A_1726 = tpu.memref_squeeze %dma_wait3A_1725 : memref<1x512x2048xf32, #tpu.memory_space<any>> -> memref<512x2048xf32, #tpu.memory_space<any>>
    tpu.wait_dma2 semaphore(%dma_wait3A_1718 : memref<!tpu.dma_semaphore, #tpu.memory_space<semaphore_mem>>) src(%dma_wait3A_1726 : memref<512x2048xf32, #tpu.memory_space<any>>) dst(%dma_wait3A_1722 : memref<512x2048xf32, #tpu.memory_space<vmem>>)
    %dma_start3A_1727 = arith.constant 2 : i32
    %dma_start3A_1728 = arith.constant 3 : i32
    %dma_start3A_1729 = arith.constant 2 : i32
    %dma_start3A_1730 = tpu.memref_slice %arg5[%dma_start3A_1729] : memref<8x!tpu.dma_semaphore, #tpu.memory_space<semaphore_mem>> -> memref<1x!tpu.dma_semaphore, #tpu.memory_space<semaphore_mem>>
    %dma_start3A_1731 = tpu.memref_squeeze %dma_start3A_1730 : memref<1x!tpu.dma_semaphore, #tpu.memory_space<semaphore_mem>> -> memref<!tpu.dma_semaphore, #tpu.memory_space<semaphore_mem>>
    %dma_start3A_1732 = arith.constant 3136 : i32
    %dma_start3A_1733 = arith.constant 0 : i32
    %dma_start3A_1734 = tpu.memref_slice %arg2[%dma_start3A_1728, %dma_start3A_1732, %dma_start3A_1733] : memref<4x4160x2048xf32, #tpu.memory_space<any>> -> memref<1x512x2048xf32, #tpu.memory_space<any>>
    %dma_start3A_1735 = tpu.memref_squeeze %dma_start3A_1734 : memref<1x512x2048xf32, #tpu.memory_space<any>> -> memref<512x2048xf32, #tpu.memory_space<any>>
    %dma_start3A_1736 = arith.constant 0 : i32
    %dma_start3A_1737 = arith.constant 0 : i32
    %dma_start3A_1738 = tpu.memref_slice %arg3[%dma_start3A_1727, %dma_start3A_1736, %dma_start3A_1737] : memref<8x512x2048xf32, #tpu.memory_space<vmem>> -> memref<1x512x2048xf32, #tpu.memory_space<vmem>>
    %dma_start3A_1739 = tpu.memref_squeeze %dma_start3A_1738 : memref<1x512x2048xf32, #tpu.memory_space<vmem>> -> memref<512x2048xf32, #tpu.memory_space<vmem>>
    tpu.enqueue_dma source(%dma_start3A_1739 : memref<512x2048xf32, #tpu.memory_space<vmem>>) target(%dma_start3A_1735 : memref<512x2048xf32, #tpu.memory_space<any>>) target_semaphore(%dma_start3A_1731 : memref<!tpu.dma_semaphore, #tpu.memory_space<semaphore_mem>>)
    %dma_wait3A_1740 = arith.constant 3 : i32
    %dma_wait3A_1741 = arith.constant 3 : i32
    %dma_wait3A_1742 = arith.constant 3 : i32
    %dma_wait3A_1743 = tpu.memref_slice %arg4[%dma_wait3A_1742] : memref<8x!tpu.dma_semaphore, #tpu.memory_space<semaphore_mem>> -> memref<1x!tpu.dma_semaphore, #tpu.memory_space<semaphore_mem>>
    %dma_wait3A_1744 = tpu.memref_squeeze %dma_wait3A_1743 : memref<1x!tpu.dma_semaphore, #tpu.memory_space<semaphore_mem>> -> memref<!tpu.dma_semaphore, #tpu.memory_space<semaphore_mem>>
    %dma_wait3A_1745 = arith.constant 0 : i32
    %dma_wait3A_1746 = arith.constant 0 : i32
    %dma_wait3A_1747 = tpu.memref_slice %arg3[%dma_wait3A_1741, %dma_wait3A_1745, %dma_wait3A_1746] : memref<8x512x2048xf32, #tpu.memory_space<vmem>> -> memref<1x512x2048xf32, #tpu.memory_space<vmem>>
    %dma_wait3A_1748 = tpu.memref_squeeze %dma_wait3A_1747 : memref<1x512x2048xf32, #tpu.memory_space<vmem>> -> memref<512x2048xf32, #tpu.memory_space<vmem>>
    %dma_wait3A_1749 = arith.constant 3584 : i32
    %dma_wait3A_1750 = arith.constant 0 : i32
    %dma_wait3A_1751 = tpu.memref_slice %arg0[%dma_wait3A_1740, %dma_wait3A_1749, %dma_wait3A_1750] : memref<4x4096x2048xf32, #tpu.memory_space<any>> -> memref<1x512x2048xf32, #tpu.memory_space<any>>
    %dma_wait3A_1752 = tpu.memref_squeeze %dma_wait3A_1751 : memref<1x512x2048xf32, #tpu.memory_space<any>> -> memref<512x2048xf32, #tpu.memory_space<any>>
    tpu.wait_dma2 semaphore(%dma_wait3A_1744 : memref<!tpu.dma_semaphore, #tpu.memory_space<semaphore_mem>>) src(%dma_wait3A_1752 : memref<512x2048xf32, #tpu.memory_space<any>>) dst(%dma_wait3A_1748 : memref<512x2048xf32, #tpu.memory_space<vmem>>)
    %dma_start3A_1753 = arith.constant 3 : i32
    %dma_start3A_1754 = arith.constant 3 : i32
    %dma_start3A_1755 = arith.constant 3 : i32
    %dma_start3A_1756 = tpu.memref_slice %arg5[%dma_start3A_1755] : memref<8x!tpu.dma_semaphore, #tpu.memory_space<semaphore_mem>> -> memref<1x!tpu.dma_semaphore, #tpu.memory_space<semaphore_mem>>
    %dma_start3A_1757 = tpu.memref_squeeze %dma_start3A_1756 : memref<1x!tpu.dma_semaphore, #tpu.memory_space<semaphore_mem>> -> memref<!tpu.dma_semaphore, #tpu.memory_space<semaphore_mem>>
    %dma_start3A_1758 = arith.constant 3648 : i32
    %dma_start3A_1759 = arith.constant 0 : i32
    %dma_start3A_1760 = tpu.memref_slice %arg2[%dma_start3A_1754, %dma_start3A_1758, %dma_start3A_1759] : memref<4x4160x2048xf32, #tpu.memory_space<any>> -> memref<1x512x2048xf32, #tpu.memory_space<any>>
    %dma_start3A_1761 = tpu.memref_squeeze %dma_start3A_1760 : memref<1x512x2048xf32, #tpu.memory_space<any>> -> memref<512x2048xf32, #tpu.memory_space<any>>
    %dma_start3A_1762 = arith.constant 0 : i32
    %dma_start3A_1763 = arith.constant 0 : i32
    %dma_start3A_1764 = tpu.memref_slice %arg3[%dma_start3A_1753, %dma_start3A_1762, %dma_start3A_1763] : memref<8x512x2048xf32, #tpu.memory_space<vmem>> -> memref<1x512x2048xf32, #tpu.memory_space<vmem>>
    %dma_start3A_1765 = tpu.memref_squeeze %dma_start3A_1764 : memref<1x512x2048xf32, #tpu.memory_space<vmem>> -> memref<512x2048xf32, #tpu.memory_space<vmem>>
    tpu.enqueue_dma source(%dma_start3A_1765 : memref<512x2048xf32, #tpu.memory_space<vmem>>) target(%dma_start3A_1761 : memref<512x2048xf32, #tpu.memory_space<any>>) target_semaphore(%dma_start3A_1757 : memref<!tpu.dma_semaphore, #tpu.memory_space<semaphore_mem>>)
    %dma_wait3A_1766 = arith.constant 4 : i32
    %dma_wait3A_1767 = arith.constant 3 : i32
    %dma_wait3A_1768 = arith.constant 4 : i32
    %dma_wait3A_1769 = tpu.memref_slice %arg5[%dma_wait3A_1768] : memref<8x!tpu.dma_semaphore, #tpu.memory_space<semaphore_mem>> -> memref<1x!tpu.dma_semaphore, #tpu.memory_space<semaphore_mem>>
    %dma_wait3A_1770 = tpu.memref_squeeze %dma_wait3A_1769 : memref<1x!tpu.dma_semaphore, #tpu.memory_space<semaphore_mem>> -> memref<!tpu.dma_semaphore, #tpu.memory_space<semaphore_mem>>
    %dma_wait3A_1771 = arith.constant 64 : i32
    %dma_wait3A_1772 = arith.constant 0 : i32
    %dma_wait3A_1773 = tpu.memref_slice %arg2[%dma_wait3A_1767, %dma_wait3A_1771, %dma_wait3A_1772] : memref<4x4160x2048xf32, #tpu.memory_space<any>> -> memref<1x512x2048xf32, #tpu.memory_space<any>>
    %dma_wait3A_1774 = tpu.memref_squeeze %dma_wait3A_1773 : memref<1x512x2048xf32, #tpu.memory_space<any>> -> memref<512x2048xf32, #tpu.memory_space<any>>
    %dma_wait3A_1775 = arith.constant 0 : i32
    %dma_wait3A_1776 = arith.constant 0 : i32
    %dma_wait3A_1777 = tpu.memref_slice %arg3[%dma_wait3A_1766, %dma_wait3A_1775, %dma_wait3A_1776] : memref<8x512x2048xf32, #tpu.memory_space<vmem>> -> memref<1x512x2048xf32, #tpu.memory_space<vmem>>
    %dma_wait3A_1778 = tpu.memref_squeeze %dma_wait3A_1777 : memref<1x512x2048xf32, #tpu.memory_space<vmem>> -> memref<512x2048xf32, #tpu.memory_space<vmem>>
    tpu.wait_dma2 semaphore(%dma_wait3A_1770 : memref<!tpu.dma_semaphore, #tpu.memory_space<semaphore_mem>>) src(%dma_wait3A_1778 : memref<512x2048xf32, #tpu.memory_space<vmem>>) dst(%dma_wait3A_1774 : memref<512x2048xf32, #tpu.memory_space<any>>)
    %dma_wait3A_1779 = arith.constant 5 : i32
    %dma_wait3A_1780 = arith.constant 3 : i32
    %dma_wait3A_1781 = arith.constant 5 : i32
    %dma_wait3A_1782 = tpu.memref_slice %arg5[%dma_wait3A_1781] : memref<8x!tpu.dma_semaphore, #tpu.memory_space<semaphore_mem>> -> memref<1x!tpu.dma_semaphore, #tpu.memory_space<semaphore_mem>>
    %dma_wait3A_1783 = tpu.memref_squeeze %dma_wait3A_1782 : memref<1x!tpu.dma_semaphore, #tpu.memory_space<semaphore_mem>> -> memref<!tpu.dma_semaphore, #tpu.memory_space<semaphore_mem>>
    %dma_wait3A_1784 = arith.constant 576 : i32
    %dma_wait3A_1785 = arith.constant 0 : i32
    %dma_wait3A_1786 = tpu.memref_slice %arg2[%dma_wait3A_1780, %dma_wait3A_1784, %dma_wait3A_1785] : memref<4x4160x2048xf32, #tpu.memory_space<any>> -> memref<1x512x2048xf32, #tpu.memory_space<any>>
    %dma_wait3A_1787 = tpu.memref_squeeze %dma_wait3A_1786 : memref<1x512x2048xf32, #tpu.memory_space<any>> -> memref<512x2048xf32, #tpu.memory_space<any>>
    %dma_wait3A_1788 = arith.constant 0 : i32
    %dma_wait3A_1789 = arith.constant 0 : i32
    %dma_wait3A_1790 = tpu.memref_slice %arg3[%dma_wait3A_1779, %dma_wait3A_1788, %dma_wait3A_1789] : memref<8x512x2048xf32, #tpu.memory_space<vmem>> -> memref<1x512x2048xf32, #tpu.memory_space<vmem>>
    %dma_wait3A_1791 = tpu.memref_squeeze %dma_wait3A_1790 : memref<1x512x2048xf32, #tpu.memory_space<vmem>> -> memref<512x2048xf32, #tpu.memory_space<vmem>>
    tpu.wait_dma2 semaphore(%dma_wait3A_1783 : memref<!tpu.dma_semaphore, #tpu.memory_space<semaphore_mem>>) src(%dma_wait3A_1791 : memref<512x2048xf32, #tpu.memory_space<vmem>>) dst(%dma_wait3A_1787 : memref<512x2048xf32, #tpu.memory_space<any>>)
    %dma_wait3A_1792 = arith.constant 6 : i32
    %dma_wait3A_1793 = arith.constant 3 : i32
    %dma_wait3A_1794 = arith.constant 6 : i32
    %dma_wait3A_1795 = tpu.memref_slice %arg5[%dma_wait3A_1794] : memref<8x!tpu.dma_semaphore, #tpu.memory_space<semaphore_mem>> -> memref<1x!tpu.dma_semaphore, #tpu.memory_space<semaphore_mem>>
    %dma_wait3A_1796 = tpu.memref_squeeze %dma_wait3A_1795 : memref<1x!tpu.dma_semaphore, #tpu.memory_space<semaphore_mem>> -> memref<!tpu.dma_semaphore, #tpu.memory_space<semaphore_mem>>
    %dma_wait3A_1797 = arith.constant 1088 : i32
    %dma_wait3A_1798 = arith.constant 0 : i32
    %dma_wait3A_1799 = tpu.memref_slice %arg2[%dma_wait3A_1793, %dma_wait3A_1797, %dma_wait3A_1798] : memref<4x4160x2048xf32, #tpu.memory_space<any>> -> memref<1x512x2048xf32, #tpu.memory_space<any>>
    %dma_wait3A_1800 = tpu.memref_squeeze %dma_wait3A_1799 : memref<1x512x2048xf32, #tpu.memory_space<any>> -> memref<512x2048xf32, #tpu.memory_space<any>>
    %dma_wait3A_1801 = arith.constant 0 : i32
    %dma_wait3A_1802 = arith.constant 0 : i32
    %dma_wait3A_1803 = tpu.memref_slice %arg3[%dma_wait3A_1792, %dma_wait3A_1801, %dma_wait3A_1802] : memref<8x512x2048xf32, #tpu.memory_space<vmem>> -> memref<1x512x2048xf32, #tpu.memory_space<vmem>>
    %dma_wait3A_1804 = tpu.memref_squeeze %dma_wait3A_1803 : memref<1x512x2048xf32, #tpu.memory_space<vmem>> -> memref<512x2048xf32, #tpu.memory_space<vmem>>
    tpu.wait_dma2 semaphore(%dma_wait3A_1796 : memref<!tpu.dma_semaphore, #tpu.memory_space<semaphore_mem>>) src(%dma_wait3A_1804 : memref<512x2048xf32, #tpu.memory_space<vmem>>) dst(%dma_wait3A_1800 : memref<512x2048xf32, #tpu.memory_space<any>>)
    %dma_wait3A_1805 = arith.constant 7 : i32
    %dma_wait3A_1806 = arith.constant 3 : i32
    %dma_wait3A_1807 = arith.constant 7 : i32
    %dma_wait3A_1808 = tpu.memref_slice %arg5[%dma_wait3A_1807] : memref<8x!tpu.dma_semaphore, #tpu.memory_space<semaphore_mem>> -> memref<1x!tpu.dma_semaphore, #tpu.memory_space<semaphore_mem>>
    %dma_wait3A_1809 = tpu.memref_squeeze %dma_wait3A_1808 : memref<1x!tpu.dma_semaphore, #tpu.memory_space<semaphore_mem>> -> memref<!tpu.dma_semaphore, #tpu.memory_space<semaphore_mem>>
    %dma_wait3A_1810 = arith.constant 1600 : i32
    %dma_wait3A_1811 = arith.constant 0 : i32
    %dma_wait3A_1812 = tpu.memref_slice %arg2[%dma_wait3A_1806, %dma_wait3A_1810, %dma_wait3A_1811] : memref<4x4160x2048xf32, #tpu.memory_space<any>> -> memref<1x512x2048xf32, #tpu.memory_space<any>>
    %dma_wait3A_1813 = tpu.memref_squeeze %dma_wait3A_1812 : memref<1x512x2048xf32, #tpu.memory_space<any>> -> memref<512x2048xf32, #tpu.memory_space<any>>
    %dma_wait3A_1814 = arith.constant 0 : i32
    %dma_wait3A_1815 = arith.constant 0 : i32
    %dma_wait3A_1816 = tpu.memref_slice %arg3[%dma_wait3A_1805, %dma_wait3A_1814, %dma_wait3A_1815] : memref<8x512x2048xf32, #tpu.memory_space<vmem>> -> memref<1x512x2048xf32, #tpu.memory_space<vmem>>
    %dma_wait3A_1817 = tpu.memref_squeeze %dma_wait3A_1816 : memref<1x512x2048xf32, #tpu.memory_space<vmem>> -> memref<512x2048xf32, #tpu.memory_space<vmem>>
    tpu.wait_dma2 semaphore(%dma_wait3A_1809 : memref<!tpu.dma_semaphore, #tpu.memory_space<semaphore_mem>>) src(%dma_wait3A_1817 : memref<512x2048xf32, #tpu.memory_space<vmem>>) dst(%dma_wait3A_1813 : memref<512x2048xf32, #tpu.memory_space<any>>)
    %dma_wait3A_1818 = arith.constant 0 : i32
    %dma_wait3A_1819 = arith.constant 3 : i32
    %dma_wait3A_1820 = arith.constant 0 : i32
    %dma_wait3A_1821 = tpu.memref_slice %arg5[%dma_wait3A_1820] : memref<8x!tpu.dma_semaphore, #tpu.memory_space<semaphore_mem>> -> memref<1x!tpu.dma_semaphore, #tpu.memory_space<semaphore_mem>>
    %dma_wait3A_1822 = tpu.memref_squeeze %dma_wait3A_1821 : memref<1x!tpu.dma_semaphore, #tpu.memory_space<semaphore_mem>> -> memref<!tpu.dma_semaphore, #tpu.memory_space<semaphore_mem>>
    %dma_wait3A_1823 = arith.constant 2112 : i32
    %dma_wait3A_1824 = arith.constant 0 : i32
    %dma_wait3A_1825 = tpu.memref_slice %arg2[%dma_wait3A_1819, %dma_wait3A_1823, %dma_wait3A_1824] : memref<4x4160x2048xf32, #tpu.memory_space<any>> -> memref<1x512x2048xf32, #tpu.memory_space<any>>
    %dma_wait3A_1826 = tpu.memref_squeeze %dma_wait3A_1825 : memref<1x512x2048xf32, #tpu.memory_space<any>> -> memref<512x2048xf32, #tpu.memory_space<any>>
    %dma_wait3A_1827 = arith.constant 0 : i32
    %dma_wait3A_1828 = arith.constant 0 : i32
    %dma_wait3A_1829 = tpu.memref_slice %arg3[%dma_wait3A_1818, %dma_wait3A_1827, %dma_wait3A_1828] : memref<8x512x2048xf32, #tpu.memory_space<vmem>> -> memref<1x512x2048xf32, #tpu.memory_space<vmem>>
    %dma_wait3A_1830 = tpu.memref_squeeze %dma_wait3A_1829 : memref<1x512x2048xf32, #tpu.memory_space<vmem>> -> memref<512x2048xf32, #tpu.memory_space<vmem>>
    tpu.wait_dma2 semaphore(%dma_wait3A_1822 : memref<!tpu.dma_semaphore, #tpu.memory_space<semaphore_mem>>) src(%dma_wait3A_1830 : memref<512x2048xf32, #tpu.memory_space<vmem>>) dst(%dma_wait3A_1826 : memref<512x2048xf32, #tpu.memory_space<any>>)
    %dma_wait3A_1831 = arith.constant 1 : i32
    %dma_wait3A_1832 = arith.constant 3 : i32
    %dma_wait3A_1833 = arith.constant 1 : i32
    %dma_wait3A_1834 = tpu.memref_slice %arg5[%dma_wait3A_1833] : memref<8x!tpu.dma_semaphore, #tpu.memory_space<semaphore_mem>> -> memref<1x!tpu.dma_semaphore, #tpu.memory_space<semaphore_mem>>
    %dma_wait3A_1835 = tpu.memref_squeeze %dma_wait3A_1834 : memref<1x!tpu.dma_semaphore, #tpu.memory_space<semaphore_mem>> -> memref<!tpu.dma_semaphore, #tpu.memory_space<semaphore_mem>>
    %dma_wait3A_1836 = arith.constant 2624 : i32
    %dma_wait3A_1837 = arith.constant 0 : i32
    %dma_wait3A_1838 = tpu.memref_slice %arg2[%dma_wait3A_1832, %dma_wait3A_1836, %dma_wait3A_1837] : memref<4x4160x2048xf32, #tpu.memory_space<any>> -> memref<1x512x2048xf32, #tpu.memory_space<any>>
    %dma_wait3A_1839 = tpu.memref_squeeze %dma_wait3A_1838 : memref<1x512x2048xf32, #tpu.memory_space<any>> -> memref<512x2048xf32, #tpu.memory_space<any>>
    %dma_wait3A_1840 = arith.constant 0 : i32
    %dma_wait3A_1841 = arith.constant 0 : i32
    %dma_wait3A_1842 = tpu.memref_slice %arg3[%dma_wait3A_1831, %dma_wait3A_1840, %dma_wait3A_1841] : memref<8x512x2048xf32, #tpu.memory_space<vmem>> -> memref<1x512x2048xf32, #tpu.memory_space<vmem>>
    %dma_wait3A_1843 = tpu.memref_squeeze %dma_wait3A_1842 : memref<1x512x2048xf32, #tpu.memory_space<vmem>> -> memref<512x2048xf32, #tpu.memory_space<vmem>>
    tpu.wait_dma2 semaphore(%dma_wait3A_1835 : memref<!tpu.dma_semaphore, #tpu.memory_space<semaphore_mem>>) src(%dma_wait3A_1843 : memref<512x2048xf32, #tpu.memory_space<vmem>>) dst(%dma_wait3A_1839 : memref<512x2048xf32, #tpu.memory_space<any>>)
    %dma_wait3A_1844 = arith.constant 2 : i32
    %dma_wait3A_1845 = arith.constant 3 : i32
    %dma_wait3A_1846 = arith.constant 2 : i32
    %dma_wait3A_1847 = tpu.memref_slice %arg5[%dma_wait3A_1846] : memref<8x!tpu.dma_semaphore, #tpu.memory_space<semaphore_mem>> -> memref<1x!tpu.dma_semaphore, #tpu.memory_space<semaphore_mem>>
    %dma_wait3A_1848 = tpu.memref_squeeze %dma_wait3A_1847 : memref<1x!tpu.dma_semaphore, #tpu.memory_space<semaphore_mem>> -> memref<!tpu.dma_semaphore, #tpu.memory_space<semaphore_mem>>
    %dma_wait3A_1849 = arith.constant 3136 : i32
    %dma_wait3A_1850 = arith.constant 0 : i32
    %dma_wait3A_1851 = tpu.memref_slice %arg2[%dma_wait3A_1845, %dma_wait3A_1849, %dma_wait3A_1850] : memref<4x4160x2048xf32, #tpu.memory_space<any>> -> memref<1x512x2048xf32, #tpu.memory_space<any>>
    %dma_wait3A_1852 = tpu.memref_squeeze %dma_wait3A_1851 : memref<1x512x2048xf32, #tpu.memory_space<any>> -> memref<512x2048xf32, #tpu.memory_space<any>>
    %dma_wait3A_1853 = arith.constant 0 : i32
    %dma_wait3A_1854 = arith.constant 0 : i32
    %dma_wait3A_1855 = tpu.memref_slice %arg3[%dma_wait3A_1844, %dma_wait3A_1853, %dma_wait3A_1854] : memref<8x512x2048xf32, #tpu.memory_space<vmem>> -> memref<1x512x2048xf32, #tpu.memory_space<vmem>>
    %dma_wait3A_1856 = tpu.memref_squeeze %dma_wait3A_1855 : memref<1x512x2048xf32, #tpu.memory_space<vmem>> -> memref<512x2048xf32, #tpu.memory_space<vmem>>
    tpu.wait_dma2 semaphore(%dma_wait3A_1848 : memref<!tpu.dma_semaphore, #tpu.memory_space<semaphore_mem>>) src(%dma_wait3A_1856 : memref<512x2048xf32, #tpu.memory_space<vmem>>) dst(%dma_wait3A_1852 : memref<512x2048xf32, #tpu.memory_space<any>>)
    %dma_wait3A_1857 = arith.constant 3 : i32
    %dma_wait3A_1858 = arith.constant 3 : i32
    %dma_wait3A_1859 = arith.constant 3 : i32
    %dma_wait3A_1860 = tpu.memref_slice %arg5[%dma_wait3A_1859] : memref<8x!tpu.dma_semaphore, #tpu.memory_space<semaphore_mem>> -> memref<1x!tpu.dma_semaphore, #tpu.memory_space<semaphore_mem>>
    %dma_wait3A_1861 = tpu.memref_squeeze %dma_wait3A_1860 : memref<1x!tpu.dma_semaphore, #tpu.memory_space<semaphore_mem>> -> memref<!tpu.dma_semaphore, #tpu.memory_space<semaphore_mem>>
    %dma_wait3A_1862 = arith.constant 3648 : i32
    %dma_wait3A_1863 = arith.constant 0 : i32
    %dma_wait3A_1864 = tpu.memref_slice %arg2[%dma_wait3A_1858, %dma_wait3A_1862, %dma_wait3A_1863] : memref<4x4160x2048xf32, #tpu.memory_space<any>> -> memref<1x512x2048xf32, #tpu.memory_space<any>>
    %dma_wait3A_1865 = tpu.memref_squeeze %dma_wait3A_1864 : memref<1x512x2048xf32, #tpu.memory_space<any>> -> memref<512x2048xf32, #tpu.memory_space<any>>
    %dma_wait3A_1866 = arith.constant 0 : i32
    %dma_wait3A_1867 = arith.constant 0 : i32
    %dma_wait3A_1868 = tpu.memref_slice %arg3[%dma_wait3A_1857, %dma_wait3A_1866, %dma_wait3A_1867] : memref<8x512x2048xf32, #tpu.memory_space<vmem>> -> memref<1x512x2048xf32, #tpu.memory_space<vmem>>
    %dma_wait3A_1869 = tpu.memref_squeeze %dma_wait3A_1868 : memref<1x512x2048xf32, #tpu.memory_space<vmem>> -> memref<512x2048xf32, #tpu.memory_space<vmem>>
    tpu.wait_dma2 semaphore(%dma_wait3A_1861 : memref<!tpu.dma_semaphore, #tpu.memory_space<semaphore_mem>>) src(%dma_wait3A_1869 : memref<512x2048xf32, #tpu.memory_space<vmem>>) dst(%dma_wait3A_1865 : memref<512x2048xf32, #tpu.memory_space<any>>)
    return
  }
}

</mosaic_0001>

<sc_bundles>
// kernel: _inject.4.cloned.1.call-start
scs
__scs_entry_jumppad:
0x0: {  	(pc) =	sbr.rel $0x88, $3  }
0x1: {  	(tag) =	ssettag $0x0;
	lr =	simm.s32 $0x1  }
0x2: {  	[smem:$0x3F9D] =	sst lr;
	_ =	strace $0xD0000000  }
0x3: {  	_ = 	snop  }
0x4: {  	_ = 	snop  }
0x5: {  	_ = 	snop  }
0x6: {  	_ = 	snop  }
0x7: {  	_ = 	snop  }
__scs_overlays_trampoline_lowered:
0x8: {  	[smem:$0x3FAC] =	sst s0  }
0x9: {  	[smem:$0x3FAD] =	sst s1  }
0xa: {  	[smem:$0x3FAE] =	sst s2  }
0xb: {  	[smem:$0x3FAF] =	sst s3  }
0xc: {  	[smem:$0x3FB0] =	sst s4  }
0xd: {  	[smem:$0x3FB1] =	sst s5  }
0xe: {  	[smem:$0x3FB2] =	sst s6  }
0xf: {  	[smem:$0x3FB3] =	sst s7  }
0x10: {  	[smem:$0x3FB4] =	sst s8  }
0x11: {  	[smem:$0x3FB5] =	sst s9;
	s0 =	simm.s32 @!p0 $0x0  }
0x12: {  	s1 =	sld [smem:$0x3F9B];
	s0 =	simm.s32 @p0 $0x1  }
0x13: {  	[smem:$0x3FB6] =	sst s0;
	s0 =	simm.s32 @!p1 $0x0  }
0x14: {  	s2 =	sld [smem:$0x3F9A];
	s0 =	simm.s32 @p1 $0x1  }
0x15: {  	[smem:$0x3FB7] =	sst s0;
	s0 =	simm.s32 @!p2 $0x0  }
0x16: {  	s3 =	sld [smem:$0x3FDB];
	s0 =	simm.s32 @p2 $0x1  }
0x17: {  	s4 =	simm.s32 $0x1BF5;
	[smem:$0x3FB9] =	sst s0  }
0x18: {  	s0 =	sld [smem:$0x3F9C];
	_ =	swait.ge [sflag:s4], $0x0  }
0x19: {  	s7 =	sld [smem:$0x3F9D]  }
0x1a: {  	s8 =	sadd.s32 $0xFFFFE003, lr  }
0x1b: {  	s9 =	sadd.s32 $0xFFFFFEF7, lr;
	s5 =	simm.s32 $0xFFFFFFFF;
	p2 =	slt.u32 s8, $0xFFFFF086  }
0x1c: {  	p1 =	slt.u32 s9, $0xF7A;
	s5 =	simm.s32 @!p2 $0x0  }
0x1d: {  	s5 =	simm.s32 @p1 $0x1;
	p0 =	seq.s32 s7, s2  }
0x1e: {  	s7 =	smul.u32 @!p0 $0xF7A, s2;
	p2 =	seq.s32 @!p0 s5, $0x0  }
0x1f: {  	s9 =	smul.u32 $0xF7A, s1;
	s8 =	simm.s32 @!p0 $0x1BF5;
	p2 =	por !p2, p0  }
0x20: {  	[sflag:s8] =	ssyncset.s32 @!p0 $0xFFFFF086;
	s6 =	sadd.s32 @!p0 s3, s7;
	s7 =	simm.s32 @!p0 $0x108  }
0x21: {  	s3 =	sadd.s32 s3, s9;
	s6 =	sadd.s32 @!p0 $0x88, s6;
	s7 =	simm.s32 @p2 $0x1082  }
0x22: {  	[simem:s7], [sflag:s8] =	dma.local @!p0 [hbm:s6], $0xF7A  }
0x23: {  	s9 =	sor.u32 $0xD0000000, s2;
	s6 =	simm.s32 $0x108;
	_ =	swait.ge @!p0 [sflag:s8], $0x0  }
0x24: {  	s3 =	sadd.s32 $0x88, s3;
	s6 =	simm.s32 @!p1 $0x1082;
	[sflag:s4] =	ssyncset.s32 $0xFFFFF086  }
0x25: {  	[simem:s6], [sflag:s4] =	dma.local [hbm:s3], $0xF7A  }
0x26: {  	[smem:$0x3F9D] =	sst s1;
	(tag) =	ssettag s2;
	_ =	strace s9  }
0x27: {  	s1 =	sld [smem:$0x3FAD]  }
0x28: {  	s2 =	sld [smem:$0x3FAE]  }
0x29: {  	s4 =	sld [smem:$0x3FB0]  }
0x2a: {  	p0 =	seq.s32 s5, $0x0;
	s5 =	sld [smem:$0x3FB1]  }
0x2b: {  	s6 =	sld [smem:$0x3FB2]  }
0x2c: {  	s7 =	sld [smem:$0x3FB3]  }
0x2d: {  	s3 =	simm.s32 $0x108;
	s8 =	sld [smem:$0x3FB4]  }
0x2e: {  	s3 =	simm.s32 @!p0 $0x1082;
	s9 =	sld [smem:$0x3FB5]  }
0x2f: {  	lr =	sadd.s32 s0, s3;
	s0 =	sld [smem:$0x3FAC]  }
0x30: {  	s3 =	sld [smem:$0x3FAF]  }
0x31: {  	[smem:$0x3FB8] =	sst s10  }
0x32: {  	s10 =	sld [smem:$0x3FB6];
	_ =	sdelay $0x3  }
0x33: {  	p0 =	seq.s32 s10, $0x1;
	s10 =	sld [smem:$0x3FB8];
	_ =	sdelay $0x3  }
0x34: {  	[smem:$0x3FB8] =	sst s10  }
0x35: {  	s10 =	sld [smem:$0x3FB7];
	_ =	sdelay $0x3  }
0x36: {  	p1 =	seq.s32 s10, $0x1;
	s10 =	sld [smem:$0x3FB8];
	_ =	sdelay $0x3  }
0x37: {  	[smem:$0x3FB8] =	sst s10  }
0x38: {  	s10 =	sld [smem:$0x3FB9]  }
0x39: {  	_ = 	snop;
	(pc) =	sbr.ind lr, $3  }
0x3a: {  	_ = 	snop  }
0x3b: {  	_ = 	snop  }
0x3c: {  	p2 =	seq.s32 s10, $0x1;
	s10 =	sld [smem:$0x3FB8]  }
0x3d: {  	_ =	shalt  }
0x3e: {  	_ =	shalt  }
0x3f: {  	_ =	shalt  }
0x40: {  	_ =	shalt  }
0x41: {  	_ =	shalt  }
0x42: {  	_ =	shalt  }
0x43: {  	_ =	shalt  }
0x44: {  	_ =	shalt  }
0x45: {  	_ =	shalt  }
0x46: {  	_ =	shalt  }
0x47: {  	_ =	shalt  }
0x48: {  	_ =	shalt  }
0x49: {  	_ =	shalt  }
0x4a: {  	_ =	shalt  }
0x4b: {  	_ =	shalt  }
0x4c: {  	_ =	shalt  }
0x4d: {  	_ =	shalt  }
0x4e: {  	_ =	shalt  }
0x4f: {  	_ =	shalt  }
0x50: {  	_ =	shalt  }
0x51: {  	_ =	shalt  }
0x52: {  	_ =	shalt  }
0x53: {  	_ =	shalt  }
0x54: {  	_ =	shalt  }
0x55: {  	_ =	shalt  }
0x56: {  	_ =	shalt  }
0x57: {  	_ =	shalt  }
0x58: {  	_ =	shalt  }
0x59: {  	_ =	shalt  }
0x5a: {  	_ =	shalt  }
0x5b: {  	_ =	shalt  }
0x5c: {  	_ =	shalt  }
0x5d: {  	_ =	shalt  }
0x5e: {  	_ =	shalt  }
0x5f: {  	_ =	shalt  }
0x60: {  	_ =	shalt  }
0x61: {  	_ =	shalt  }
0x62: {  	_ =	shalt  }
0x63: {  	_ =	shalt  }
0x64: {  	_ =	shalt  }
0x65: {  	_ =	shalt  }
0x66: {  	_ =	shalt  }
0x67: {  	_ =	shalt  }
0x68: {  	_ =	shalt  }
0x69: {  	_ =	shalt  }
0x6a: {  	_ =	shalt  }
0x6b: {  	_ =	shalt  }
0x6c: {  	_ =	shalt  }
0x6d: {  	_ =	shalt  }
0x6e: {  	_ =	shalt  }
0x6f: {  	_ =	shalt  }
0x70: {  	_ =	shalt  }
0x71: {  	_ =	shalt  }
0x72: {  	_ =	shalt  }
0x73: {  	_ =	shalt  }
0x74: {  	_ =	shalt  }
0x75: {  	_ =	shalt  }
0x76: {  	_ =	shalt  }
0x77: {  	_ =	shalt  }
0x78: {  	_ =	shalt  }
0x79: {  	_ =	shalt  }
0x7a: {  	_ =	shalt  }
0x7b: {  	_ =	shalt  }
0x7c: {  	_ =	shalt  }
0x7d: {  	_ =	shalt  }
0x7e: {  	_ =	shalt  }
0x7f: {  	_ =	shalt  }
0x80: {  	_ =	shalt  }
0x81: {  	_ =	shalt  }
0x82: {  	_ =	shalt  }
0x83: {  	_ =	shalt  }
0x84: {  	_ =	shalt  }
0x85: {  	_ =	shalt  }
0x86: {  	_ =	shalt  }
0x87: {  	_ =	shalt  }
.Lfunc_end0:
.L_simem_size_0:
called_computation_lowered:
.L_overlay_start_0:
0x88: {  	s2 =	sld [smem:$0x3FD9]  }
0x89: {  	s3 =	sld [smem:$0x3FFE];
	_ =	sdelay $0x1  }
0x8a: {  	s1 =	srdreg.scid  }
0x8b: {  	s0 =	sand.u32 $0x1, s1  }
0x8c: {  	s14 =	sshll.u32 s0, $0xA;
	s2 =	sadd.s32 s3, s2  }
0x8d: {  	s2 =	sadd.s32 s2, s14  }
0x8e: {  	[smem:$0x3FC4] =	sst s2  }
0x8f: {  	_ = 	snop  }
0x90: {  	s2 =	sld [smem:$0x3FD0];
	_ =	sdelay $0x2  }
0x91: {  	s15 =	simm.s32 $0xA;
	s4 =	simm.s32 $0x10  }
0x92: {  	[smem:s4], [sflag:s15] =	dma.local [hbm:s2], $0x1  }
0x93: {  	_ =	swait.eq [sflag:s15], $0x1  }
0x94: {  	[sflag:s15] =	ssyncset.done $0x0  }
0x95: {  	s16 =	sld [smem:$0x11];
	[sflag:s15] =	ssyncadd.s32 $0xFFFFFFFF  }
0x96: {  	s17 =	sld [smem:$0x12];
	(tm) =	ssettm $0x1  }
0x97: {  	s18 =	sld [smem:$0x3FFB];
	_ =	sdelay $0x3  }
0x98: {  	_ =	strace s18  }
0x99: {  	s4 =	sld [smem:$0x3FFC];
	_ =	sdelay $0x3  }
0x9a: {  	_ =	strace s4  }
0x9b: {  	s4 =	sld [smem:$0x3FFD];
	_ =	sdelay $0x3  }
0x9c: {  	_ =	strace s4  }
0x9d: {  	_ =	strace $0x8FFFFFFF  }
0x9e: {  	s19 =	sld [smem:$0x3FDB];
	_ =	sdelay $0x1  }
0x9f: {  	s5 =	simm.s32 $_scs_section_size  }
0xa0: {  	s6 =	simm.s32 $_size__tile_overlayer_lowered;
	s7 =	simm.s32 $_tile_overlayer_lowered  }
0xa1: {  	s22 =	simm.s32 $0x1BFF;
	s21 =	sshll.u32 s7, $0x1;
	s4 =	sadd.s32 s5, s19  }
0xa2: {  	s8 =	simm.s32 $0x0;
	s20 =	sshll.u32 s6, $0x1;
	s6 =	sadd.s32 s21, s4  }
0xa3: {  	[timem:s8], [sflag:s22] =	dma.local [hbm:s6], s20  }
0xa4: {  	_ =	swait.ge [sflag:s22], s20  }
0xa5: {  	s5 =	ssub.s32 $0x0, s20;
	[sflag:s22] =	ssyncset.done $0x0  }
0xa6: {  	[sflag:s22] =	ssyncadd.s32 s5;
	_ =	sdelay $0x1  }
0xa7: {  	s23 =	simm.s32 $0x1B8B  }
0xa8: {  	_ =	swait.ge [sflag:s23], $0x1  }
0xa9: {  	[sflag:s23] =	ssyncset.done $0x0  }
0xaa: {  	s25 =	simm.s32 $0x1B8E;
	s24 =	sld [smem:$0x3FFE];
	[sflag:s23] =	ssyncadd.s32 $0xFFFFFFFF  }
0xab: {  	s26 =	simm.s32 $execute0_lowered;
	[smem:$0x3FD2] =	sst s25  }
0xac: {  	s6 =	sshll.u32 s26, $0x1;
	_ =	strace $0x80000046;
	[dreg:$0x1] =	wrdreg $0xFFFFFFFF  }
0xad: {  	s28 =	simm.s32 $_size_execute0_lowered;
	s4 =	sadd.s32 s4, s6;
	[dreg:$0x0] =	wrdreg $0x0  }
0xae: {  	s6 =	sshll.u32 s28, $0x1;
	[dreg:$0x2] =	wrdreg s4  }
0xaf: {  	[dreg:$0x3] =	wrdreg s6  }
0xb0: {  	[dreg:$0x4] =	wrdreg $0xC0  }
0xb1: {  	_ =	task [dreg:s8], $0x5FFFF  }
0xb2: {  	[dreg:$0x1] =	wrdreg $0xFFFFFFFF  }
0xb3: {  	[dreg:$0x0] =	wrdreg $0x60  }
0xb4: {  	[dreg:$0x2] =	wrdreg s17  }
0xb5: {  	[dreg:$0x3] =	wrdreg s16  }
0xb6: {  	[dreg:$0x4] =	wrdreg s24  }
0xb7: {  	[dreg:$0x5] =	wrdreg $0x9  }
0xb8: {  	_ =	task.clear_ibuf [dreg:s8], $0x6FFFF;
	_ =	strace $0x90000046  }
0xb9: {  	s29 =	simm.s32 $0x9;
	_ =	strace $0x80000048  }
0xba: {  	_ =	swait.ge [sflag:s29], $0x1  }
0xbb: {  	[sflag:s29] =	ssyncadd.s32 $0xFFFFFFFF  }
0xbc: {  	_ =	strace $0x90000048  }
0xbd: {  	_ =	sfence  }
0xbe: {  	s30 =	sld [smem:$0x0];
	_ =	sdelay $0x2  }
0xbf: {  	s31 =	sshll.u32 s1, $0xD;
	s1 =	sshrl.u32 s1, $0x2  }
0xc0: {  	s3 =	sand.u32 $0x4000, s31;
	s1 =	sadd.s32 s1, s30  }
0xc1: {  	s0 =	sor.u32 s3, s0;
	s1 =	sshll.u32 s1, $0x11  }
0xc2: {  	s0 =	sor.u32 s1, s0  }
0xc3: {  	s0 =	sadd.s32 $0x8F2B, s0  }
0xc4: {  	[sflag:s0] =	ssyncadd.remote.s32 $0x1  }
0xc5: {  	_ =	sfence.sel $0xFFFF  }
0xc6: {  	[dreg:$0x0] =	wrdreg $0xFFFFFFFF;
	(pc) =	sbr.abs _section_cstart, $3  }
0xc7: {  	[dreg:$0x1] =	wrdreg $0xFFFFFFFF  }
0xc8: {  	_ =	task.clear_ibuf [dreg:s8], $0x2FFFF;
	_ =	strace $0x9FFFFFFF  }
0xc9: {  	(tm) =	ssettm $0x7FFFFFFF  }
tec
execute0_lowered:
.L_overlay_start_1:
0x0: {  	(tag) =	ssettag $0x1  }
0x1: {  	s0 =	srdreg.scid  }
0x2: {  	s11 =	sand.u32 $0x1, s0  }
0x3: {  	s1 =	stileid.u32;
	s3 =	sshll.u32 s11, $0x4  }
0x4: {  	s3 =	sor.u32 s1, s3  }
0x5: {  	p0 =	sgt.u32 s3, $0x3  }
.Ltmp0:
0x6: {  	s8 =	rddreg [dreg:$0x0];
	(pc) =	sbr.rel @p0 .LBB2_4-.Ltmp0, $4  }
0x7: {  	s10 =	rddreg [dreg:$0x1]  }
0x8: {  	s6 =	rddreg [dreg:$0x2];
	s2 =	simm.s32 $0x0  }
0x9: {  	[smem:$0x7FF] =	sst s2  }
0xa: {  	s0 =	rddreg [dreg:$0x3];
	_ =	strace $0x80000047  }
0xb: {  	v0 =	vimm.s32 $0x1  }
0xc: {  	v1 =	vimm.s32 $0xFFFFFF9C;
	[tilespmem:$0x2010] =	vst v0  }
0xd: {  	[tilespmem:$0x2090] =	vst v1  }
0xe: {  	[tilespmem:$0x2020] =	vst v0  }
0xf: {  	[tilespmem:$0x2000] =	vst v0  }
0x10: {  	s3 =	smul.u32 $0x1040, s3;
	[tilespmem:$0x20B0] =	vst v1  }
0x11: {  	[tilespmem:$0x2030] =	vst v0  }
0x12: {  	s9 =	sadd.s32 $0xA00, s6;
	[tilespmem:$0x20A0] =	vst v1;
	s12 =	sshrl.u32 s3, $0x3  }
0x13: {  	s5 =	simm.s32 $0x2000;
	s4 =	simm.s32 $0x1;
	[tilespmem:$0x2080] =	vst v1;
	s3 =	sadd.s32 s9, s12  }
0x14: {  	[hbm4b:s3+s2] =	stream.linear.scatter [tilespmem:s5], [sflag:$0x1], $0x40, $0x38;
	[tilespmem:$0x2100] =	vst v63  }
0x15: {  	_ =	swait.ge [sflag:s4], $0x40  }
0x16: {  	s13 =	sadd.s32 $0x1400, s6;
	[sflag:s4] =	ssyncset.done $0x0  }
0x17: {  	s7 =	simm.s32 $0x2080;
	s6 =	sadd.s32 s13, s12;
	[sflag:s4] =	ssyncadd.s32 $0xFFFFFFC0  }
0x18: {  	[hbm4b:s6+s2] =	stream.linear.scatter [tilespmem:s7], [sflag:$0x1], $0x40, $0x38;
	[tilespmem:$0x2100] =	vst v63  }
0x19: {  	_ =	swait.ge [sflag:s4], $0x40  }
0x1a: {  	s14 =	sshll.u32 s1, $0x9;
	[sflag:s4] =	ssyncset.done $0x0  }
0x1b: {  	s8 =	sadd.s32 s8, s14;
	[sflag:s4] =	ssyncadd.s32 $0xFFFFFFC0  }
0x1c: {  	[tilespmem:s2], [sflag:$0x1] =	stream.linear.gather [hbm4b:s8+s2], $0x1000, $0x38;
	[tilespmem:$0x2100] =	vst v63  }
0x1d: {  	_ =	swait.ge [sflag:s4], $0x1000  }
0x1e: {  	s12 =	sadd.s32 $0x8, s12;
	[sflag:s4] =	ssyncset.done $0x0  }
0x1f: {  	s30 =	ssub.s32 $0x2, s11;
	s9 =	sadd.s32 s9, s12;
	[sflag:s4] =	ssyncadd.s32 $0xFFFFF000  }
0x20: {  	[hbm4b:s9+s2] =	stream.linear.scatter [tilespmem:s2], [sflag:$0x1], $0x1000, $0x38;
	[tilespmem:$0x2100] =	vst v63  }
0x21: {  	s15 =	sshrl.u32 s30, $0x1;
	_ =	swait.ge [sflag:s4], $0x1000  }
0x22: {  	s10 =	sadd.s32 s10, s14;
	s14 =	ssub.s32 s30, s15;
	[sflag:s4] =	ssyncset.done $0x0  }
0x23: {  	s11 =	simm.s32 $0x1000;
	s31 =	smax.u32 s14, $0x1;
	[sflag:s4] =	ssyncadd.s32 $0xFFFFF000  }
0x24: {  	[tilespmem:s11], [sflag:$0x1] =	stream.linear.gather [hbm4b:s10+s2], $0x1000, $0x38;
	[tilespmem:$0x2100] =	vst v63  }
0x25: {  	p0 =	sne.s32 s31, $0x1;
	_ =	swait.ge [sflag:s4], $0x1000  }
.Ltmp1:
0x26: {  	[sflag:s4] =	ssyncset.done $0x0;
	(pc) =	sbr.rel @!p0 .LBB2_3-.Ltmp1, $4  }
0x27: {  	s12 =	sadd.s32 s13, s12;
	[sflag:s4] =	ssyncadd.s32 $0xFFFFF000  }
0x28: {  	[hbm4b:s12+s2] =	stream.linear.scatter [tilespmem:s11], [sflag:$0x1], $0x1000, $0x38;
	[tilespmem:$0x2100] =	vst v63  }
0x29: {  	_ =	swait.ge [sflag:s4], $0x1000  }
0x2a: {  	s13 =	sadd.s32 $0xFFFFFFFF, s31;
	[sflag:s4] =	ssyncset.done $0x0  }
.LBB2_2:
0x2b: {  	p0 =	sne.s32 s13, $0x1;
	s13 =	sadd.s32 $0xFFFFFFFF, s13;
	[sflag:s4] =	ssyncadd.s32 $0xFFFFF000  }
0x2c: {  	[tilespmem:$0x2010] =	vst v0  }
0x2d: {  	[tilespmem:$0x2090] =	vst v1  }
0x2e: {  	[tilespmem:$0x2020] =	vst v0  }
0x2f: {  	[tilespmem:$0x2000] =	vst v0  }
0x30: {  	[tilespmem:$0x20B0] =	vst v1  }
0x31: {  	[tilespmem:$0x2030] =	vst v0  }
0x32: {  	[tilespmem:$0x20A0] =	vst v1  }
0x33: {  	[tilespmem:$0x2080] =	vst v1  }
0x34: {  	[hbm4b:s3+s2] =	stream.linear.scatter [tilespmem:s5], [sflag:$0x1], $0x40, $0x38;
	[tilespmem:$0x2100] =	vst v63  }
0x35: {  	_ =	swait.ge [sflag:s4], $0x40  }
0x36: {  	[sflag:s4] =	ssyncset.done $0x0  }
0x37: {  	[sflag:s4] =	ssyncadd.s32 $0xFFFFFFC0  }
0x38: {  	[hbm4b:s6+s2] =	stream.linear.scatter [tilespmem:s7], [sflag:$0x1], $0x40, $0x38;
	[tilespmem:$0x2100] =	vst v63  }
0x39: {  	_ =	swait.ge [sflag:s4], $0x40  }
0x3a: {  	[sflag:s4] =	ssyncset.done $0x0  }
0x3b: {  	[sflag:s4] =	ssyncadd.s32 $0xFFFFFFC0  }
0x3c: {  	[tilespmem:s2], [sflag:$0x1] =	stream.linear.gather [hbm4b:s8+s2], $0x1000, $0x38;
	[tilespmem:$0x2100] =	vst v63  }
0x3d: {  	_ =	swait.ge [sflag:s4], $0x1000  }
0x3e: {  	[sflag:s4] =	ssyncset.done $0x0  }
0x3f: {  	[sflag:s4] =	ssyncadd.s32 $0xFFFFF000  }
0x40: {  	[hbm4b:s9+s2] =	stream.linear.scatter [tilespmem:s2], [sflag:$0x1], $0x1000, $0x38;
	[tilespmem:$0x2100] =	vst v63  }
0x41: {  	_ =	swait.ge [sflag:s4], $0x1000  }
0x42: {  	[sflag:s4] =	ssyncset.done $0x0  }
0x43: {  	[sflag:s4] =	ssyncadd.s32 $0xFFFFF000  }
0x44: {  	[tilespmem:s11], [sflag:$0x1] =	stream.linear.gather [hbm4b:s10+s2], $0x1000, $0x38;
	[tilespmem:$0x2100] =	vst v63  }
0x45: {  	_ =	swait.ge [sflag:s4], $0x1000  }
.Ltmp2:
0x46: {  	[sflag:s4] =	ssyncset.done $0x0;
	(pc) =	sbr.rel @p0 .LBB2_2-.Ltmp2, $4  }
0x47: {  	[sflag:s4] =	ssyncadd.s32 $0xFFFFF000  }
0x48: {  	[hbm4b:s12+s2] =	stream.linear.scatter [tilespmem:s11], [sflag:$0x1], $0x1000, $0x38;
	[tilespmem:$0x2100] =	vst v63  }
0x49: {  	_ =	swait.ge [sflag:s4], $0x1000  }
0x4a: {  	[sflag:s4] =	ssyncset.done $0x0  }
.LBB2_3:
0x4b: {  	[sflag:s4] =	ssyncadd.s32 $0xFFFFF000  }
.LBB2_4:
0x4c: {  	_ =	sfence.sel $0x180000  }
0x4d: {  	[bflag:$0x0] =	sbarrier.arrive $0xFFFF  }
0x4e: {  	p0 =	sne.s32 s1, $0x0;
	_ =	strace $0x90000047  }
0x4f: {  	s0 =	sadd.s32 @!p0 $0x100000, s0;
	[bflag:$0x2] =	sbarrier.arrive $0xFFFF  }
0x50: {  	[sflag:s0] =	ssyncadd.tile.s32 @!p0 $0x1;
	_ =	shalt  }
.Lfunc_end2:
_tile_overlayer_lowered:
.L_overlay_start_2:
0x51: {  	(tag) =	ssettag $0x2  }
0x52: {  	s0 =	rddreg [dreg:$0x0];
	s2 =	stileid.u32  }
0x53: {  	s1 =	rddreg [dreg:$0x1];
	p0 =	sne.s32 s2, $0x0  }
0x54: {  	s3 =	rddreg [dreg:$0x2];
	[bflag:$0x3] =	sbarrier.arrive $0xFFFF;
	s2 =	simm.s32 @!p0 $0x1C01  }
0x55: {  	[timem:s3], [sflag:s2] =	dma.local @!p0 [hbm:s0], s1  }
0x56: {  	s0 =	simm.s32 @!p0 $0x1  }
0x57: {  	_ =	swait.ge @!p0 [sflag:s0], s1  }
0x58: {  	s1 =	ssub.s32 @!p0 $0x0, s1;
	[sflag:s0] =	ssyncset.done @!p0 $0x0  }
0x59: {  	[sflag:s0] =	ssyncadd.s32 @!p0 s1  }
0x5a: {  	[bflag:$0x3] =	sbarrier.arrive $0xFFFF  }
0x5b: {  	_ =	shalt  }

</sc_bundles>
